<compile_context>
chip_gen: v7x
topology: tpu7x:2x2x1
jax: 0.10.2.dev20260603
libtpu: 0.0.44.dev20260713+nightly
codegen_flags: <defaults>
</compile_context>

<pallas_src>
import functools

import jax
import jax.numpy as jnp
from jax import lax
from jax.experimental import pallas as pl
from jax.experimental.pallas import tpu as pltpu
from jax.experimental.pallas import tpu_sc as plsc

VOCAB = 100000
L = 200
D = 128
B = 4096

NC, NS = 2, 16
NW = NC * NS
SEQ_PER_W = B // NW
CHUNKS = ((0, 128), (128, 72))
NBUF = 3


def _body(tok_hbm, x_hbm, pos_hbm, out_hbm,
          idx_v, pos_v, rows0, rows1, rows2,
          gsem0, gsem1, gsem2, ssem0, ssem1, ssem2):
    wid = lax.axis_index("s") * NC + lax.axis_index("c")
    rows = (rows0, rows1, rows2)
    gsem = (gsem0, gsem1, gsem2)
    ssem = (ssem0, ssem1, ssem2)
    pltpu.sync_copy(pos_hbm, pos_v)
    nidx = SEQ_PER_W * L
    pltpu.sync_copy(x_hbm.at[pl.ds(wid * nidx, nidx)], idx_v)

    def gather_descs(s, b):
        return [
            pltpu.make_async_copy(
                tok_hbm.at[idx_v.at[pl.ds(s * L + off, ln)]],
                rows[b].at[pl.ds(off, ln)],
                gsem[b],
            )
            for off, ln in CHUNKS
        ]

    def fire(s, b):
        for cp in gather_descs(s, b):
            cp.start()

    def drain_gather(s, b):
        for cp in gather_descs(s, b):
            cp.wait()

    def drain_store(b):
        pltpu.make_async_copy(rows[b], out_hbm.at[pl.ds(0, L)], ssem[b]).wait()

    def add_and_store(s, b):
        def add_body(g4, c2):
            for u in range(4):
                r = 4 * g4 + u
                for j in range(D // 16):
                    sl = pl.ds(j * 16, 16)
                    plsc.addupdate(rows[b].at[r, sl], pos_v[r, sl])
            return c2

        lax.fori_loop(0, L // 4, add_body, 0)
        base = (wid * SEQ_PER_W + s) * L
        pltpu.async_copy(rows[b], out_hbm.at[pl.ds(base, L)], ssem[b])

    fire(0, 0)
    fire(1, 1)
    drain_gather(0, 0)
    add_and_store(0, 0)
    fire(2, 2)
    drain_gather(1, 1)
    add_and_store(1, 1)

    def tri_body(g, carry):
        for u in range(3):
            s = 3 * g + 2 + u
            b = (2 + u) % NBUF
            nb = (b + 1) % NBUF
            drain_store(nb)

            @pl.when(s + 1 < SEQ_PER_W)
            def _():
                fire(s + 1, nb)

            drain_gather(s, b)
            add_and_store(s, b)
        return carry

    lax.fori_loop(0, (SEQ_PER_W - 2) // NBUF, tri_body, 0)
    drain_store(0)
    drain_store(1)


def kernel(x, token_table, pos_table):
    x = x.astype(jnp.int32)
    mesh = plsc.VectorSubcoreMesh(core_axis_name="c", subcore_axis_name="s")
    run = functools.partial(
        pl.kernel,
        mesh=mesh,
        out_type=jax.ShapeDtypeStruct((B * L, D), jnp.float32),
        scratch_types=[
            pltpu.VMEM((SEQ_PER_W * L,), jnp.int32),
            pltpu.VMEM((L, D), jnp.float32),
            pltpu.VMEM((L, D), jnp.float32),
            pltpu.VMEM((L, D), jnp.float32),
            pltpu.VMEM((L, D), jnp.float32),
            pltpu.SemaphoreType.DMA,
            pltpu.SemaphoreType.DMA,
            pltpu.SemaphoreType.DMA,
            pltpu.SemaphoreType.DMA,
            pltpu.SemaphoreType.DMA,
            pltpu.SemaphoreType.DMA,
        ],
    )(_body)
    out = run(token_table, x.reshape(B * L), pos_table)
    return out.reshape(B, L, D)

# --- scband reference (transcript-rebuilt; emitter-appended) ---
"""Pipeline reference for scband-token-postion-embedding-10462540333486 (READ-ONLY COPY).

The authoritative reference and input builder live on the scoring server;
editing this copy changes nothing except your own understanding.
"""

import jax, jax.numpy as jnp
import numpy as np

VOCAB = 100000
MAXLEN = 200
EMBED_DIM = 128
BATCH = 4096

def setup_inputs(seed: int = 0) -> dict:
    key = jax.random.key(seed)
    k1, k2, k3 = jax.random.split(key, 3)
    x = jax.random.randint(k1, (BATCH, MAXLEN), 0, VOCAB, dtype=jnp.int64 if jax.config.jax_enable_x64 else jnp.int32)
    token_table = jax.random.normal(k2, (VOCAB, EMBED_DIM), dtype=jnp.float32) * 0.02
    pos_table = jax.random.normal(k3, (MAXLEN, EMBED_DIM), dtype=jnp.float32) * 0.02
    return {"x": x, "token_table": token_table, "pos_table": pos_table}

def reference(x, token_table, pos_table):
    seq_len = x.shape[-1]
    positions = jnp.arange(seq_len)
    pos_emb = jnp.take(pos_table, positions, axis=0)  # [maxLen, D]
    tok_emb = jnp.take(token_table, x, axis=0)        # [B, maxLen, D]
    return tok_emb + pos_emb[None, :, :]

if __name__ == "__main__":
    import jax
    _d = setup_inputs()
    print(jax.jit(kernel)(*tuple(_d.values())))

</pallas_src>

<mosaic_0001>
#map = affine_map<(d0, d1) -> (0, 0)>
#map1 = affine_map<(d0, d1) -> (0)>
module attributes {stable_mosaic.version = 14 : i64} {
  func.func @_body(%arg0: i32, %arg1: i32, %arg2: memref<100000x128xf32, #tpu.memory_space<hbm>>, %arg3: memref<819200xi32, #tpu.memory_space<hbm>>, %arg4: memref<200x128xf32, #tpu.memory_space<hbm>>, %arg5: memref<819200x128xf32, #tpu.memory_space<hbm>>, %arg6: memref<25600xi32, #tpu.memory_space<vmem>>, %arg7: memref<200x128xf32, #tpu.memory_space<vmem>>, %arg8: memref<200x128xf32, #tpu.memory_space<vmem>>, %arg9: memref<200x128xf32, #tpu.memory_space<vmem>>, %arg10: memref<200x128xf32, #tpu.memory_space<vmem>>, %arg11: memref<!tpu.dma_semaphore, #tpu.memory_space<semaphore_mem>>, %arg12: memref<!tpu.dma_semaphore, #tpu.memory_space<semaphore_mem>>, %arg13: memref<!tpu.dma_semaphore, #tpu.memory_space<semaphore_mem>>, %arg14: memref<!tpu.dma_semaphore, #tpu.memory_space<semaphore_mem>>, %arg15: memref<!tpu.dma_semaphore, #tpu.memory_space<semaphore_mem>>, %arg16: memref<!tpu.dma_semaphore, #tpu.memory_space<semaphore_mem>>) attributes {dimension_semantics = [#tpu.dimension_semantics<core_parallel>, #tpu.dimension_semantics<subcore_parallel>], iteration_bounds = array<i64: 2, 16>, scalar_prefetch = 0 : i64, scratch_operands = 11 : i64, tpu.core_type = #tpu.core_type<sc_vector_subcore>, window_params = [{transform_indices = #map}, {transform_indices = #map1}, {transform_indices = #map}, {transform_indices = #map}]} {
    %mul3A = arith.constant 2 : i32
    %mul3A_0 = arith.muli %arg1, %mul3A : i32
    %add3A = arith.addi %mul3A_0, %arg0 : i32
    "tpu.region"() ({
      %run_scoped3A = tpu.sem_alloc : memref<!tpu.dma_semaphore, #tpu.memory_space<semaphore_mem>>
      tpu.enqueue_dma source(%arg4 : memref<200x128xf32, #tpu.memory_space<hbm>>) target(%arg7 : memref<200x128xf32, #tpu.memory_space<vmem>>) target_semaphore(%run_scoped3A : memref<!tpu.dma_semaphore, #tpu.memory_space<semaphore_mem>>)
      tpu.wait_dma2 semaphore(%run_scoped3A : memref<!tpu.dma_semaphore, #tpu.memory_space<semaphore_mem>>) src(%arg4 : memref<200x128xf32, #tpu.memory_space<hbm>>) dst(%arg7 : memref<200x128xf32, #tpu.memory_space<vmem>>)
      tpu.yield
    }) : () -> ()
    %mul3A_1 = arith.constant 25600 : i32
    %mul3A_2 = arith.muli %add3A, %mul3A_1 : i32
    "tpu.region"() ({
      %run_scoped3A = tpu.sem_alloc : memref<!tpu.dma_semaphore, #tpu.memory_space<semaphore_mem>>
      %dma_start3A_130 = tpu.memref_slice %arg3[%mul3A_2] : memref<819200xi32, #tpu.memory_space<hbm>> -> memref<25600xi32, #tpu.memory_space<hbm>>
      %dma_start3A_131 = tpu.memref_slice %arg3[%mul3A_2] : memref<819200xi32, #tpu.memory_space<hbm>> -> memref<25600xi32, #tpu.memory_space<hbm>>
      tpu.enqueue_dma source(%dma_start3A_131 : memref<25600xi32, #tpu.memory_space<hbm>>) target(%arg6 : memref<25600xi32, #tpu.memory_space<vmem>>) target_semaphore(%run_scoped3A : memref<!tpu.dma_semaphore, #tpu.memory_space<semaphore_mem>>)
      %dma_wait3A_132 = tpu.memref_slice %arg3[%mul3A_2] : memref<819200xi32, #tpu.memory_space<hbm>> -> memref<25600xi32, #tpu.memory_space<hbm>>
      %dma_wait3A_133 = tpu.memref_slice %arg3[%mul3A_2] : memref<819200xi32, #tpu.memory_space<hbm>> -> memref<25600xi32, #tpu.memory_space<hbm>>
      tpu.wait_dma2 semaphore(%run_scoped3A : memref<!tpu.dma_semaphore, #tpu.memory_space<semaphore_mem>>) src(%dma_wait3A_133 : memref<25600xi32, #tpu.memory_space<hbm>>) dst(%arg6 : memref<25600xi32, #tpu.memory_space<vmem>>)
      tpu.yield
    }) : () -> ()
    %dma_start3A = arith.constant 0 : i32
    %dma_start3A_3 = arith.constant 0 : i32
    %dma_start3A_4 = tpu.memref_slice %arg8[%dma_start3A, %dma_start3A_3] : memref<200x128xf32, #tpu.memory_space<vmem>> -> memref<128x128xf32, #tpu.memory_space<vmem>>
    %dma_start3A_5 = arith.constant 0 : i32
    %dma_start3A_6 = tpu.memref_slice %arg6[%dma_start3A_5] : memref<25600xi32, #tpu.memory_space<vmem>> -> memref<128xi32, #tpu.memory_space<vmem>>
    %dma_start3A_7 = arith.constant 0 : i32
    %dma_start3A_8 = arith.constant 0 : i32
    %dma_start3A_9 = tpu.memref_slice %arg2[%dma_start3A_7, %dma_start3A_8] : memref<100000x128xf32, #tpu.memory_space<hbm>> -> memref<100000x128xf32, #tpu.memory_space<hbm>>
    tpu.enqueue_indirect_dma source(%dma_start3A_9 : memref<100000x128xf32, #tpu.memory_space<hbm>>) target(%dma_start3A_4 : memref<128x128xf32, #tpu.memory_space<vmem>>) offsets(%dma_start3A_6 : memref<128xi32, #tpu.memory_space<vmem>>) semaphore(%arg11 : memref<!tpu.dma_semaphore, #tpu.memory_space<semaphore_mem>>)
    %dma_start3A_10 = arith.constant 128 : i32
    %dma_start3A_11 = arith.constant 0 : i32
    %dma_start3A_12 = tpu.memref_slice %arg8[%dma_start3A_10, %dma_start3A_11] : memref<200x128xf32, #tpu.memory_space<vmem>> -> memref<72x128xf32, #tpu.memory_space<vmem>>
    %dma_start3A_13 = arith.constant 128 : i32
    %dma_start3A_14 = tpu.memref_slice %arg6[%dma_start3A_13] : memref<25600xi32, #tpu.memory_space<vmem>> -> memref<72xi32, #tpu.memory_space<vmem>>
    %dma_start3A_15 = arith.constant 0 : i32
    %dma_start3A_16 = arith.constant 0 : i32
    %dma_start3A_17 = tpu.memref_slice %arg2[%dma_start3A_15, %dma_start3A_16] : memref<100000x128xf32, #tpu.memory_space<hbm>> -> memref<100000x128xf32, #tpu.memory_space<hbm>>
    tpu.enqueue_indirect_dma source(%dma_start3A_17 : memref<100000x128xf32, #tpu.memory_space<hbm>>) target(%dma_start3A_12 : memref<72x128xf32, #tpu.memory_space<vmem>>) offsets(%dma_start3A_14 : memref<72xi32, #tpu.memory_space<vmem>>) semaphore(%arg11 : memref<!tpu.dma_semaphore, #tpu.memory_space<semaphore_mem>>)
    %dma_start3A_18 = arith.constant 0 : i32
    %dma_start3A_19 = arith.constant 0 : i32
    %dma_start3A_20 = tpu.memref_slice %arg9[%dma_start3A_18, %dma_start3A_19] : memref<200x128xf32, #tpu.memory_space<vmem>> -> memref<128x128xf32, #tpu.memory_space<vmem>>
    %dma_start3A_21 = arith.constant 200 : i32
    %dma_start3A_22 = tpu.memref_slice %arg6[%dma_start3A_21] : memref<25600xi32, #tpu.memory_space<vmem>> -> memref<128xi32, #tpu.memory_space<vmem>>
    %dma_start3A_23 = arith.constant 0 : i32
    %dma_start3A_24 = arith.constant 0 : i32
    %dma_start3A_25 = tpu.memref_slice %arg2[%dma_start3A_23, %dma_start3A_24] : memref<100000x128xf32, #tpu.memory_space<hbm>> -> memref<100000x128xf32, #tpu.memory_space<hbm>>
    tpu.enqueue_indirect_dma source(%dma_start3A_25 : memref<100000x128xf32, #tpu.memory_space<hbm>>) target(%dma_start3A_20 : memref<128x128xf32, #tpu.memory_space<vmem>>) offsets(%dma_start3A_22 : memref<128xi32, #tpu.memory_space<vmem>>) semaphore(%arg12 : memref<!tpu.dma_semaphore, #tpu.memory_space<semaphore_mem>>)
    %dma_start3A_26 = arith.constant 128 : i32
    %dma_start3A_27 = arith.constant 0 : i32
    %dma_start3A_28 = tpu.memref_slice %arg9[%dma_start3A_26, %dma_start3A_27] : memref<200x128xf32, #tpu.memory_space<vmem>> -> memref<72x128xf32, #tpu.memory_space<vmem>>
    %dma_start3A_29 = arith.constant 328 : i32
    %dma_start3A_30 = tpu.memref_slice %arg6[%dma_start3A_29] : memref<25600xi32, #tpu.memory_space<vmem>> -> memref<72xi32, #tpu.memory_space<vmem>>
    %dma_start3A_31 = arith.constant 0 : i32
    %dma_start3A_32 = arith.constant 0 : i32
    %dma_start3A_33 = tpu.memref_slice %arg2[%dma_start3A_31, %dma_start3A_32] : memref<100000x128xf32, #tpu.memory_space<hbm>> -> memref<100000x128xf32, #tpu.memory_space<hbm>>
    tpu.enqueue_indirect_dma source(%dma_start3A_33 : memref<100000x128xf32, #tpu.memory_space<hbm>>) target(%dma_start3A_28 : memref<72x128xf32, #tpu.memory_space<vmem>>) offsets(%dma_start3A_30 : memref<72xi32, #tpu.memory_space<vmem>>) semaphore(%arg12 : memref<!tpu.dma_semaphore, #tpu.memory_space<semaphore_mem>>)
    %dma_wait3A = arith.constant 0 : i32
    %dma_wait3A_34 = arith.constant 0 : i32
    %dma_wait3A_35 = tpu.memref_slice %arg8[%dma_wait3A, %dma_wait3A_34] : memref<200x128xf32, #tpu.memory_space<vmem>> -> memref<128x128xf32, #tpu.memory_space<vmem>>
    %dma_wait3A_36 = arith.constant 0 : i32
    %dma_wait3A_37 = tpu.memref_slice %arg6[%dma_wait3A_36] : memref<25600xi32, #tpu.memory_space<vmem>> -> memref<128xi32, #tpu.memory_space<vmem>>
    %dma_wait3A_38 = arith.constant 0 : i32
    %dma_wait3A_39 = arith.constant 0 : i32
    %dma_wait3A_40 = tpu.memref_slice %arg2[%dma_wait3A_38, %dma_wait3A_39] : memref<100000x128xf32, #tpu.memory_space<hbm>> -> memref<100000x128xf32, #tpu.memory_space<hbm>>
    tpu.wait_indirect_dma semaphore(%arg11 : memref<!tpu.dma_semaphore, #tpu.memory_space<semaphore_mem>>) src(%dma_wait3A_40 : memref<100000x128xf32, #tpu.memory_space<hbm>>) dst(%dma_wait3A_35 : memref<128x128xf32, #tpu.memory_space<vmem>>)
    %dma_wait3A_41 = arith.constant 128 : i32
    %dma_wait3A_42 = arith.constant 0 : i32
    %dma_wait3A_43 = tpu.memref_slice %arg8[%dma_wait3A_41, %dma_wait3A_42] : memref<200x128xf32, #tpu.memory_space<vmem>> -> memref<72x128xf32, #tpu.memory_space<vmem>>
    %dma_wait3A_44 = arith.constant 128 : i32
    %dma_wait3A_45 = tpu.memref_slice %arg6[%dma_wait3A_44] : memref<25600xi32, #tpu.memory_space<vmem>> -> memref<72xi32, #tpu.memory_space<vmem>>
    %dma_wait3A_46 = arith.constant 0 : i32
    %dma_wait3A_47 = arith.constant 0 : i32
    %dma_wait3A_48 = tpu.memref_slice %arg2[%dma_wait3A_46, %dma_wait3A_47] : memref<100000x128xf32, #tpu.memory_space<hbm>> -> memref<100000x128xf32, #tpu.memory_space<hbm>>
    tpu.wait_indirect_dma semaphore(%arg11 : memref<!tpu.dma_semaphore, #tpu.memory_space<semaphore_mem>>) src(%dma_wait3A_48 : memref<100000x128xf32, #tpu.memory_space<hbm>>) dst(%dma_wait3A_43 : memref<72x128xf32, #tpu.memory_space<vmem>>)
    %scan3A = arith.constant 0 : i32
    %scan3A_49 = arith.constant 0 : i32
    %scan3A_50 = arith.constant 50 : i32
    %scan3A_51 = arith.addi %scan3A_49, %scan3A_50 : i32
    %scan3A_52 = arith.constant 1 : i32
    scf.for %scan3A_130 = %scan3A_49 to %scan3A_51 step %scan3A_52  : i32 {
      %mul3A_131 = arith.constant 4 : i32
      %mul3A_132 = arith.muli %mul3A_131, %scan3A_130 : i32
      %add3A_133 = arith.constant 0 : i32
      %add3A_134 = arith.addi %mul3A_132, %add3A_133 : i32
      %get3A = arith.index_cast %add3A_134 : i32 to index
      %get3A_135 = arith.constant 0 : index
      %get3A_136 = tpu.vector_load %arg7[%get3A, %get3A_135] {strides = array<i32>} : memref<200x128xf32, #tpu.memory_space<vmem>>, vector<1x16xf32>,
      %get3A_137 = vector.shape_cast %get3A_136 : vector<1x16xf32> to vector<16xf32>
      %swap3A = arith.index_cast %add3A_134 : i32 to index
      %swap3A_138 = arith.constant 0 : index
      %swap3A_139 = tpu.vector_load %arg8[%swap3A, %swap3A_138] {strides = array<i32>} : memref<200x128xf32, #tpu.memory_space<vmem>>, vector<1x16xf32>,
      %swap3A_140 = vector.shape_cast %swap3A_139 : vector<1x16xf32> to vector<16xf32>
      %swap3A_141 = vector.shape_cast %get3A_137 : vector<16xf32> to vector<1x16xf32>
      tpu.vector_store %arg8[%swap3A, %swap3A_138], %swap3A_141 {add = true, strides = array<i32>} : memref<200x128xf32, #tpu.memory_space<vmem>>, vector<1x16xf32>,
      %get3A_142 = arith.index_cast %add3A_134 : i32 to index
      %get3A_143 = arith.constant 16 : index
      %get3A_144 = tpu.vector_load %arg7[%get3A_142, %get3A_143] {strides = array<i32>} : memref<200x128xf32, #tpu.memory_space<vmem>>, vector<1x16xf32>,
      %get3A_145 = vector.shape_cast %get3A_144 : vector<1x16xf32> to vector<16xf32>
      %swap3A_146 = arith.index_cast %add3A_134 : i32 to index
      %swap3A_147 = arith.constant 16 : index
      %swap3A_148 = tpu.vector_load %arg8[%swap3A_146, %swap3A_147] {strides = array<i32>} : memref<200x128xf32, #tpu.memory_space<vmem>>, vector<1x16xf32>,
      %swap3A_149 = vector.shape_cast %swap3A_148 : vector<1x16xf32> to vector<16xf32>
      %swap3A_150 = vector.shape_cast %get3A_145 : vector<16xf32> to vector<1x16xf32>
      tpu.vector_store %arg8[%swap3A_146, %swap3A_147], %swap3A_150 {add = true, strides = array<i32>} : memref<200x128xf32, #tpu.memory_space<vmem>>, vector<1x16xf32>,
      %get3A_151 = arith.index_cast %add3A_134 : i32 to index
      %get3A_152 = arith.constant 32 : index
      %get3A_153 = tpu.vector_load %arg7[%get3A_151, %get3A_152] {strides = array<i32>} : memref<200x128xf32, #tpu.memory_space<vmem>>, vector<1x16xf32>,
      %get3A_154 = vector.shape_cast %get3A_153 : vector<1x16xf32> to vector<16xf32>
      %swap3A_155 = arith.index_cast %add3A_134 : i32 to index
      %swap3A_156 = arith.constant 32 : index
      %swap3A_157 = tpu.vector_load %arg8[%swap3A_155, %swap3A_156] {strides = array<i32>} : memref<200x128xf32, #tpu.memory_space<vmem>>, vector<1x16xf32>,
      %swap3A_158 = vector.shape_cast %swap3A_157 : vector<1x16xf32> to vector<16xf32>
      %swap3A_159 = vector.shape_cast %get3A_154 : vector<16xf32> to vector<1x16xf32>
      tpu.vector_store %arg8[%swap3A_155, %swap3A_156], %swap3A_159 {add = true, strides = array<i32>} : memref<200x128xf32, #tpu.memory_space<vmem>>, vector<1x16xf32>,
      %get3A_160 = arith.index_cast %add3A_134 : i32 to index
      %get3A_161 = arith.constant 48 : index
      %get3A_162 = tpu.vector_load %arg7[%get3A_160, %get3A_161] {strides = array<i32>} : memref<200x128xf32, #tpu.memory_space<vmem>>, vector<1x16xf32>,
      %get3A_163 = vector.shape_cast %get3A_162 : vector<1x16xf32> to vector<16xf32>
      %swap3A_164 = arith.index_cast %add3A_134 : i32 to index
      %swap3A_165 = arith.constant 48 : index
      %swap3A_166 = tpu.vector_load %arg8[%swap3A_164, %swap3A_165] {strides = array<i32>} : memref<200x128xf32, #tpu.memory_space<vmem>>, vector<1x16xf32>,
      %swap3A_167 = vector.shape_cast %swap3A_166 : vector<1x16xf32> to vector<16xf32>
      %swap3A_168 = vector.shape_cast %get3A_163 : vector<16xf32> to vector<1x16xf32>
      tpu.vector_store %arg8[%swap3A_164, %swap3A_165], %swap3A_168 {add = true, strides = array<i32>} : memref<200x128xf32, #tpu.memory_space<vmem>>, vector<1x16xf32>,
      %get3A_169 = arith.index_cast %add3A_134 : i32 to index
      %get3A_170 = arith.constant 64 : index
      %get3A_171 = tpu.vector_load %arg7[%get3A_169, %get3A_170] {strides = array<i32>} : memref<200x128xf32, #tpu.memory_space<vmem>>, vector<1x16xf32>,
      %get3A_172 = vector.shape_cast %get3A_171 : vector<1x16xf32> to vector<16xf32>
      %swap3A_173 = arith.index_cast %add3A_134 : i32 to index
      %swap3A_174 = arith.constant 64 : index
      %swap3A_175 = tpu.vector_load %arg8[%swap3A_173, %swap3A_174] {strides = array<i32>} : memref<200x128xf32, #tpu.memory_space<vmem>>, vector<1x16xf32>,
      %swap3A_176 = vector.shape_cast %swap3A_175 : vector<1x16xf32> to vector<16xf32>
      %swap3A_177 = vector.shape_cast %get3A_172 : vector<16xf32> to vector<1x16xf32>
      tpu.vector_store %arg8[%swap3A_173, %swap3A_174], %swap3A_177 {add = true, strides = array<i32>} : memref<200x128xf32, #tpu.memory_space<vmem>>, vector<1x16xf32>,
      %get3A_178 = arith.index_cast %add3A_134 : i32 to index
      %get3A_179 = arith.constant 80 : index
      %get3A_180 = tpu.vector_load %arg7[%get3A_178, %get3A_179] {strides = array<i32>} : memref<200x128xf32, #tpu.memory_space<vmem>>, vector<1x16xf32>,
      %get3A_181 = vector.shape_cast %get3A_180 : vector<1x16xf32> to vector<16xf32>
      %swap3A_182 = arith.index_cast %add3A_134 : i32 to index
      %swap3A_183 = arith.constant 80 : index
      %swap3A_184 = tpu.vector_load %arg8[%swap3A_182, %swap3A_183] {strides = array<i32>} : memref<200x128xf32, #tpu.memory_space<vmem>>, vector<1x16xf32>,
      %swap3A_185 = vector.shape_cast %swap3A_184 : vector<1x16xf32> to vector<16xf32>
      %swap3A_186 = vector.shape_cast %get3A_181 : vector<16xf32> to vector<1x16xf32>
      tpu.vector_store %arg8[%swap3A_182, %swap3A_183], %swap3A_186 {add = true, strides = array<i32>} : memref<200x128xf32, #tpu.memory_space<vmem>>, vector<1x16xf32>,
      %get3A_187 = arith.index_cast %add3A_134 : i32 to index
      %get3A_188 = arith.constant 96 : index
      %get3A_189 = tpu.vector_load %arg7[%get3A_187, %get3A_188] {strides = array<i32>} : memref<200x128xf32, #tpu.memory_space<vmem>>, vector<1x16xf32>,
      %get3A_190 = vector.shape_cast %get3A_189 : vector<1x16xf32> to vector<16xf32>
      %swap3A_191 = arith.index_cast %add3A_134 : i32 to index
      %swap3A_192 = arith.constant 96 : index
      %swap3A_193 = tpu.vector_load %arg8[%swap3A_191, %swap3A_192] {strides = array<i32>} : memref<200x128xf32, #tpu.memory_space<vmem>>, vector<1x16xf32>,
      %swap3A_194 = vector.shape_cast %swap3A_193 : vector<1x16xf32> to vector<16xf32>
      %swap3A_195 = vector.shape_cast %get3A_190 : vector<16xf32> to vector<1x16xf32>
      tpu.vector_store %arg8[%swap3A_191, %swap3A_192], %swap3A_195 {add = true, strides = array<i32>} : memref<200x128xf32, #tpu.memory_space<vmem>>, vector<1x16xf32>,
      %get3A_196 = arith.index_cast %add3A_134 : i32 to index
      %get3A_197 = arith.constant 112 : index
      %get3A_198 = tpu.vector_load %arg7[%get3A_196, %get3A_197] {strides = array<i32>} : memref<200x128xf32, #tpu.memory_space<vmem>>, vector<1x16xf32>,
      %get3A_199 = vector.shape_cast %get3A_198 : vector<1x16xf32> to vector<16xf32>
      %swap3A_200 = arith.index_cast %add3A_134 : i32 to index
      %swap3A_201 = arith.constant 112 : index
      %swap3A_202 = tpu.vector_load %arg8[%swap3A_200, %swap3A_201] {strides = array<i32>} : memref<200x128xf32, #tpu.memory_space<vmem>>, vector<1x16xf32>,
      %swap3A_203 = vector.shape_cast %swap3A_202 : vector<1x16xf32> to vector<16xf32>
      %swap3A_204 = vector.shape_cast %get3A_199 : vector<16xf32> to vector<1x16xf32>
      tpu.vector_store %arg8[%swap3A_200, %swap3A_201], %swap3A_204 {add = true, strides = array<i32>} : memref<200x128xf32, #tpu.memory_space<vmem>>, vector<1x16xf32>,
      %mul3A_205 = arith.constant 4 : i32
      %mul3A_206 = arith.muli %mul3A_205, %scan3A_130 : i32
      %add3A_207 = arith.constant 1 : i32
      %add3A_208 = arith.addi %mul3A_206, %add3A_207 : i32
      %get3A_209 = arith.index_cast %add3A_208 : i32 to index
      %get3A_210 = arith.constant 0 : index
      %get3A_211 = tpu.vector_load %arg7[%get3A_209, %get3A_210] {strides = array<i32>} : memref<200x128xf32, #tpu.memory_space<vmem>>, vector<1x16xf32>,
      %get3A_212 = vector.shape_cast %get3A_211 : vector<1x16xf32> to vector<16xf32>
      %swap3A_213 = arith.index_cast %add3A_208 : i32 to index
      %swap3A_214 = arith.constant 0 : index
      %swap3A_215 = tpu.vector_load %arg8[%swap3A_213, %swap3A_214] {strides = array<i32>} : memref<200x128xf32, #tpu.memory_space<vmem>>, vector<1x16xf32>,
      %swap3A_216 = vector.shape_cast %swap3A_215 : vector<1x16xf32> to vector<16xf32>
      %swap3A_217 = vector.shape_cast %get3A_212 : vector<16xf32> to vector<1x16xf32>
      tpu.vector_store %arg8[%swap3A_213, %swap3A_214], %swap3A_217 {add = true, strides = array<i32>} : memref<200x128xf32, #tpu.memory_space<vmem>>, vector<1x16xf32>,
      %get3A_218 = arith.index_cast %add3A_208 : i32 to index
      %get3A_219 = arith.constant 16 : index
      %get3A_220 = tpu.vector_load %arg7[%get3A_218, %get3A_219] {strides = array<i32>} : memref<200x128xf32, #tpu.memory_space<vmem>>, vector<1x16xf32>,
      %get3A_221 = vector.shape_cast %get3A_220 : vector<1x16xf32> to vector<16xf32>
      %swap3A_222 = arith.index_cast %add3A_208 : i32 to index
      %swap3A_223 = arith.constant 16 : index
      %swap3A_224 = tpu.vector_load %arg8[%swap3A_222, %swap3A_223] {strides = array<i32>} : memref<200x128xf32, #tpu.memory_space<vmem>>, vector<1x16xf32>,
      %swap3A_225 = vector.shape_cast %swap3A_224 : vector<1x16xf32> to vector<16xf32>
      %swap3A_226 = vector.shape_cast %get3A_221 : vector<16xf32> to vector<1x16xf32>
      tpu.vector_store %arg8[%swap3A_222, %swap3A_223], %swap3A_226 {add = true, strides = array<i32>} : memref<200x128xf32, #tpu.memory_space<vmem>>, vector<1x16xf32>,
      %get3A_227 = arith.index_cast %add3A_208 : i32 to index
      %get3A_228 = arith.constant 32 : index
      %get3A_229 = tpu.vector_load %arg7[%get3A_227, %get3A_228] {strides = array<i32>} : memref<200x128xf32, #tpu.memory_space<vmem>>, vector<1x16xf32>,
      %get3A_230 = vector.shape_cast %get3A_229 : vector<1x16xf32> to vector<16xf32>
      %swap3A_231 = arith.index_cast %add3A_208 : i32 to index
      %swap3A_232 = arith.constant 32 : index
      %swap3A_233 = tpu.vector_load %arg8[%swap3A_231, %swap3A_232] {strides = array<i32>} : memref<200x128xf32, #tpu.memory_space<vmem>>, vector<1x16xf32>,
      %swap3A_234 = vector.shape_cast %swap3A_233 : vector<1x16xf32> to vector<16xf32>
      %swap3A_235 = vector.shape_cast %get3A_230 : vector<16xf32> to vector<1x16xf32>
      tpu.vector_store %arg8[%swap3A_231, %swap3A_232], %swap3A_235 {add = true, strides = array<i32>} : memref<200x128xf32, #tpu.memory_space<vmem>>, vector<1x16xf32>,
      %get3A_236 = arith.index_cast %add3A_208 : i32 to index
      %get3A_237 = arith.constant 48 : index
      %get3A_238 = tpu.vector_load %arg7[%get3A_236, %get3A_237] {strides = array<i32>} : memref<200x128xf32, #tpu.memory_space<vmem>>, vector<1x16xf32>,
      %get3A_239 = vector.shape_cast %get3A_238 : vector<1x16xf32> to vector<16xf32>
      %swap3A_240 = arith.index_cast %add3A_208 : i32 to index
      %swap3A_241 = arith.constant 48 : index
      %swap3A_242 = tpu.vector_load %arg8[%swap3A_240, %swap3A_241] {strides = array<i32>} : memref<200x128xf32, #tpu.memory_space<vmem>>, vector<1x16xf32>,
      %swap3A_243 = vector.shape_cast %swap3A_242 : vector<1x16xf32> to vector<16xf32>
      %swap3A_244 = vector.shape_cast %get3A_239 : vector<16xf32> to vector<1x16xf32>
      tpu.vector_store %arg8[%swap3A_240, %swap3A_241], %swap3A_244 {add = true, strides = array<i32>} : memref<200x128xf32, #tpu.memory_space<vmem>>, vector<1x16xf32>,
      %get3A_245 = arith.index_cast %add3A_208 : i32 to index
      %get3A_246 = arith.constant 64 : index
      %get3A_247 = tpu.vector_load %arg7[%get3A_245, %get3A_246] {strides = array<i32>} : memref<200x128xf32, #tpu.memory_space<vmem>>, vector<1x16xf32>,
      %get3A_248 = vector.shape_cast %get3A_247 : vector<1x16xf32> to vector<16xf32>
      %swap3A_249 = arith.index_cast %add3A_208 : i32 to index
      %swap3A_250 = arith.constant 64 : index
      %swap3A_251 = tpu.vector_load %arg8[%swap3A_249, %swap3A_250] {strides = array<i32>} : memref<200x128xf32, #tpu.memory_space<vmem>>, vector<1x16xf32>,
      %swap3A_252 = vector.shape_cast %swap3A_251 : vector<1x16xf32> to vector<16xf32>
      %swap3A_253 = vector.shape_cast %get3A_248 : vector<16xf32> to vector<1x16xf32>
      tpu.vector_store %arg8[%swap3A_249, %swap3A_250], %swap3A_253 {add = true, strides = array<i32>} : memref<200x128xf32, #tpu.memory_space<vmem>>, vector<1x16xf32>,
      %get3A_254 = arith.index_cast %add3A_208 : i32 to index
      %get3A_255 = arith.constant 80 : index
      %get3A_256 = tpu.vector_load %arg7[%get3A_254, %get3A_255] {strides = array<i32>} : memref<200x128xf32, #tpu.memory_space<vmem>>, vector<1x16xf32>,
      %get3A_257 = vector.shape_cast %get3A_256 : vector<1x16xf32> to vector<16xf32>
      %swap3A_258 = arith.index_cast %add3A_208 : i32 to index
      %swap3A_259 = arith.constant 80 : index
      %swap3A_260 = tpu.vector_load %arg8[%swap3A_258, %swap3A_259] {strides = array<i32>} : memref<200x128xf32, #tpu.memory_space<vmem>>, vector<1x16xf32>,
      %swap3A_261 = vector.shape_cast %swap3A_260 : vector<1x16xf32> to vector<16xf32>
      %swap3A_262 = vector.shape_cast %get3A_257 : vector<16xf32> to vector<1x16xf32>
      tpu.vector_store %arg8[%swap3A_258, %swap3A_259], %swap3A_262 {add = true, strides = array<i32>} : memref<200x128xf32, #tpu.memory_space<vmem>>, vector<1x16xf32>,
      %get3A_263 = arith.index_cast %add3A_208 : i32 to index
      %get3A_264 = arith.constant 96 : index
      %get3A_265 = tpu.vector_load %arg7[%get3A_263, %get3A_264] {strides = array<i32>} : memref<200x128xf32, #tpu.memory_space<vmem>>, vector<1x16xf32>,
      %get3A_266 = vector.shape_cast %get3A_265 : vector<1x16xf32> to vector<16xf32>
      %swap3A_267 = arith.index_cast %add3A_208 : i32 to index
      %swap3A_268 = arith.constant 96 : index
      %swap3A_269 = tpu.vector_load %arg8[%swap3A_267, %swap3A_268] {strides = array<i32>} : memref<200x128xf32, #tpu.memory_space<vmem>>, vector<1x16xf32>,
      %swap3A_270 = vector.shape_cast %swap3A_269 : vector<1x16xf32> to vector<16xf32>
      %swap3A_271 = vector.shape_cast %get3A_266 : vector<16xf32> to vector<1x16xf32>
      tpu.vector_store %arg8[%swap3A_267, %swap3A_268], %swap3A_271 {add = true, strides = array<i32>} : memref<200x128xf32, #tpu.memory_space<vmem>>, vector<1x16xf32>,
      %get3A_272 = arith.index_cast %add3A_208 : i32 to index
      %get3A_273 = arith.constant 112 : index
      %get3A_274 = tpu.vector_load %arg7[%get3A_272, %get3A_273] {strides = array<i32>} : memref<200x128xf32, #tpu.memory_space<vmem>>, vector<1x16xf32>,
      %get3A_275 = vector.shape_cast %get3A_274 : vector<1x16xf32> to vector<16xf32>
      %swap3A_276 = arith.index_cast %add3A_208 : i32 to index
      %swap3A_277 = arith.constant 112 : index
      %swap3A_278 = tpu.vector_load %arg8[%swap3A_276, %swap3A_277] {strides = array<i32>} : memref<200x128xf32, #tpu.memory_space<vmem>>, vector<1x16xf32>,
      %swap3A_279 = vector.shape_cast %swap3A_278 : vector<1x16xf32> to vector<16xf32>
      %swap3A_280 = vector.shape_cast %get3A_275 : vector<16xf32> to vector<1x16xf32>
      tpu.vector_store %arg8[%swap3A_276, %swap3A_277], %swap3A_280 {add = true, strides = array<i32>} : memref<200x128xf32, #tpu.memory_space<vmem>>, vector<1x16xf32>,
      %mul3A_281 = arith.constant 4 : i32
      %mul3A_282 = arith.muli %mul3A_281, %scan3A_130 : i32
      %add3A_283 = arith.constant 2 : i32
      %add3A_284 = arith.addi %mul3A_282, %add3A_283 : i32
      %get3A_285 = arith.index_cast %add3A_284 : i32 to index
      %get3A_286 = arith.constant 0 : index
      %get3A_287 = tpu.vector_load %arg7[%get3A_285, %get3A_286] {strides = array<i32>} : memref<200x128xf32, #tpu.memory_space<vmem>>, vector<1x16xf32>,
      %get3A_288 = vector.shape_cast %get3A_287 : vector<1x16xf32> to vector<16xf32>
      %swap3A_289 = arith.index_cast %add3A_284 : i32 to index
      %swap3A_290 = arith.constant 0 : index
      %swap3A_291 = tpu.vector_load %arg8[%swap3A_289, %swap3A_290] {strides = array<i32>} : memref<200x128xf32, #tpu.memory_space<vmem>>, vector<1x16xf32>,
      %swap3A_292 = vector.shape_cast %swap3A_291 : vector<1x16xf32> to vector<16xf32>
      %swap3A_293 = vector.shape_cast %get3A_288 : vector<16xf32> to vector<1x16xf32>
      tpu.vector_store %arg8[%swap3A_289, %swap3A_290], %swap3A_293 {add = true, strides = array<i32>} : memref<200x128xf32, #tpu.memory_space<vmem>>, vector<1x16xf32>,
      %get3A_294 = arith.index_cast %add3A_284 : i32 to index
      %get3A_295 = arith.constant 16 : index
      %get3A_296 = tpu.vector_load %arg7[%get3A_294, %get3A_295] {strides = array<i32>} : memref<200x128xf32, #tpu.memory_space<vmem>>, vector<1x16xf32>,
      %get3A_297 = vector.shape_cast %get3A_296 : vector<1x16xf32> to vector<16xf32>
      %swap3A_298 = arith.index_cast %add3A_284 : i32 to index
      %swap3A_299 = arith.constant 16 : index
      %swap3A_300 = tpu.vector_load %arg8[%swap3A_298, %swap3A_299] {strides = array<i32>} : memref<200x128xf32, #tpu.memory_space<vmem>>, vector<1x16xf32>,
      %swap3A_301 = vector.shape_cast %swap3A_300 : vector<1x16xf32> to vector<16xf32>
      %swap3A_302 = vector.shape_cast %get3A_297 : vector<16xf32> to vector<1x16xf32>
      tpu.vector_store %arg8[%swap3A_298, %swap3A_299], %swap3A_302 {add = true, strides = array<i32>} : memref<200x128xf32, #tpu.memory_space<vmem>>, vector<1x16xf32>,
      %get3A_303 = arith.index_cast %add3A_284 : i32 to index
      %get3A_304 = arith.constant 32 : index
      %get3A_305 = tpu.vector_load %arg7[%get3A_303, %get3A_304] {strides = array<i32>} : memref<200x128xf32, #tpu.memory_space<vmem>>, vector<1x16xf32>,
      %get3A_306 = vector.shape_cast %get3A_305 : vector<1x16xf32> to vector<16xf32>
      %swap3A_307 = arith.index_cast %add3A_284 : i32 to index
      %swap3A_308 = arith.constant 32 : index
      %swap3A_309 = tpu.vector_load %arg8[%swap3A_307, %swap3A_308] {strides = array<i32>} : memref<200x128xf32, #tpu.memory_space<vmem>>, vector<1x16xf32>,
      %swap3A_310 = vector.shape_cast %swap3A_309 : vector<1x16xf32> to vector<16xf32>
      %swap3A_311 = vector.shape_cast %get3A_306 : vector<16xf32> to vector<1x16xf32>
      tpu.vector_store %arg8[%swap3A_307, %swap3A_308], %swap3A_311 {add = true, strides = array<i32>} : memref<200x128xf32, #tpu.memory_space<vmem>>, vector<1x16xf32>,
      %get3A_312 = arith.index_cast %add3A_284 : i32 to index
      %get3A_313 = arith.constant 48 : index
      %get3A_314 = tpu.vector_load %arg7[%get3A_312, %get3A_313] {strides = array<i32>} : memref<200x128xf32, #tpu.memory_space<vmem>>, vector<1x16xf32>,
      %get3A_315 = vector.shape_cast %get3A_314 : vector<1x16xf32> to vector<16xf32>
      %swap3A_316 = arith.index_cast %add3A_284 : i32 to index
      %swap3A_317 = arith.constant 48 : index
      %swap3A_318 = tpu.vector_load %arg8[%swap3A_316, %swap3A_317] {strides = array<i32>} : memref<200x128xf32, #tpu.memory_space<vmem>>, vector<1x16xf32>,
      %swap3A_319 = vector.shape_cast %swap3A_318 : vector<1x16xf32> to vector<16xf32>
      %swap3A_320 = vector.shape_cast %get3A_315 : vector<16xf32> to vector<1x16xf32>
      tpu.vector_store %arg8[%swap3A_316, %swap3A_317], %swap3A_320 {add = true, strides = array<i32>} : memref<200x128xf32, #tpu.memory_space<vmem>>, vector<1x16xf32>,
      %get3A_321 = arith.index_cast %add3A_284 : i32 to index
      %get3A_322 = arith.constant 64 : index
      %get3A_323 = tpu.vector_load %arg7[%get3A_321, %get3A_322] {strides = array<i32>} : memref<200x128xf32, #tpu.memory_space<vmem>>, vector<1x16xf32>,
      %get3A_324 = vector.shape_cast %get3A_323 : vector<1x16xf32> to vector<16xf32>
      %swap3A_325 = arith.index_cast %add3A_284 : i32 to index
      %swap3A_326 = arith.constant 64 : index
      %swap3A_327 = tpu.vector_load %arg8[%swap3A_325, %swap3A_326] {strides = array<i32>} : memref<200x128xf32, #tpu.memory_space<vmem>>, vector<1x16xf32>,
      %swap3A_328 = vector.shape_cast %swap3A_327 : vector<1x16xf32> to vector<16xf32>
      %swap3A_329 = vector.shape_cast %get3A_324 : vector<16xf32> to vector<1x16xf32>
      tpu.vector_store %arg8[%swap3A_325, %swap3A_326], %swap3A_329 {add = true, strides = array<i32>} : memref<200x128xf32, #tpu.memory_space<vmem>>, vector<1x16xf32>,
      %get3A_330 = arith.index_cast %add3A_284 : i32 to index
      %get3A_331 = arith.constant 80 : index
      %get3A_332 = tpu.vector_load %arg7[%get3A_330, %get3A_331] {strides = array<i32>} : memref<200x128xf32, #tpu.memory_space<vmem>>, vector<1x16xf32>,
      %get3A_333 = vector.shape_cast %get3A_332 : vector<1x16xf32> to vector<16xf32>
      %swap3A_334 = arith.index_cast %add3A_284 : i32 to index
      %swap3A_335 = arith.constant 80 : index
      %swap3A_336 = tpu.vector_load %arg8[%swap3A_334, %swap3A_335] {strides = array<i32>} : memref<200x128xf32, #tpu.memory_space<vmem>>, vector<1x16xf32>,
      %swap3A_337 = vector.shape_cast %swap3A_336 : vector<1x16xf32> to vector<16xf32>
      %swap3A_338 = vector.shape_cast %get3A_333 : vector<16xf32> to vector<1x16xf32>
      tpu.vector_store %arg8[%swap3A_334, %swap3A_335], %swap3A_338 {add = true, strides = array<i32>} : memref<200x128xf32, #tpu.memory_space<vmem>>, vector<1x16xf32>,
      %get3A_339 = arith.index_cast %add3A_284 : i32 to index
      %get3A_340 = arith.constant 96 : index
      %get3A_341 = tpu.vector_load %arg7[%get3A_339, %get3A_340] {strides = array<i32>} : memref<200x128xf32, #tpu.memory_space<vmem>>, vector<1x16xf32>,
      %get3A_342 = vector.shape_cast %get3A_341 : vector<1x16xf32> to vector<16xf32>
      %swap3A_343 = arith.index_cast %add3A_284 : i32 to index
      %swap3A_344 = arith.constant 96 : index
      %swap3A_345 = tpu.vector_load %arg8[%swap3A_343, %swap3A_344] {strides = array<i32>} : memref<200x128xf32, #tpu.memory_space<vmem>>, vector<1x16xf32>,
      %swap3A_346 = vector.shape_cast %swap3A_345 : vector<1x16xf32> to vector<16xf32>
      %swap3A_347 = vector.shape_cast %get3A_342 : vector<16xf32> to vector<1x16xf32>
      tpu.vector_store %arg8[%swap3A_343, %swap3A_344], %swap3A_347 {add = true, strides = array<i32>} : memref<200x128xf32, #tpu.memory_space<vmem>>, vector<1x16xf32>,
      %get3A_348 = arith.index_cast %add3A_284 : i32 to index
      %get3A_349 = arith.constant 112 : index
      %get3A_350 = tpu.vector_load %arg7[%get3A_348, %get3A_349] {strides = array<i32>} : memref<200x128xf32, #tpu.memory_space<vmem>>, vector<1x16xf32>,
      %get3A_351 = vector.shape_cast %get3A_350 : vector<1x16xf32> to vector<16xf32>
      %swap3A_352 = arith.index_cast %add3A_284 : i32 to index
      %swap3A_353 = arith.constant 112 : index
      %swap3A_354 = tpu.vector_load %arg8[%swap3A_352, %swap3A_353] {strides = array<i32>} : memref<200x128xf32, #tpu.memory_space<vmem>>, vector<1x16xf32>,
      %swap3A_355 = vector.shape_cast %swap3A_354 : vector<1x16xf32> to vector<16xf32>
      %swap3A_356 = vector.shape_cast %get3A_351 : vector<16xf32> to vector<1x16xf32>
      tpu.vector_store %arg8[%swap3A_352, %swap3A_353], %swap3A_356 {add = true, strides = array<i32>} : memref<200x128xf32, #tpu.memory_space<vmem>>, vector<1x16xf32>,
      %mul3A_357 = arith.constant 4 : i32
      %mul3A_358 = arith.muli %mul3A_357, %scan3A_130 : i32
      %add3A_359 = arith.constant 3 : i32
      %add3A_360 = arith.addi %mul3A_358, %add3A_359 : i32
      %get3A_361 = arith.index_cast %add3A_360 : i32 to index
      %get3A_362 = arith.constant 0 : index
      %get3A_363 = tpu.vector_load %arg7[%get3A_361, %get3A_362] {strides = array<i32>} : memref<200x128xf32, #tpu.memory_space<vmem>>, vector<1x16xf32>,
      %get3A_364 = vector.shape_cast %get3A_363 : vector<1x16xf32> to vector<16xf32>
      %swap3A_365 = arith.index_cast %add3A_360 : i32 to index
      %swap3A_366 = arith.constant 0 : index
      %swap3A_367 = tpu.vector_load %arg8[%swap3A_365, %swap3A_366] {strides = array<i32>} : memref<200x128xf32, #tpu.memory_space<vmem>>, vector<1x16xf32>,
      %swap3A_368 = vector.shape_cast %swap3A_367 : vector<1x16xf32> to vector<16xf32>
      %swap3A_369 = vector.shape_cast %get3A_364 : vector<16xf32> to vector<1x16xf32>
      tpu.vector_store %arg8[%swap3A_365, %swap3A_366], %swap3A_369 {add = true, strides = array<i32>} : memref<200x128xf32, #tpu.memory_space<vmem>>, vector<1x16xf32>,
      %get3A_370 = arith.index_cast %add3A_360 : i32 to index
      %get3A_371 = arith.constant 16 : index
      %get3A_372 = tpu.vector_load %arg7[%get3A_370, %get3A_371] {strides = array<i32>} : memref<200x128xf32, #tpu.memory_space<vmem>>, vector<1x16xf32>,
      %get3A_373 = vector.shape_cast %get3A_372 : vector<1x16xf32> to vector<16xf32>
      %swap3A_374 = arith.index_cast %add3A_360 : i32 to index
      %swap3A_375 = arith.constant 16 : index
      %swap3A_376 = tpu.vector_load %arg8[%swap3A_374, %swap3A_375] {strides = array<i32>} : memref<200x128xf32, #tpu.memory_space<vmem>>, vector<1x16xf32>,
      %swap3A_377 = vector.shape_cast %swap3A_376 : vector<1x16xf32> to vector<16xf32>
      %swap3A_378 = vector.shape_cast %get3A_373 : vector<16xf32> to vector<1x16xf32>
      tpu.vector_store %arg8[%swap3A_374, %swap3A_375], %swap3A_378 {add = true, strides = array<i32>} : memref<200x128xf32, #tpu.memory_space<vmem>>, vector<1x16xf32>,
      %get3A_379 = arith.index_cast %add3A_360 : i32 to index
      %get3A_380 = arith.constant 32 : index
      %get3A_381 = tpu.vector_load %arg7[%get3A_379, %get3A_380] {strides = array<i32>} : memref<200x128xf32, #tpu.memory_space<vmem>>, vector<1x16xf32>,
      %get3A_382 = vector.shape_cast %get3A_381 : vector<1x16xf32> to vector<16xf32>
      %swap3A_383 = arith.index_cast %add3A_360 : i32 to index
      %swap3A_384 = arith.constant 32 : index
      %swap3A_385 = tpu.vector_load %arg8[%swap3A_383, %swap3A_384] {strides = array<i32>} : memref<200x128xf32, #tpu.memory_space<vmem>>, vector<1x16xf32>,
      %swap3A_386 = vector.shape_cast %swap3A_385 : vector<1x16xf32> to vector<16xf32>
      %swap3A_387 = vector.shape_cast %get3A_382 : vector<16xf32> to vector<1x16xf32>
      tpu.vector_store %arg8[%swap3A_383, %swap3A_384], %swap3A_387 {add = true, strides = array<i32>} : memref<200x128xf32, #tpu.memory_space<vmem>>, vector<1x16xf32>,
      %get3A_388 = arith.index_cast %add3A_360 : i32 to index
      %get3A_389 = arith.constant 48 : index
      %get3A_390 = tpu.vector_load %arg7[%get3A_388, %get3A_389] {strides = array<i32>} : memref<200x128xf32, #tpu.memory_space<vmem>>, vector<1x16xf32>,
      %get3A_391 = vector.shape_cast %get3A_390 : vector<1x16xf32> to vector<16xf32>
      %swap3A_392 = arith.index_cast %add3A_360 : i32 to index
      %swap3A_393 = arith.constant 48 : index
      %swap3A_394 = tpu.vector_load %arg8[%swap3A_392, %swap3A_393] {strides = array<i32>} : memref<200x128xf32, #tpu.memory_space<vmem>>, vector<1x16xf32>,
      %swap3A_395 = vector.shape_cast %swap3A_394 : vector<1x16xf32> to vector<16xf32>
      %swap3A_396 = vector.shape_cast %get3A_391 : vector<16xf32> to vector<1x16xf32>
      tpu.vector_store %arg8[%swap3A_392, %swap3A_393], %swap3A_396 {add = true, strides = array<i32>} : memref<200x128xf32, #tpu.memory_space<vmem>>, vector<1x16xf32>,
      %get3A_397 = arith.index_cast %add3A_360 : i32 to index
      %get3A_398 = arith.constant 64 : index
      %get3A_399 = tpu.vector_load %arg7[%get3A_397, %get3A_398] {strides = array<i32>} : memref<200x128xf32, #tpu.memory_space<vmem>>, vector<1x16xf32>,
      %get3A_400 = vector.shape_cast %get3A_399 : vector<1x16xf32> to vector<16xf32>
      %swap3A_401 = arith.index_cast %add3A_360 : i32 to index
      %swap3A_402 = arith.constant 64 : index
      %swap3A_403 = tpu.vector_load %arg8[%swap3A_401, %swap3A_402] {strides = array<i32>} : memref<200x128xf32, #tpu.memory_space<vmem>>, vector<1x16xf32>,
      %swap3A_404 = vector.shape_cast %swap3A_403 : vector<1x16xf32> to vector<16xf32>
      %swap3A_405 = vector.shape_cast %get3A_400 : vector<16xf32> to vector<1x16xf32>
      tpu.vector_store %arg8[%swap3A_401, %swap3A_402], %swap3A_405 {add = true, strides = array<i32>} : memref<200x128xf32, #tpu.memory_space<vmem>>, vector<1x16xf32>,
      %get3A_406 = arith.index_cast %add3A_360 : i32 to index
      %get3A_407 = arith.constant 80 : index
      %get3A_408 = tpu.vector_load %arg7[%get3A_406, %get3A_407] {strides = array<i32>} : memref<200x128xf32, #tpu.memory_space<vmem>>, vector<1x16xf32>,
      %get3A_409 = vector.shape_cast %get3A_408 : vector<1x16xf32> to vector<16xf32>
      %swap3A_410 = arith.index_cast %add3A_360 : i32 to index
      %swap3A_411 = arith.constant 80 : index
      %swap3A_412 = tpu.vector_load %arg8[%swap3A_410, %swap3A_411] {strides = array<i32>} : memref<200x128xf32, #tpu.memory_space<vmem>>, vector<1x16xf32>,
      %swap3A_413 = vector.shape_cast %swap3A_412 : vector<1x16xf32> to vector<16xf32>
      %swap3A_414 = vector.shape_cast %get3A_409 : vector<16xf32> to vector<1x16xf32>
      tpu.vector_store %arg8[%swap3A_410, %swap3A_411], %swap3A_414 {add = true, strides = array<i32>} : memref<200x128xf32, #tpu.memory_space<vmem>>, vector<1x16xf32>,
      %get3A_415 = arith.index_cast %add3A_360 : i32 to index
      %get3A_416 = arith.constant 96 : index
      %get3A_417 = tpu.vector_load %arg7[%get3A_415, %get3A_416] {strides = array<i32>} : memref<200x128xf32, #tpu.memory_space<vmem>>, vector<1x16xf32>,
      %get3A_418 = vector.shape_cast %get3A_417 : vector<1x16xf32> to vector<16xf32>
      %swap3A_419 = arith.index_cast %add3A_360 : i32 to index
      %swap3A_420 = arith.constant 96 : index
      %swap3A_421 = tpu.vector_load %arg8[%swap3A_419, %swap3A_420] {strides = array<i32>} : memref<200x128xf32, #tpu.memory_space<vmem>>, vector<1x16xf32>,
      %swap3A_422 = vector.shape_cast %swap3A_421 : vector<1x16xf32> to vector<16xf32>
      %swap3A_423 = vector.shape_cast %get3A_418 : vector<16xf32> to vector<1x16xf32>
      tpu.vector_store %arg8[%swap3A_419, %swap3A_420], %swap3A_423 {add = true, strides = array<i32>} : memref<200x128xf32, #tpu.memory_space<vmem>>, vector<1x16xf32>,
      %get3A_424 = arith.index_cast %add3A_360 : i32 to index
      %get3A_425 = arith.constant 112 : index
      %get3A_426 = tpu.vector_load %arg7[%get3A_424, %get3A_425] {strides = array<i32>} : memref<200x128xf32, #tpu.memory_space<vmem>>, vector<1x16xf32>,
      %get3A_427 = vector.shape_cast %get3A_426 : vector<1x16xf32> to vector<16xf32>
      %swap3A_428 = arith.index_cast %add3A_360 : i32 to index
      %swap3A_429 = arith.constant 112 : index
      %swap3A_430 = tpu.vector_load %arg8[%swap3A_428, %swap3A_429] {strides = array<i32>} : memref<200x128xf32, #tpu.memory_space<vmem>>, vector<1x16xf32>,
      %swap3A_431 = vector.shape_cast %swap3A_430 : vector<1x16xf32> to vector<16xf32>
      %swap3A_432 = vector.shape_cast %get3A_427 : vector<16xf32> to vector<1x16xf32>
      tpu.vector_store %arg8[%swap3A_428, %swap3A_429], %swap3A_432 {add = true, strides = array<i32>} : memref<200x128xf32, #tpu.memory_space<vmem>>, vector<1x16xf32>,
    }
    %scan3A_53 = arith.constant 50 : i32
    %mul3A_54 = arith.constant 128 : i32
    %mul3A_55 = arith.muli %add3A, %mul3A_54 : i32
    %add3A_56 = arith.constant 0 : i32
    %add3A_57 = arith.addi %mul3A_55, %add3A_56 : i32
    %mul3A_58 = arith.constant 200 : i32
    %mul3A_59 = arith.muli %add3A_57, %mul3A_58 : i32
    %dma_start3A_60 = arith.constant 0 : i32
    %dma_start3A_61 = tpu.memref_slice %arg5[%mul3A_59, %dma_start3A_60] : memref<819200x128xf32, #tpu.memory_space<hbm>> -> memref<200x128xf32, #tpu.memory_space<hbm>>
    %dma_start3A_62 = arith.constant 0 : i32
    %dma_start3A_63 = tpu.memref_slice %arg5[%mul3A_59, %dma_start3A_62] : memref<819200x128xf32, #tpu.memory_space<hbm>> -> memref<200x128xf32, #tpu.memory_space<hbm>>
    tpu.enqueue_dma source(%arg8 : memref<200x128xf32, #tpu.memory_space<vmem>>) target(%dma_start3A_63 : memref<200x128xf32, #tpu.memory_space<hbm>>) target_semaphore(%arg14 : memref<!tpu.dma_semaphore, #tpu.memory_space<semaphore_mem>>)
    %dma_start3A_64 = arith.constant 0 : i32
    %dma_start3A_65 = arith.constant 0 : i32
    %dma_start3A_66 = tpu.memref_slice %arg10[%dma_start3A_64, %dma_start3A_65] : memref<200x128xf32, #tpu.memory_space<vmem>> -> memref<128x128xf32, #tpu.memory_space<vmem>>
    %dma_start3A_67 = arith.constant 400 : i32
    %dma_start3A_68 = tpu.memref_slice %arg6[%dma_start3A_67] : memref<25600xi32, #tpu.memory_space<vmem>> -> memref<128xi32, #tpu.memory_space<vmem>>
    %dma_start3A_69 = arith.constant 0 : i32
    %dma_start3A_70 = arith.constant 0 : i32
    %dma_start3A_71 = tpu.memref_slice %arg2[%dma_start3A_69, %dma_start3A_70] : memref<100000x128xf32, #tpu.memory_space<hbm>> -> memref<100000x128xf32, #tpu.memory_space<hbm>>
    tpu.enqueue_indirect_dma source(%dma_start3A_71 : memref<100000x128xf32, #tpu.memory_space<hbm>>) target(%dma_start3A_66 : memref<128x128xf32, #tpu.memory_space<vmem>>) offsets(%dma_start3A_68 : memref<128xi32, #tpu.memory_space<vmem>>) semaphore(%arg13 : memref<!tpu.dma_semaphore, #tpu.memory_space<semaphore_mem>>)
    %dma_start3A_72 = arith.constant 128 : i32
    %dma_start3A_73 = arith.constant 0 : i32
    %dma_start3A_74 = tpu.memref_slice %arg10[%dma_start3A_72, %dma_start3A_73] : memref<200x128xf32, #tpu.memory_space<vmem>> -> memref<72x128xf32, #tpu.memory_space<vmem>>
    %dma_start3A_75 = arith.constant 528 : i32
    %dma_start3A_76 = tpu.memref_slice %arg6[%dma_start3A_75] : memref<25600xi32, #tpu.memory_space<vmem>> -> memref<72xi32, #tpu.memory_space<vmem>>
    %dma_start3A_77 = arith.constant 0 : i32
    %dma_start3A_78 = arith.constant 0 : i32
    %dma_start3A_79 = tpu.memref_slice %arg2[%dma_start3A_77, %dma_start3A_78] : memref<100000x128xf32, #tpu.memory_space<hbm>> -> memref<100000x128xf32, #tpu.memory_space<hbm>>
    tpu.enqueue_indirect_dma source(%dma_start3A_79 : memref<100000x128xf32, #tpu.memory_space<hbm>>) target(%dma_start3A_74 : memref<72x128xf32, #tpu.memory_space<vmem>>) offsets(%dma_start3A_76 : memref<72xi32, #tpu.memory_space<vmem>>) semaphore(%arg13 : memref<!tpu.dma_semaphore, #tpu.memory_space<semaphore_mem>>)
    %dma_wait3A_80 = arith.constant 0 : i32
    %dma_wait3A_81 = arith.constant 0 : i32
    %dma_wait3A_82 = tpu.memref_slice %arg9[%dma_wait3A_80, %dma_wait3A_81] : memref<200x128xf32, #tpu.memory_space<vmem>> -> memref<128x128xf32, #tpu.memory_space<vmem>>
    %dma_wait3A_83 = arith.constant 200 : i32
    %dma_wait3A_84 = tpu.memref_slice %arg6[%dma_wait3A_83] : memref<25600xi32, #tpu.memory_space<vmem>> -> memref<128xi32, #tpu.memory_space<vmem>>
    %dma_wait3A_85 = arith.constant 0 : i32
    %dma_wait3A_86 = arith.constant 0 : i32
    %dma_wait3A_87 = tpu.memref_slice %arg2[%dma_wait3A_85, %dma_wait3A_86] : memref<100000x128xf32, #tpu.memory_space<hbm>> -> memref<100000x128xf32, #tpu.memory_space<hbm>>
    tpu.wait_indirect_dma semaphore(%arg12 : memref<!tpu.dma_semaphore, #tpu.memory_space<semaphore_mem>>) src(%dma_wait3A_87 : memref<100000x128xf32, #tpu.memory_space<hbm>>) dst(%dma_wait3A_82 : memref<128x128xf32, #tpu.memory_space<vmem>>)
    %dma_wait3A_88 = arith.constant 128 : i32
    %dma_wait3A_89 = arith.constant 0 : i32
    %dma_wait3A_90 = tpu.memref_slice %arg9[%dma_wait3A_88, %dma_wait3A_89] : memref<200x128xf32, #tpu.memory_space<vmem>> -> memref<72x128xf32, #tpu.memory_space<vmem>>
    %dma_wait3A_91 = arith.constant 328 : i32
    %dma_wait3A_92 = tpu.memref_slice %arg6[%dma_wait3A_91] : memref<25600xi32, #tpu.memory_space<vmem>> -> memref<72xi32, #tpu.memory_space<vmem>>
    %dma_wait3A_93 = arith.constant 0 : i32
    %dma_wait3A_94 = arith.constant 0 : i32
    %dma_wait3A_95 = tpu.memref_slice %arg2[%dma_wait3A_93, %dma_wait3A_94] : memref<100000x128xf32, #tpu.memory_space<hbm>> -> memref<100000x128xf32, #tpu.memory_space<hbm>>
    tpu.wait_indirect_dma semaphore(%arg12 : memref<!tpu.dma_semaphore, #tpu.memory_space<semaphore_mem>>) src(%dma_wait3A_95 : memref<100000x128xf32, #tpu.memory_space<hbm>>) dst(%dma_wait3A_90 : memref<72x128xf32, #tpu.memory_space<vmem>>)
    %scan3A_96 = arith.constant 0 : i32
    %scan3A_97 = arith.constant 0 : i32
    %scan3A_98 = arith.constant 50 : i32
    %scan3A_99 = arith.addi %scan3A_97, %scan3A_98 : i32
    %scan3A_100 = arith.constant 1 : i32
    scf.for %scan3A_130 = %scan3A_97 to %scan3A_99 step %scan3A_100  : i32 {
      %mul3A_131 = arith.constant 4 : i32
      %mul3A_132 = arith.muli %mul3A_131, %scan3A_130 : i32
      %add3A_133 = arith.constant 0 : i32
      %add3A_134 = arith.addi %mul3A_132, %add3A_133 : i32
      %get3A = arith.index_cast %add3A_134 : i32 to index
      %get3A_135 = arith.constant 0 : index
      %get3A_136 = tpu.vector_load %arg7[%get3A, %get3A_135] {strides = array<i32>} : memref<200x128xf32, #tpu.memory_space<vmem>>, vector<1x16xf32>,
      %get3A_137 = vector.shape_cast %get3A_136 : vector<1x16xf32> to vector<16xf32>
      %swap3A = arith.index_cast %add3A_134 : i32 to index
      %swap3A_138 = arith.constant 0 : index
      %swap3A_139 = tpu.vector_load %arg9[%swap3A, %swap3A_138] {strides = array<i32>} : memref<200x128xf32, #tpu.memory_space<vmem>>, vector<1x16xf32>,
      %swap3A_140 = vector.shape_cast %swap3A_139 : vector<1x16xf32> to vector<16xf32>
      %swap3A_141 = vector.shape_cast %get3A_137 : vector<16xf32> to vector<1x16xf32>
      tpu.vector_store %arg9[%swap3A, %swap3A_138], %swap3A_141 {add = true, strides = array<i32>} : memref<200x128xf32, #tpu.memory_space<vmem>>, vector<1x16xf32>,
      %get3A_142 = arith.index_cast %add3A_134 : i32 to index
      %get3A_143 = arith.constant 16 : index
      %get3A_144 = tpu.vector_load %arg7[%get3A_142, %get3A_143] {strides = array<i32>} : memref<200x128xf32, #tpu.memory_space<vmem>>, vector<1x16xf32>,
      %get3A_145 = vector.shape_cast %get3A_144 : vector<1x16xf32> to vector<16xf32>
      %swap3A_146 = arith.index_cast %add3A_134 : i32 to index
      %swap3A_147 = arith.constant 16 : index
      %swap3A_148 = tpu.vector_load %arg9[%swap3A_146, %swap3A_147] {strides = array<i32>} : memref<200x128xf32, #tpu.memory_space<vmem>>, vector<1x16xf32>,
      %swap3A_149 = vector.shape_cast %swap3A_148 : vector<1x16xf32> to vector<16xf32>
      %swap3A_150 = vector.shape_cast %get3A_145 : vector<16xf32> to vector<1x16xf32>
      tpu.vector_store %arg9[%swap3A_146, %swap3A_147], %swap3A_150 {add = true, strides = array<i32>} : memref<200x128xf32, #tpu.memory_space<vmem>>, vector<1x16xf32>,
      %get3A_151 = arith.index_cast %add3A_134 : i32 to index
      %get3A_152 = arith.constant 32 : index
      %get3A_153 = tpu.vector_load %arg7[%get3A_151, %get3A_152] {strides = array<i32>} : memref<200x128xf32, #tpu.memory_space<vmem>>, vector<1x16xf32>,
      %get3A_154 = vector.shape_cast %get3A_153 : vector<1x16xf32> to vector<16xf32>
      %swap3A_155 = arith.index_cast %add3A_134 : i32 to index
      %swap3A_156 = arith.constant 32 : index
      %swap3A_157 = tpu.vector_load %arg9[%swap3A_155, %swap3A_156] {strides = array<i32>} : memref<200x128xf32, #tpu.memory_space<vmem>>, vector<1x16xf32>,
      %swap3A_158 = vector.shape_cast %swap3A_157 : vector<1x16xf32> to vector<16xf32>
      %swap3A_159 = vector.shape_cast %get3A_154 : vector<16xf32> to vector<1x16xf32>
      tpu.vector_store %arg9[%swap3A_155, %swap3A_156], %swap3A_159 {add = true, strides = array<i32>} : memref<200x128xf32, #tpu.memory_space<vmem>>, vector<1x16xf32>,
      %get3A_160 = arith.index_cast %add3A_134 : i32 to index
      %get3A_161 = arith.constant 48 : index
      %get3A_162 = tpu.vector_load %arg7[%get3A_160, %get3A_161] {strides = array<i32>} : memref<200x128xf32, #tpu.memory_space<vmem>>, vector<1x16xf32>,
      %get3A_163 = vector.shape_cast %get3A_162 : vector<1x16xf32> to vector<16xf32>
      %swap3A_164 = arith.index_cast %add3A_134 : i32 to index
      %swap3A_165 = arith.constant 48 : index
      %swap3A_166 = tpu.vector_load %arg9[%swap3A_164, %swap3A_165] {strides = array<i32>} : memref<200x128xf32, #tpu.memory_space<vmem>>, vector<1x16xf32>,
      %swap3A_167 = vector.shape_cast %swap3A_166 : vector<1x16xf32> to vector<16xf32>
      %swap3A_168 = vector.shape_cast %get3A_163 : vector<16xf32> to vector<1x16xf32>
      tpu.vector_store %arg9[%swap3A_164, %swap3A_165], %swap3A_168 {add = true, strides = array<i32>} : memref<200x128xf32, #tpu.memory_space<vmem>>, vector<1x16xf32>,
      %get3A_169 = arith.index_cast %add3A_134 : i32 to index
      %get3A_170 = arith.constant 64 : index
      %get3A_171 = tpu.vector_load %arg7[%get3A_169, %get3A_170] {strides = array<i32>} : memref<200x128xf32, #tpu.memory_space<vmem>>, vector<1x16xf32>,
      %get3A_172 = vector.shape_cast %get3A_171 : vector<1x16xf32> to vector<16xf32>
      %swap3A_173 = arith.index_cast %add3A_134 : i32 to index
      %swap3A_174 = arith.constant 64 : index
      %swap3A_175 = tpu.vector_load %arg9[%swap3A_173, %swap3A_174] {strides = array<i32>} : memref<200x128xf32, #tpu.memory_space<vmem>>, vector<1x16xf32>,
      %swap3A_176 = vector.shape_cast %swap3A_175 : vector<1x16xf32> to vector<16xf32>
      %swap3A_177 = vector.shape_cast %get3A_172 : vector<16xf32> to vector<1x16xf32>
      tpu.vector_store %arg9[%swap3A_173, %swap3A_174], %swap3A_177 {add = true, strides = array<i32>} : memref<200x128xf32, #tpu.memory_space<vmem>>, vector<1x16xf32>,
      %get3A_178 = arith.index_cast %add3A_134 : i32 to index
      %get3A_179 = arith.constant 80 : index
      %get3A_180 = tpu.vector_load %arg7[%get3A_178, %get3A_179] {strides = array<i32>} : memref<200x128xf32, #tpu.memory_space<vmem>>, vector<1x16xf32>,
      %get3A_181 = vector.shape_cast %get3A_180 : vector<1x16xf32> to vector<16xf32>
      %swap3A_182 = arith.index_cast %add3A_134 : i32 to index
      %swap3A_183 = arith.constant 80 : index
      %swap3A_184 = tpu.vector_load %arg9[%swap3A_182, %swap3A_183] {strides = array<i32>} : memref<200x128xf32, #tpu.memory_space<vmem>>, vector<1x16xf32>,
      %swap3A_185 = vector.shape_cast %swap3A_184 : vector<1x16xf32> to vector<16xf32>
      %swap3A_186 = vector.shape_cast %get3A_181 : vector<16xf32> to vector<1x16xf32>
      tpu.vector_store %arg9[%swap3A_182, %swap3A_183], %swap3A_186 {add = true, strides = array<i32>} : memref<200x128xf32, #tpu.memory_space<vmem>>, vector<1x16xf32>,
      %get3A_187 = arith.index_cast %add3A_134 : i32 to index
      %get3A_188 = arith.constant 96 : index
      %get3A_189 = tpu.vector_load %arg7[%get3A_187, %get3A_188] {strides = array<i32>} : memref<200x128xf32, #tpu.memory_space<vmem>>, vector<1x16xf32>,
      %get3A_190 = vector.shape_cast %get3A_189 : vector<1x16xf32> to vector<16xf32>
      %swap3A_191 = arith.index_cast %add3A_134 : i32 to index
      %swap3A_192 = arith.constant 96 : index
      %swap3A_193 = tpu.vector_load %arg9[%swap3A_191, %swap3A_192] {strides = array<i32>} : memref<200x128xf32, #tpu.memory_space<vmem>>, vector<1x16xf32>,
      %swap3A_194 = vector.shape_cast %swap3A_193 : vector<1x16xf32> to vector<16xf32>
      %swap3A_195 = vector.shape_cast %get3A_190 : vector<16xf32> to vector<1x16xf32>
      tpu.vector_store %arg9[%swap3A_191, %swap3A_192], %swap3A_195 {add = true, strides = array<i32>} : memref<200x128xf32, #tpu.memory_space<vmem>>, vector<1x16xf32>,
      %get3A_196 = arith.index_cast %add3A_134 : i32 to index
      %get3A_197 = arith.constant 112 : index
      %get3A_198 = tpu.vector_load %arg7[%get3A_196, %get3A_197] {strides = array<i32>} : memref<200x128xf32, #tpu.memory_space<vmem>>, vector<1x16xf32>,
      %get3A_199 = vector.shape_cast %get3A_198 : vector<1x16xf32> to vector<16xf32>
      %swap3A_200 = arith.index_cast %add3A_134 : i32 to index
      %swap3A_201 = arith.constant 112 : index
      %swap3A_202 = tpu.vector_load %arg9[%swap3A_200, %swap3A_201] {strides = array<i32>} : memref<200x128xf32, #tpu.memory_space<vmem>>, vector<1x16xf32>,
      %swap3A_203 = vector.shape_cast %swap3A_202 : vector<1x16xf32> to vector<16xf32>
      %swap3A_204 = vector.shape_cast %get3A_199 : vector<16xf32> to vector<1x16xf32>
      tpu.vector_store %arg9[%swap3A_200, %swap3A_201], %swap3A_204 {add = true, strides = array<i32>} : memref<200x128xf32, #tpu.memory_space<vmem>>, vector<1x16xf32>,
      %mul3A_205 = arith.constant 4 : i32
      %mul3A_206 = arith.muli %mul3A_205, %scan3A_130 : i32
      %add3A_207 = arith.constant 1 : i32
      %add3A_208 = arith.addi %mul3A_206, %add3A_207 : i32
      %get3A_209 = arith.index_cast %add3A_208 : i32 to index
      %get3A_210 = arith.constant 0 : index
      %get3A_211 = tpu.vector_load %arg7[%get3A_209, %get3A_210] {strides = array<i32>} : memref<200x128xf32, #tpu.memory_space<vmem>>, vector<1x16xf32>,
      %get3A_212 = vector.shape_cast %get3A_211 : vector<1x16xf32> to vector<16xf32>
      %swap3A_213 = arith.index_cast %add3A_208 : i32 to index
      %swap3A_214 = arith.constant 0 : index
      %swap3A_215 = tpu.vector_load %arg9[%swap3A_213, %swap3A_214] {strides = array<i32>} : memref<200x128xf32, #tpu.memory_space<vmem>>, vector<1x16xf32>,
      %swap3A_216 = vector.shape_cast %swap3A_215 : vector<1x16xf32> to vector<16xf32>
      %swap3A_217 = vector.shape_cast %get3A_212 : vector<16xf32> to vector<1x16xf32>
      tpu.vector_store %arg9[%swap3A_213, %swap3A_214], %swap3A_217 {add = true, strides = array<i32>} : memref<200x128xf32, #tpu.memory_space<vmem>>, vector<1x16xf32>,
      %get3A_218 = arith.index_cast %add3A_208 : i32 to index
      %get3A_219 = arith.constant 16 : index
      %get3A_220 = tpu.vector_load %arg7[%get3A_218, %get3A_219] {strides = array<i32>} : memref<200x128xf32, #tpu.memory_space<vmem>>, vector<1x16xf32>,
      %get3A_221 = vector.shape_cast %get3A_220 : vector<1x16xf32> to vector<16xf32>
      %swap3A_222 = arith.index_cast %add3A_208 : i32 to index
      %swap3A_223 = arith.constant 16 : index
      %swap3A_224 = tpu.vector_load %arg9[%swap3A_222, %swap3A_223] {strides = array<i32>} : memref<200x128xf32, #tpu.memory_space<vmem>>, vector<1x16xf32>,
      %swap3A_225 = vector.shape_cast %swap3A_224 : vector<1x16xf32> to vector<16xf32>
      %swap3A_226 = vector.shape_cast %get3A_221 : vector<16xf32> to vector<1x16xf32>
      tpu.vector_store %arg9[%swap3A_222, %swap3A_223], %swap3A_226 {add = true, strides = array<i32>} : memref<200x128xf32, #tpu.memory_space<vmem>>, vector<1x16xf32>,
      %get3A_227 = arith.index_cast %add3A_208 : i32 to index
      %get3A_228 = arith.constant 32 : index
      %get3A_229 = tpu.vector_load %arg7[%get3A_227, %get3A_228] {strides = array<i32>} : memref<200x128xf32, #tpu.memory_space<vmem>>, vector<1x16xf32>,
      %get3A_230 = vector.shape_cast %get3A_229 : vector<1x16xf32> to vector<16xf32>
      %swap3A_231 = arith.index_cast %add3A_208 : i32 to index
      %swap3A_232 = arith.constant 32 : index
      %swap3A_233 = tpu.vector_load %arg9[%swap3A_231, %swap3A_232] {strides = array<i32>} : memref<200x128xf32, #tpu.memory_space<vmem>>, vector<1x16xf32>,
      %swap3A_234 = vector.shape_cast %swap3A_233 : vector<1x16xf32> to vector<16xf32>
      %swap3A_235 = vector.shape_cast %get3A_230 : vector<16xf32> to vector<1x16xf32>
      tpu.vector_store %arg9[%swap3A_231, %swap3A_232], %swap3A_235 {add = true, strides = array<i32>} : memref<200x128xf32, #tpu.memory_space<vmem>>, vector<1x16xf32>,
      %get3A_236 = arith.index_cast %add3A_208 : i32 to index
      %get3A_237 = arith.constant 48 : index
      %get3A_238 = tpu.vector_load %arg7[%get3A_236, %get3A_237] {strides = array<i32>} : memref<200x128xf32, #tpu.memory_space<vmem>>, vector<1x16xf32>,
      %get3A_239 = vector.shape_cast %get3A_238 : vector<1x16xf32> to vector<16xf32>
      %swap3A_240 = arith.index_cast %add3A_208 : i32 to index
      %swap3A_241 = arith.constant 48 : index
      %swap3A_242 = tpu.vector_load %arg9[%swap3A_240, %swap3A_241] {strides = array<i32>} : memref<200x128xf32, #tpu.memory_space<vmem>>, vector<1x16xf32>,
      %swap3A_243 = vector.shape_cast %swap3A_242 : vector<1x16xf32> to vector<16xf32>
      %swap3A_244 = vector.shape_cast %get3A_239 : vector<16xf32> to vector<1x16xf32>
      tpu.vector_store %arg9[%swap3A_240, %swap3A_241], %swap3A_244 {add = true, strides = array<i32>} : memref<200x128xf32, #tpu.memory_space<vmem>>, vector<1x16xf32>,
      %get3A_245 = arith.index_cast %add3A_208 : i32 to index
      %get3A_246 = arith.constant 64 : index
      %get3A_247 = tpu.vector_load %arg7[%get3A_245, %get3A_246] {strides = array<i32>} : memref<200x128xf32, #tpu.memory_space<vmem>>, vector<1x16xf32>,
      %get3A_248 = vector.shape_cast %get3A_247 : vector<1x16xf32> to vector<16xf32>
      %swap3A_249 = arith.index_cast %add3A_208 : i32 to index
      %swap3A_250 = arith.constant 64 : index
      %swap3A_251 = tpu.vector_load %arg9[%swap3A_249, %swap3A_250] {strides = array<i32>} : memref<200x128xf32, #tpu.memory_space<vmem>>, vector<1x16xf32>,
      %swap3A_252 = vector.shape_cast %swap3A_251 : vector<1x16xf32> to vector<16xf32>
      %swap3A_253 = vector.shape_cast %get3A_248 : vector<16xf32> to vector<1x16xf32>
      tpu.vector_store %arg9[%swap3A_249, %swap3A_250], %swap3A_253 {add = true, strides = array<i32>} : memref<200x128xf32, #tpu.memory_space<vmem>>, vector<1x16xf32>,
      %get3A_254 = arith.index_cast %add3A_208 : i32 to index
      %get3A_255 = arith.constant 80 : index
      %get3A_256 = tpu.vector_load %arg7[%get3A_254, %get3A_255] {strides = array<i32>} : memref<200x128xf32, #tpu.memory_space<vmem>>, vector<1x16xf32>,
      %get3A_257 = vector.shape_cast %get3A_256 : vector<1x16xf32> to vector<16xf32>
      %swap3A_258 = arith.index_cast %add3A_208 : i32 to index
      %swap3A_259 = arith.constant 80 : index
      %swap3A_260 = tpu.vector_load %arg9[%swap3A_258, %swap3A_259] {strides = array<i32>} : memref<200x128xf32, #tpu.memory_space<vmem>>, vector<1x16xf32>,
      %swap3A_261 = vector.shape_cast %swap3A_260 : vector<1x16xf32> to vector<16xf32>
      %swap3A_262 = vector.shape_cast %get3A_257 : vector<16xf32> to vector<1x16xf32>
      tpu.vector_store %arg9[%swap3A_258, %swap3A_259], %swap3A_262 {add = true, strides = array<i32>} : memref<200x128xf32, #tpu.memory_space<vmem>>, vector<1x16xf32>,
      %get3A_263 = arith.index_cast %add3A_208 : i32 to index
      %get3A_264 = arith.constant 96 : index
      %get3A_265 = tpu.vector_load %arg7[%get3A_263, %get3A_264] {strides = array<i32>} : memref<200x128xf32, #tpu.memory_space<vmem>>, vector<1x16xf32>,
      %get3A_266 = vector.shape_cast %get3A_265 : vector<1x16xf32> to vector<16xf32>
      %swap3A_267 = arith.index_cast %add3A_208 : i32 to index
      %swap3A_268 = arith.constant 96 : index
      %swap3A_269 = tpu.vector_load %arg9[%swap3A_267, %swap3A_268] {strides = array<i32>} : memref<200x128xf32, #tpu.memory_space<vmem>>, vector<1x16xf32>,
      %swap3A_270 = vector.shape_cast %swap3A_269 : vector<1x16xf32> to vector<16xf32>
      %swap3A_271 = vector.shape_cast %get3A_266 : vector<16xf32> to vector<1x16xf32>
      tpu.vector_store %arg9[%swap3A_267, %swap3A_268], %swap3A_271 {add = true, strides = array<i32>} : memref<200x128xf32, #tpu.memory_space<vmem>>, vector<1x16xf32>,
      %get3A_272 = arith.index_cast %add3A_208 : i32 to index
      %get3A_273 = arith.constant 112 : index
      %get3A_274 = tpu.vector_load %arg7[%get3A_272, %get3A_273] {strides = array<i32>} : memref<200x128xf32, #tpu.memory_space<vmem>>, vector<1x16xf32>,
      %get3A_275 = vector.shape_cast %get3A_274 : vector<1x16xf32> to vector<16xf32>
      %swap3A_276 = arith.index_cast %add3A_208 : i32 to index
      %swap3A_277 = arith.constant 112 : index
      %swap3A_278 = tpu.vector_load %arg9[%swap3A_276, %swap3A_277] {strides = array<i32>} : memref<200x128xf32, #tpu.memory_space<vmem>>, vector<1x16xf32>,
      %swap3A_279 = vector.shape_cast %swap3A_278 : vector<1x16xf32> to vector<16xf32>
      %swap3A_280 = vector.shape_cast %get3A_275 : vector<16xf32> to vector<1x16xf32>
      tpu.vector_store %arg9[%swap3A_276, %swap3A_277], %swap3A_280 {add = true, strides = array<i32>} : memref<200x128xf32, #tpu.memory_space<vmem>>, vector<1x16xf32>,
      %mul3A_281 = arith.constant 4 : i32
      %mul3A_282 = arith.muli %mul3A_281, %scan3A_130 : i32
      %add3A_283 = arith.constant 2 : i32
      %add3A_284 = arith.addi %mul3A_282, %add3A_283 : i32
      %get3A_285 = arith.index_cast %add3A_284 : i32 to index
      %get3A_286 = arith.constant 0 : index
      %get3A_287 = tpu.vector_load %arg7[%get3A_285, %get3A_286] {strides = array<i32>} : memref<200x128xf32, #tpu.memory_space<vmem>>, vector<1x16xf32>,
      %get3A_288 = vector.shape_cast %get3A_287 : vector<1x16xf32> to vector<16xf32>
      %swap3A_289 = arith.index_cast %add3A_284 : i32 to index
      %swap3A_290 = arith.constant 0 : index
      %swap3A_291 = tpu.vector_load %arg9[%swap3A_289, %swap3A_290] {strides = array<i32>} : memref<200x128xf32, #tpu.memory_space<vmem>>, vector<1x16xf32>,
      %swap3A_292 = vector.shape_cast %swap3A_291 : vector<1x16xf32> to vector<16xf32>
      %swap3A_293 = vector.shape_cast %get3A_288 : vector<16xf32> to vector<1x16xf32>
      tpu.vector_store %arg9[%swap3A_289, %swap3A_290], %swap3A_293 {add = true, strides = array<i32>} : memref<200x128xf32, #tpu.memory_space<vmem>>, vector<1x16xf32>,
      %get3A_294 = arith.index_cast %add3A_284 : i32 to index
      %get3A_295 = arith.constant 16 : index
      %get3A_296 = tpu.vector_load %arg7[%get3A_294, %get3A_295] {strides = array<i32>} : memref<200x128xf32, #tpu.memory_space<vmem>>, vector<1x16xf32>,
      %get3A_297 = vector.shape_cast %get3A_296 : vector<1x16xf32> to vector<16xf32>
      %swap3A_298 = arith.index_cast %add3A_284 : i32 to index
      %swap3A_299 = arith.constant 16 : index
      %swap3A_300 = tpu.vector_load %arg9[%swap3A_298, %swap3A_299] {strides = array<i32>} : memref<200x128xf32, #tpu.memory_space<vmem>>, vector<1x16xf32>,
      %swap3A_301 = vector.shape_cast %swap3A_300 : vector<1x16xf32> to vector<16xf32>
      %swap3A_302 = vector.shape_cast %get3A_297 : vector<16xf32> to vector<1x16xf32>
      tpu.vector_store %arg9[%swap3A_298, %swap3A_299], %swap3A_302 {add = true, strides = array<i32>} : memref<200x128xf32, #tpu.memory_space<vmem>>, vector<1x16xf32>,
      %get3A_303 = arith.index_cast %add3A_284 : i32 to index
      %get3A_304 = arith.constant 32 : index
      %get3A_305 = tpu.vector_load %arg7[%get3A_303, %get3A_304] {strides = array<i32>} : memref<200x128xf32, #tpu.memory_space<vmem>>, vector<1x16xf32>,
      %get3A_306 = vector.shape_cast %get3A_305 : vector<1x16xf32> to vector<16xf32>
      %swap3A_307 = arith.index_cast %add3A_284 : i32 to index
      %swap3A_308 = arith.constant 32 : index
      %swap3A_309 = tpu.vector_load %arg9[%swap3A_307, %swap3A_308] {strides = array<i32>} : memref<200x128xf32, #tpu.memory_space<vmem>>, vector<1x16xf32>,
      %swap3A_310 = vector.shape_cast %swap3A_309 : vector<1x16xf32> to vector<16xf32>
      %swap3A_311 = vector.shape_cast %get3A_306 : vector<16xf32> to vector<1x16xf32>
      tpu.vector_store %arg9[%swap3A_307, %swap3A_308], %swap3A_311 {add = true, strides = array<i32>} : memref<200x128xf32, #tpu.memory_space<vmem>>, vector<1x16xf32>,
      %get3A_312 = arith.index_cast %add3A_284 : i32 to index
      %get3A_313 = arith.constant 48 : index
      %get3A_314 = tpu.vector_load %arg7[%get3A_312, %get3A_313] {strides = array<i32>} : memref<200x128xf32, #tpu.memory_space<vmem>>, vector<1x16xf32>,
      %get3A_315 = vector.shape_cast %get3A_314 : vector<1x16xf32> to vector<16xf32>
      %swap3A_316 = arith.index_cast %add3A_284 : i32 to index
      %swap3A_317 = arith.constant 48 : index
      %swap3A_318 = tpu.vector_load %arg9[%swap3A_316, %swap3A_317] {strides = array<i32>} : memref<200x128xf32, #tpu.memory_space<vmem>>, vector<1x16xf32>,
      %swap3A_319 = vector.shape_cast %swap3A_318 : vector<1x16xf32> to vector<16xf32>
      %swap3A_320 = vector.shape_cast %get3A_315 : vector<16xf32> to vector<1x16xf32>
      tpu.vector_store %arg9[%swap3A_316, %swap3A_317], %swap3A_320 {add = true, strides = array<i32>} : memref<200x128xf32, #tpu.memory_space<vmem>>, vector<1x16xf32>,
      %get3A_321 = arith.index_cast %add3A_284 : i32 to index
      %get3A_322 = arith.constant 64 : index
      %get3A_323 = tpu.vector_load %arg7[%get3A_321, %get3A_322] {strides = array<i32>} : memref<200x128xf32, #tpu.memory_space<vmem>>, vector<1x16xf32>,
      %get3A_324 = vector.shape_cast %get3A_323 : vector<1x16xf32> to vector<16xf32>
      %swap3A_325 = arith.index_cast %add3A_284 : i32 to index
      %swap3A_326 = arith.constant 64 : index
      %swap3A_327 = tpu.vector_load %arg9[%swap3A_325, %swap3A_326] {strides = array<i32>} : memref<200x128xf32, #tpu.memory_space<vmem>>, vector<1x16xf32>,
      %swap3A_328 = vector.shape_cast %swap3A_327 : vector<1x16xf32> to vector<16xf32>
      %swap3A_329 = vector.shape_cast %get3A_324 : vector<16xf32> to vector<1x16xf32>
      tpu.vector_store %arg9[%swap3A_325, %swap3A_326], %swap3A_329 {add = true, strides = array<i32>} : memref<200x128xf32, #tpu.memory_space<vmem>>, vector<1x16xf32>,
      %get3A_330 = arith.index_cast %add3A_284 : i32 to index
      %get3A_331 = arith.constant 80 : index
      %get3A_332 = tpu.vector_load %arg7[%get3A_330, %get3A_331] {strides = array<i32>} : memref<200x128xf32, #tpu.memory_space<vmem>>, vector<1x16xf32>,
      %get3A_333 = vector.shape_cast %get3A_332 : vector<1x16xf32> to vector<16xf32>
      %swap3A_334 = arith.index_cast %add3A_284 : i32 to index
      %swap3A_335 = arith.constant 80 : index
      %swap3A_336 = tpu.vector_load %arg9[%swap3A_334, %swap3A_335] {strides = array<i32>} : memref<200x128xf32, #tpu.memory_space<vmem>>, vector<1x16xf32>,
      %swap3A_337 = vector.shape_cast %swap3A_336 : vector<1x16xf32> to vector<16xf32>
      %swap3A_338 = vector.shape_cast %get3A_333 : vector<16xf32> to vector<1x16xf32>
      tpu.vector_store %arg9[%swap3A_334, %swap3A_335], %swap3A_338 {add = true, strides = array<i32>} : memref<200x128xf32, #tpu.memory_space<vmem>>, vector<1x16xf32>,
      %get3A_339 = arith.index_cast %add3A_284 : i32 to index
      %get3A_340 = arith.constant 96 : index
      %get3A_341 = tpu.vector_load %arg7[%get3A_339, %get3A_340] {strides = array<i32>} : memref<200x128xf32, #tpu.memory_space<vmem>>, vector<1x16xf32>,
      %get3A_342 = vector.shape_cast %get3A_341 : vector<1x16xf32> to vector<16xf32>
      %swap3A_343 = arith.index_cast %add3A_284 : i32 to index
      %swap3A_344 = arith.constant 96 : index
      %swap3A_345 = tpu.vector_load %arg9[%swap3A_343, %swap3A_344] {strides = array<i32>} : memref<200x128xf32, #tpu.memory_space<vmem>>, vector<1x16xf32>,
      %swap3A_346 = vector.shape_cast %swap3A_345 : vector<1x16xf32> to vector<16xf32>
      %swap3A_347 = vector.shape_cast %get3A_342 : vector<16xf32> to vector<1x16xf32>
      tpu.vector_store %arg9[%swap3A_343, %swap3A_344], %swap3A_347 {add = true, strides = array<i32>} : memref<200x128xf32, #tpu.memory_space<vmem>>, vector<1x16xf32>,
      %get3A_348 = arith.index_cast %add3A_284 : i32 to index
      %get3A_349 = arith.constant 112 : index
      %get3A_350 = tpu.vector_load %arg7[%get3A_348, %get3A_349] {strides = array<i32>} : memref<200x128xf32, #tpu.memory_space<vmem>>, vector<1x16xf32>,
      %get3A_351 = vector.shape_cast %get3A_350 : vector<1x16xf32> to vector<16xf32>
      %swap3A_352 = arith.index_cast %add3A_284 : i32 to index
      %swap3A_353 = arith.constant 112 : index
      %swap3A_354 = tpu.vector_load %arg9[%swap3A_352, %swap3A_353] {strides = array<i32>} : memref<200x128xf32, #tpu.memory_space<vmem>>, vector<1x16xf32>,
      %swap3A_355 = vector.shape_cast %swap3A_354 : vector<1x16xf32> to vector<16xf32>
      %swap3A_356 = vector.shape_cast %get3A_351 : vector<16xf32> to vector<1x16xf32>
      tpu.vector_store %arg9[%swap3A_352, %swap3A_353], %swap3A_356 {add = true, strides = array<i32>} : memref<200x128xf32, #tpu.memory_space<vmem>>, vector<1x16xf32>,
      %mul3A_357 = arith.constant 4 : i32
      %mul3A_358 = arith.muli %mul3A_357, %scan3A_130 : i32
      %add3A_359 = arith.constant 3 : i32
      %add3A_360 = arith.addi %mul3A_358, %add3A_359 : i32
      %get3A_361 = arith.index_cast %add3A_360 : i32 to index
      %get3A_362 = arith.constant 0 : index
      %get3A_363 = tpu.vector_load %arg7[%get3A_361, %get3A_362] {strides = array<i32>} : memref<200x128xf32, #tpu.memory_space<vmem>>, vector<1x16xf32>,
      %get3A_364 = vector.shape_cast %get3A_363 : vector<1x16xf32> to vector<16xf32>
      %swap3A_365 = arith.index_cast %add3A_360 : i32 to index
      %swap3A_366 = arith.constant 0 : index
      %swap3A_367 = tpu.vector_load %arg9[%swap3A_365, %swap3A_366] {strides = array<i32>} : memref<200x128xf32, #tpu.memory_space<vmem>>, vector<1x16xf32>,
      %swap3A_368 = vector.shape_cast %swap3A_367 : vector<1x16xf32> to vector<16xf32>
      %swap3A_369 = vector.shape_cast %get3A_364 : vector<16xf32> to vector<1x16xf32>
      tpu.vector_store %arg9[%swap3A_365, %swap3A_366], %swap3A_369 {add = true, strides = array<i32>} : memref<200x128xf32, #tpu.memory_space<vmem>>, vector<1x16xf32>,
      %get3A_370 = arith.index_cast %add3A_360 : i32 to index
      %get3A_371 = arith.constant 16 : index
      %get3A_372 = tpu.vector_load %arg7[%get3A_370, %get3A_371] {strides = array<i32>} : memref<200x128xf32, #tpu.memory_space<vmem>>, vector<1x16xf32>,
      %get3A_373 = vector.shape_cast %get3A_372 : vector<1x16xf32> to vector<16xf32>
      %swap3A_374 = arith.index_cast %add3A_360 : i32 to index
      %swap3A_375 = arith.constant 16 : index
      %swap3A_376 = tpu.vector_load %arg9[%swap3A_374, %swap3A_375] {strides = array<i32>} : memref<200x128xf32, #tpu.memory_space<vmem>>, vector<1x16xf32>,
      %swap3A_377 = vector.shape_cast %swap3A_376 : vector<1x16xf32> to vector<16xf32>
      %swap3A_378 = vector.shape_cast %get3A_373 : vector<16xf32> to vector<1x16xf32>
      tpu.vector_store %arg9[%swap3A_374, %swap3A_375], %swap3A_378 {add = true, strides = array<i32>} : memref<200x128xf32, #tpu.memory_space<vmem>>, vector<1x16xf32>,
      %get3A_379 = arith.index_cast %add3A_360 : i32 to index
      %get3A_380 = arith.constant 32 : index
      %get3A_381 = tpu.vector_load %arg7[%get3A_379, %get3A_380] {strides = array<i32>} : memref<200x128xf32, #tpu.memory_space<vmem>>, vector<1x16xf32>,
      %get3A_382 = vector.shape_cast %get3A_381 : vector<1x16xf32> to vector<16xf32>
      %swap3A_383 = arith.index_cast %add3A_360 : i32 to index
      %swap3A_384 = arith.constant 32 : index
      %swap3A_385 = tpu.vector_load %arg9[%swap3A_383, %swap3A_384] {strides = array<i32>} : memref<200x128xf32, #tpu.memory_space<vmem>>, vector<1x16xf32>,
      %swap3A_386 = vector.shape_cast %swap3A_385 : vector<1x16xf32> to vector<16xf32>
      %swap3A_387 = vector.shape_cast %get3A_382 : vector<16xf32> to vector<1x16xf32>
      tpu.vector_store %arg9[%swap3A_383, %swap3A_384], %swap3A_387 {add = true, strides = array<i32>} : memref<200x128xf32, #tpu.memory_space<vmem>>, vector<1x16xf32>,
      %get3A_388 = arith.index_cast %add3A_360 : i32 to index
      %get3A_389 = arith.constant 48 : index
      %get3A_390 = tpu.vector_load %arg7[%get3A_388, %get3A_389] {strides = array<i32>} : memref<200x128xf32, #tpu.memory_space<vmem>>, vector<1x16xf32>,
      %get3A_391 = vector.shape_cast %get3A_390 : vector<1x16xf32> to vector<16xf32>
      %swap3A_392 = arith.index_cast %add3A_360 : i32 to index
      %swap3A_393 = arith.constant 48 : index
      %swap3A_394 = tpu.vector_load %arg9[%swap3A_392, %swap3A_393] {strides = array<i32>} : memref<200x128xf32, #tpu.memory_space<vmem>>, vector<1x16xf32>,
      %swap3A_395 = vector.shape_cast %swap3A_394 : vector<1x16xf32> to vector<16xf32>
      %swap3A_396 = vector.shape_cast %get3A_391 : vector<16xf32> to vector<1x16xf32>
      tpu.vector_store %arg9[%swap3A_392, %swap3A_393], %swap3A_396 {add = true, strides = array<i32>} : memref<200x128xf32, #tpu.memory_space<vmem>>, vector<1x16xf32>,
      %get3A_397 = arith.index_cast %add3A_360 : i32 to index
      %get3A_398 = arith.constant 64 : index
      %get3A_399 = tpu.vector_load %arg7[%get3A_397, %get3A_398] {strides = array<i32>} : memref<200x128xf32, #tpu.memory_space<vmem>>, vector<1x16xf32>,
      %get3A_400 = vector.shape_cast %get3A_399 : vector<1x16xf32> to vector<16xf32>
      %swap3A_401 = arith.index_cast %add3A_360 : i32 to index
      %swap3A_402 = arith.constant 64 : index
      %swap3A_403 = tpu.vector_load %arg9[%swap3A_401, %swap3A_402] {strides = array<i32>} : memref<200x128xf32, #tpu.memory_space<vmem>>, vector<1x16xf32>,
      %swap3A_404 = vector.shape_cast %swap3A_403 : vector<1x16xf32> to vector<16xf32>
      %swap3A_405 = vector.shape_cast %get3A_400 : vector<16xf32> to vector<1x16xf32>
      tpu.vector_store %arg9[%swap3A_401, %swap3A_402], %swap3A_405 {add = true, strides = array<i32>} : memref<200x128xf32, #tpu.memory_space<vmem>>, vector<1x16xf32>,
      %get3A_406 = arith.index_cast %add3A_360 : i32 to index
      %get3A_407 = arith.constant 80 : index
      %get3A_408 = tpu.vector_load %arg7[%get3A_406, %get3A_407] {strides = array<i32>} : memref<200x128xf32, #tpu.memory_space<vmem>>, vector<1x16xf32>,
      %get3A_409 = vector.shape_cast %get3A_408 : vector<1x16xf32> to vector<16xf32>
      %swap3A_410 = arith.index_cast %add3A_360 : i32 to index
      %swap3A_411 = arith.constant 80 : index
      %swap3A_412 = tpu.vector_load %arg9[%swap3A_410, %swap3A_411] {strides = array<i32>} : memref<200x128xf32, #tpu.memory_space<vmem>>, vector<1x16xf32>,
      %swap3A_413 = vector.shape_cast %swap3A_412 : vector<1x16xf32> to vector<16xf32>
      %swap3A_414 = vector.shape_cast %get3A_409 : vector<16xf32> to vector<1x16xf32>
      tpu.vector_store %arg9[%swap3A_410, %swap3A_411], %swap3A_414 {add = true, strides = array<i32>} : memref<200x128xf32, #tpu.memory_space<vmem>>, vector<1x16xf32>,
      %get3A_415 = arith.index_cast %add3A_360 : i32 to index
      %get3A_416 = arith.constant 96 : index
      %get3A_417 = tpu.vector_load %arg7[%get3A_415, %get3A_416] {strides = array<i32>} : memref<200x128xf32, #tpu.memory_space<vmem>>, vector<1x16xf32>,
      %get3A_418 = vector.shape_cast %get3A_417 : vector<1x16xf32> to vector<16xf32>
      %swap3A_419 = arith.index_cast %add3A_360 : i32 to index
      %swap3A_420 = arith.constant 96 : index
      %swap3A_421 = tpu.vector_load %arg9[%swap3A_419, %swap3A_420] {strides = array<i32>} : memref<200x128xf32, #tpu.memory_space<vmem>>, vector<1x16xf32>,
      %swap3A_422 = vector.shape_cast %swap3A_421 : vector<1x16xf32> to vector<16xf32>
      %swap3A_423 = vector.shape_cast %get3A_418 : vector<16xf32> to vector<1x16xf32>
      tpu.vector_store %arg9[%swap3A_419, %swap3A_420], %swap3A_423 {add = true, strides = array<i32>} : memref<200x128xf32, #tpu.memory_space<vmem>>, vector<1x16xf32>,
      %get3A_424 = arith.index_cast %add3A_360 : i32 to index
      %get3A_425 = arith.constant 112 : index
      %get3A_426 = tpu.vector_load %arg7[%get3A_424, %get3A_425] {strides = array<i32>} : memref<200x128xf32, #tpu.memory_space<vmem>>, vector<1x16xf32>,
      %get3A_427 = vector.shape_cast %get3A_426 : vector<1x16xf32> to vector<16xf32>
      %swap3A_428 = arith.index_cast %add3A_360 : i32 to index
      %swap3A_429 = arith.constant 112 : index
      %swap3A_430 = tpu.vector_load %arg9[%swap3A_428, %swap3A_429] {strides = array<i32>} : memref<200x128xf32, #tpu.memory_space<vmem>>, vector<1x16xf32>,
      %swap3A_431 = vector.shape_cast %swap3A_430 : vector<1x16xf32> to vector<16xf32>
      %swap3A_432 = vector.shape_cast %get3A_427 : vector<16xf32> to vector<1x16xf32>
      tpu.vector_store %arg9[%swap3A_428, %swap3A_429], %swap3A_432 {add = true, strides = array<i32>} : memref<200x128xf32, #tpu.memory_space<vmem>>, vector<1x16xf32>,
    }
    %scan3A_101 = arith.constant 50 : i32
    %mul3A_102 = arith.constant 128 : i32
    %mul3A_103 = arith.muli %add3A, %mul3A_102 : i32
    %add3A_104 = arith.constant 1 : i32
    %add3A_105 = arith.addi %mul3A_103, %add3A_104 : i32
    %mul3A_106 = arith.constant 200 : i32
    %mul3A_107 = arith.muli %add3A_105, %mul3A_106 : i32
    %dma_start3A_108 = arith.constant 0 : i32
    %dma_start3A_109 = tpu.memref_slice %arg5[%mul3A_107, %dma_start3A_108] : memref<819200x128xf32, #tpu.memory_space<hbm>> -> memref<200x128xf32, #tpu.memory_space<hbm>>
    %dma_start3A_110 = arith.constant 0 : i32
    %dma_start3A_111 = tpu.memref_slice %arg5[%mul3A_107, %dma_start3A_110] : memref<819200x128xf32, #tpu.memory_space<hbm>> -> memref<200x128xf32, #tpu.memory_space<hbm>>
    tpu.enqueue_dma source(%arg9 : memref<200x128xf32, #tpu.memory_space<vmem>>) target(%dma_start3A_111 : memref<200x128xf32, #tpu.memory_space<hbm>>) target_semaphore(%arg15 : memref<!tpu.dma_semaphore, #tpu.memory_space<semaphore_mem>>)
    %scan3A_112 = arith.constant 0 : i32
    %scan3A_113 = arith.constant 0 : i32
    %scan3A_114 = arith.constant 42 : i32
    %scan3A_115 = arith.addi %scan3A_113, %scan3A_114 : i32
    %scan3A_116 = arith.constant 1 : i32
    scf.for %scan3A_130 = %scan3A_113 to %scan3A_115 step %scan3A_116  : i32 {
      %mul3A_131 = arith.constant 3 : i32
      %mul3A_132 = arith.muli %mul3A_131, %scan3A_130 : i32
      %add3A_133 = arith.constant 2 : i32
      %add3A_134 = arith.addi %mul3A_132, %add3A_133 : i32
      %add3A_135 = arith.constant 0 : i32
      %add3A_136 = arith.addi %add3A_134, %add3A_135 : i32
      %dma_wait3A_137 = arith.constant 0 : i32
      %dma_wait3A_138 = arith.constant 0 : i32
      %dma_wait3A_139 = tpu.memref_slice %arg5[%dma_wait3A_137, %dma_wait3A_138] : memref<819200x128xf32, #tpu.memory_space<hbm>> -> memref<200x128xf32, #tpu.memory_space<hbm>>
      %dma_wait3A_140 = arith.constant 0 : i32
      %dma_wait3A_141 = arith.constant 0 : i32
      %dma_wait3A_142 = tpu.memref_slice %arg5[%dma_wait3A_140, %dma_wait3A_141] : memref<819200x128xf32, #tpu.memory_space<hbm>> -> memref<200x128xf32, #tpu.memory_space<hbm>>
      tpu.wait_dma2 semaphore(%arg14 : memref<!tpu.dma_semaphore, #tpu.memory_space<semaphore_mem>>) src(%arg8 : memref<200x128xf32, #tpu.memory_space<vmem>>) dst(%dma_wait3A_142 : memref<200x128xf32, #tpu.memory_space<hbm>>)
      %add3A_143 = arith.constant 1 : i32
      %add3A_144 = arith.addi %add3A_136, %add3A_143 : i32
      %lt3A = arith.constant 128 : i32
      %lt3A_145 = arith.cmpi slt, %add3A_144, %lt3A : i32
      %convert_element_type3A = arith.extui %lt3A_145 : i1 to i32
      %cond3A = arith.constant 0 : i32
      %cond3A_146 = arith.cmpi ne, %convert_element_type3A, %cond3A : i32
      scf.if %cond3A_146 {
        %add3A_296 = arith.constant 1 : i32
        %add3A_297 = arith.addi %add3A_136, %add3A_296 : i32
        %mul3A_298 = arith.constant 200 : i32
        %mul3A_299 = arith.muli %add3A_297, %mul3A_298 : i32
        %add3A_300 = arith.constant 0 : i32
        %add3A_301 = arith.addi %mul3A_299, %add3A_300 : i32
        %mul3A_302 = arith.constant 200 : i32
        %mul3A_303 = arith.muli %add3A_297, %mul3A_302 : i32
        %add3A_304 = arith.constant 128 : i32
        %add3A_305 = arith.addi %mul3A_303, %add3A_304 : i32
        %dma_start3A_306 = arith.constant 0 : i32
        %dma_start3A_307 = arith.constant 0 : i32
        %dma_start3A_308 = tpu.memref_slice %arg8[%dma_start3A_306, %dma_start3A_307] : memref<200x128xf32, #tpu.memory_space<vmem>> -> memref<128x128xf32, #tpu.memory_space<vmem>>
        %dma_start3A_309 = tpu.memref_slice %arg6[%add3A_301] : memref<25600xi32, #tpu.memory_space<vmem>> -> memref<128xi32, #tpu.memory_space<vmem>>
        %dma_start3A_310 = arith.constant 0 : i32
        %dma_start3A_311 = arith.constant 0 : i32
        %dma_start3A_312 = tpu.memref_slice %arg2[%dma_start3A_310, %dma_start3A_311] : memref<100000x128xf32, #tpu.memory_space<hbm>> -> memref<100000x128xf32, #tpu.memory_space<hbm>>
        tpu.enqueue_indirect_dma source(%dma_start3A_312 : memref<100000x128xf32, #tpu.memory_space<hbm>>) target(%dma_start3A_308 : memref<128x128xf32, #tpu.memory_space<vmem>>) offsets(%dma_start3A_309 : memref<128xi32, #tpu.memory_space<vmem>>) semaphore(%arg11 : memref<!tpu.dma_semaphore, #tpu.memory_space<semaphore_mem>>)
        %dma_start3A_313 = arith.constant 128 : i32
        %dma_start3A_314 = arith.constant 0 : i32
        %dma_start3A_315 = tpu.memref_slice %arg8[%dma_start3A_313, %dma_start3A_314] : memref<200x128xf32, #tpu.memory_space<vmem>> -> memref<72x128xf32, #tpu.memory_space<vmem>>
        %dma_start3A_316 = tpu.memref_slice %arg6[%add3A_305] : memref<25600xi32, #tpu.memory_space<vmem>> -> memref<72xi32, #tpu.memory_space<vmem>>
        %dma_start3A_317 = arith.constant 0 : i32
        %dma_start3A_318 = arith.constant 0 : i32
        %dma_start3A_319 = tpu.memref_slice %arg2[%dma_start3A_317, %dma_start3A_318] : memref<100000x128xf32, #tpu.memory_space<hbm>> -> memref<100000x128xf32, #tpu.memory_space<hbm>>
        tpu.enqueue_indirect_dma source(%dma_start3A_319 : memref<100000x128xf32, #tpu.memory_space<hbm>>) target(%dma_start3A_315 : memref<72x128xf32, #tpu.memory_space<vmem>>) offsets(%dma_start3A_316 : memref<72xi32, #tpu.memory_space<vmem>>) semaphore(%arg11 : memref<!tpu.dma_semaphore, #tpu.memory_space<semaphore_mem>>)
      } else {
      }
      %mul3A_147 = arith.constant 200 : i32
      %mul3A_148 = arith.muli %add3A_136, %mul3A_147 : i32
      %add3A_149 = arith.constant 0 : i32
      %add3A_150 = arith.addi %mul3A_148, %add3A_149 : i32
      %mul3A_151 = arith.constant 200 : i32
      %mul3A_152 = arith.muli %add3A_136, %mul3A_151 : i32
      %add3A_153 = arith.constant 128 : i32
      %add3A_154 = arith.addi %mul3A_152, %add3A_153 : i32
      %dma_wait3A_155 = arith.constant 0 : i32
      %dma_wait3A_156 = arith.constant 0 : i32
      %dma_wait3A_157 = tpu.memref_slice %arg10[%dma_wait3A_155, %dma_wait3A_156] : memref<200x128xf32, #tpu.memory_space<vmem>> -> memref<128x128xf32, #tpu.memory_space<vmem>>
      %dma_wait3A_158 = tpu.memref_slice %arg6[%add3A_150] : memref<25600xi32, #tpu.memory_space<vmem>> -> memref<128xi32, #tpu.memory_space<vmem>>
      %dma_wait3A_159 = arith.constant 0 : i32
      %dma_wait3A_160 = arith.constant 0 : i32
      %dma_wait3A_161 = tpu.memref_slice %arg2[%dma_wait3A_159, %dma_wait3A_160] : memref<100000x128xf32, #tpu.memory_space<hbm>> -> memref<100000x128xf32, #tpu.memory_space<hbm>>
      tpu.wait_indirect_dma semaphore(%arg13 : memref<!tpu.dma_semaphore, #tpu.memory_space<semaphore_mem>>) src(%dma_wait3A_161 : memref<100000x128xf32, #tpu.memory_space<hbm>>) dst(%dma_wait3A_157 : memref<128x128xf32, #tpu.memory_space<vmem>>)
      %dma_wait3A_162 = arith.constant 128 : i32
      %dma_wait3A_163 = arith.constant 0 : i32
      %dma_wait3A_164 = tpu.memref_slice %arg10[%dma_wait3A_162, %dma_wait3A_163] : memref<200x128xf32, #tpu.memory_space<vmem>> -> memref<72x128xf32, #tpu.memory_space<vmem>>
      %dma_wait3A_165 = tpu.memref_slice %arg6[%add3A_154] : memref<25600xi32, #tpu.memory_space<vmem>> -> memref<72xi32, #tpu.memory_space<vmem>>
      %dma_wait3A_166 = arith.constant 0 : i32
      %dma_wait3A_167 = arith.constant 0 : i32
      %dma_wait3A_168 = tpu.memref_slice %arg2[%dma_wait3A_166, %dma_wait3A_167] : memref<100000x128xf32, #tpu.memory_space<hbm>> -> memref<100000x128xf32, #tpu.memory_space<hbm>>
      tpu.wait_indirect_dma semaphore(%arg13 : memref<!tpu.dma_semaphore, #tpu.memory_space<semaphore_mem>>) src(%dma_wait3A_168 : memref<100000x128xf32, #tpu.memory_space<hbm>>) dst(%dma_wait3A_164 : memref<72x128xf32, #tpu.memory_space<vmem>>)
      %scan3A_169 = arith.constant 0 : i32
      %scan3A_170 = arith.constant 0 : i32
      %scan3A_171 = arith.constant 50 : i32
      %scan3A_172 = arith.addi %scan3A_170, %scan3A_171 : i32
      %scan3A_173 = arith.constant 1 : i32
      scf.for %scan3A_296 = %scan3A_170 to %scan3A_172 step %scan3A_173  : i32 {
        %mul3A_297 = arith.constant 4 : i32
        %mul3A_298 = arith.muli %mul3A_297, %scan3A_296 : i32
        %add3A_299 = arith.constant 0 : i32
        %add3A_300 = arith.addi %mul3A_298, %add3A_299 : i32
        %get3A = arith.index_cast %add3A_300 : i32 to index
        %get3A_301 = arith.constant 0 : index
        %get3A_302 = tpu.vector_load %arg7[%get3A, %get3A_301] {strides = array<i32>} : memref<200x128xf32, #tpu.memory_space<vmem>>, vector<1x16xf32>,
        %get3A_303 = vector.shape_cast %get3A_302 : vector<1x16xf32> to vector<16xf32>
        %swap3A = arith.index_cast %add3A_300 : i32 to index
        %swap3A_304 = arith.constant 0 : index
        %swap3A_305 = tpu.vector_load %arg10[%swap3A, %swap3A_304] {strides = array<i32>} : memref<200x128xf32, #tpu.memory_space<vmem>>, vector<1x16xf32>,
        %swap3A_306 = vector.shape_cast %swap3A_305 : vector<1x16xf32> to vector<16xf32>
        %swap3A_307 = vector.shape_cast %get3A_303 : vector<16xf32> to vector<1x16xf32>
        tpu.vector_store %arg10[%swap3A, %swap3A_304], %swap3A_307 {add = true, strides = array<i32>} : memref<200x128xf32, #tpu.memory_space<vmem>>, vector<1x16xf32>,
        %get3A_308 = arith.index_cast %add3A_300 : i32 to index
        %get3A_309 = arith.constant 16 : index
        %get3A_310 = tpu.vector_load %arg7[%get3A_308, %get3A_309] {strides = array<i32>} : memref<200x128xf32, #tpu.memory_space<vmem>>, vector<1x16xf32>,
        %get3A_311 = vector.shape_cast %get3A_310 : vector<1x16xf32> to vector<16xf32>
        %swap3A_312 = arith.index_cast %add3A_300 : i32 to index
        %swap3A_313 = arith.constant 16 : index
        %swap3A_314 = tpu.vector_load %arg10[%swap3A_312, %swap3A_313] {strides = array<i32>} : memref<200x128xf32, #tpu.memory_space<vmem>>, vector<1x16xf32>,
        %swap3A_315 = vector.shape_cast %swap3A_314 : vector<1x16xf32> to vector<16xf32>
        %swap3A_316 = vector.shape_cast %get3A_311 : vector<16xf32> to vector<1x16xf32>
        tpu.vector_store %arg10[%swap3A_312, %swap3A_313], %swap3A_316 {add = true, strides = array<i32>} : memref<200x128xf32, #tpu.memory_space<vmem>>, vector<1x16xf32>,
        %get3A_317 = arith.index_cast %add3A_300 : i32 to index
        %get3A_318 = arith.constant 32 : index
        %get3A_319 = tpu.vector_load %arg7[%get3A_317, %get3A_318] {strides = array<i32>} : memref<200x128xf32, #tpu.memory_space<vmem>>, vector<1x16xf32>,
        %get3A_320 = vector.shape_cast %get3A_319 : vector<1x16xf32> to vector<16xf32>
        %swap3A_321 = arith.index_cast %add3A_300 : i32 to index
        %swap3A_322 = arith.constant 32 : index
        %swap3A_323 = tpu.vector_load %arg10[%swap3A_321, %swap3A_322] {strides = array<i32>} : memref<200x128xf32, #tpu.memory_space<vmem>>, vector<1x16xf32>,
        %swap3A_324 = vector.shape_cast %swap3A_323 : vector<1x16xf32> to vector<16xf32>
        %swap3A_325 = vector.shape_cast %get3A_320 : vector<16xf32> to vector<1x16xf32>
        tpu.vector_store %arg10[%swap3A_321, %swap3A_322], %swap3A_325 {add = true, strides = array<i32>} : memref<200x128xf32, #tpu.memory_space<vmem>>, vector<1x16xf32>,
        %get3A_326 = arith.index_cast %add3A_300 : i32 to index
        %get3A_327 = arith.constant 48 : index
        %get3A_328 = tpu.vector_load %arg7[%get3A_326, %get3A_327] {strides = array<i32>} : memref<200x128xf32, #tpu.memory_space<vmem>>, vector<1x16xf32>,
        %get3A_329 = vector.shape_cast %get3A_328 : vector<1x16xf32> to vector<16xf32>
        %swap3A_330 = arith.index_cast %add3A_300 : i32 to index
        %swap3A_331 = arith.constant 48 : index
        %swap3A_332 = tpu.vector_load %arg10[%swap3A_330, %swap3A_331] {strides = array<i32>} : memref<200x128xf32, #tpu.memory_space<vmem>>, vector<1x16xf32>,
        %swap3A_333 = vector.shape_cast %swap3A_332 : vector<1x16xf32> to vector<16xf32>
        %swap3A_334 = vector.shape_cast %get3A_329 : vector<16xf32> to vector<1x16xf32>
        tpu.vector_store %arg10[%swap3A_330, %swap3A_331], %swap3A_334 {add = true, strides = array<i32>} : memref<200x128xf32, #tpu.memory_space<vmem>>, vector<1x16xf32>,
        %get3A_335 = arith.index_cast %add3A_300 : i32 to index
        %get3A_336 = arith.constant 64 : index
        %get3A_337 = tpu.vector_load %arg7[%get3A_335, %get3A_336] {strides = array<i32>} : memref<200x128xf32, #tpu.memory_space<vmem>>, vector<1x16xf32>,
        %get3A_338 = vector.shape_cast %get3A_337 : vector<1x16xf32> to vector<16xf32>
        %swap3A_339 = arith.index_cast %add3A_300 : i32 to index
        %swap3A_340 = arith.constant 64 : index
        %swap3A_341 = tpu.vector_load %arg10[%swap3A_339, %swap3A_340] {strides = array<i32>} : memref<200x128xf32, #tpu.memory_space<vmem>>, vector<1x16xf32>,
        %swap3A_342 = vector.shape_cast %swap3A_341 : vector<1x16xf32> to vector<16xf32>
        %swap3A_343 = vector.shape_cast %get3A_338 : vector<16xf32> to vector<1x16xf32>
        tpu.vector_store %arg10[%swap3A_339, %swap3A_340], %swap3A_343 {add = true, strides = array<i32>} : memref<200x128xf32, #tpu.memory_space<vmem>>, vector<1x16xf32>,
        %get3A_344 = arith.index_cast %add3A_300 : i32 to index
        %get3A_345 = arith.constant 80 : index
        %get3A_346 = tpu.vector_load %arg7[%get3A_344, %get3A_345] {strides = array<i32>} : memref<200x128xf32, #tpu.memory_space<vmem>>, vector<1x16xf32>,
        %get3A_347 = vector.shape_cast %get3A_346 : vector<1x16xf32> to vector<16xf32>
        %swap3A_348 = arith.index_cast %add3A_300 : i32 to index
        %swap3A_349 = arith.constant 80 : index
        %swap3A_350 = tpu.vector_load %arg10[%swap3A_348, %swap3A_349] {strides = array<i32>} : memref<200x128xf32, #tpu.memory_space<vmem>>, vector<1x16xf32>,
        %swap3A_351 = vector.shape_cast %swap3A_350 : vector<1x16xf32> to vector<16xf32>
        %swap3A_352 = vector.shape_cast %get3A_347 : vector<16xf32> to vector<1x16xf32>
        tpu.vector_store %arg10[%swap3A_348, %swap3A_349], %swap3A_352 {add = true, strides = array<i32>} : memref<200x128xf32, #tpu.memory_space<vmem>>, vector<1x16xf32>,
        %get3A_353 = arith.index_cast %add3A_300 : i32 to index
        %get3A_354 = arith.constant 96 : index
        %get3A_355 = tpu.vector_load %arg7[%get3A_353, %get3A_354] {strides = array<i32>} : memref<200x128xf32, #tpu.memory_space<vmem>>, vector<1x16xf32>,
        %get3A_356 = vector.shape_cast %get3A_355 : vector<1x16xf32> to vector<16xf32>
        %swap3A_357 = arith.index_cast %add3A_300 : i32 to index
        %swap3A_358 = arith.constant 96 : index
        %swap3A_359 = tpu.vector_load %arg10[%swap3A_357, %swap3A_358] {strides = array<i32>} : memref<200x128xf32, #tpu.memory_space<vmem>>, vector<1x16xf32>,
        %swap3A_360 = vector.shape_cast %swap3A_359 : vector<1x16xf32> to vector<16xf32>
        %swap3A_361 = vector.shape_cast %get3A_356 : vector<16xf32> to vector<1x16xf32>
        tpu.vector_store %arg10[%swap3A_357, %swap3A_358], %swap3A_361 {add = true, strides = array<i32>} : memref<200x128xf32, #tpu.memory_space<vmem>>, vector<1x16xf32>,
        %get3A_362 = arith.index_cast %add3A_300 : i32 to index
        %get3A_363 = arith.constant 112 : index
        %get3A_364 = tpu.vector_load %arg7[%get3A_362, %get3A_363] {strides = array<i32>} : memref<200x128xf32, #tpu.memory_space<vmem>>, vector<1x16xf32>,
        %get3A_365 = vector.shape_cast %get3A_364 : vector<1x16xf32> to vector<16xf32>
        %swap3A_366 = arith.index_cast %add3A_300 : i32 to index
        %swap3A_367 = arith.constant 112 : index
        %swap3A_368 = tpu.vector_load %arg10[%swap3A_366, %swap3A_367] {strides = array<i32>} : memref<200x128xf32, #tpu.memory_space<vmem>>, vector<1x16xf32>,
        %swap3A_369 = vector.shape_cast %swap3A_368 : vector<1x16xf32> to vector<16xf32>
        %swap3A_370 = vector.shape_cast %get3A_365 : vector<16xf32> to vector<1x16xf32>
        tpu.vector_store %arg10[%swap3A_366, %swap3A_367], %swap3A_370 {add = true, strides = array<i32>} : memref<200x128xf32, #tpu.memory_space<vmem>>, vector<1x16xf32>,
        %mul3A_371 = arith.constant 4 : i32
        %mul3A_372 = arith.muli %mul3A_371, %scan3A_296 : i32
        %add3A_373 = arith.constant 1 : i32
        %add3A_374 = arith.addi %mul3A_372, %add3A_373 : i32
        %get3A_375 = arith.index_cast %add3A_374 : i32 to index
        %get3A_376 = arith.constant 0 : index
        %get3A_377 = tpu.vector_load %arg7[%get3A_375, %get3A_376] {strides = array<i32>} : memref<200x128xf32, #tpu.memory_space<vmem>>, vector<1x16xf32>,
        %get3A_378 = vector.shape_cast %get3A_377 : vector<1x16xf32> to vector<16xf32>
        %swap3A_379 = arith.index_cast %add3A_374 : i32 to index
        %swap3A_380 = arith.constant 0 : index
        %swap3A_381 = tpu.vector_load %arg10[%swap3A_379, %swap3A_380] {strides = array<i32>} : memref<200x128xf32, #tpu.memory_space<vmem>>, vector<1x16xf32>,
        %swap3A_382 = vector.shape_cast %swap3A_381 : vector<1x16xf32> to vector<16xf32>
        %swap3A_383 = vector.shape_cast %get3A_378 : vector<16xf32> to vector<1x16xf32>
        tpu.vector_store %arg10[%swap3A_379, %swap3A_380], %swap3A_383 {add = true, strides = array<i32>} : memref<200x128xf32, #tpu.memory_space<vmem>>, vector<1x16xf32>,
        %get3A_384 = arith.index_cast %add3A_374 : i32 to index
        %get3A_385 = arith.constant 16 : index
        %get3A_386 = tpu.vector_load %arg7[%get3A_384, %get3A_385] {strides = array<i32>} : memref<200x128xf32, #tpu.memory_space<vmem>>, vector<1x16xf32>,
        %get3A_387 = vector.shape_cast %get3A_386 : vector<1x16xf32> to vector<16xf32>
        %swap3A_388 = arith.index_cast %add3A_374 : i32 to index
        %swap3A_389 = arith.constant 16 : index
        %swap3A_390 = tpu.vector_load %arg10[%swap3A_388, %swap3A_389] {strides = array<i32>} : memref<200x128xf32, #tpu.memory_space<vmem>>, vector<1x16xf32>,
        %swap3A_391 = vector.shape_cast %swap3A_390 : vector<1x16xf32> to vector<16xf32>
        %swap3A_392 = vector.shape_cast %get3A_387 : vector<16xf32> to vector<1x16xf32>
        tpu.vector_store %arg10[%swap3A_388, %swap3A_389], %swap3A_392 {add = true, strides = array<i32>} : memref<200x128xf32, #tpu.memory_space<vmem>>, vector<1x16xf32>,
        %get3A_393 = arith.index_cast %add3A_374 : i32 to index
        %get3A_394 = arith.constant 32 : index
        %get3A_395 = tpu.vector_load %arg7[%get3A_393, %get3A_394] {strides = array<i32>} : memref<200x128xf32, #tpu.memory_space<vmem>>, vector<1x16xf32>,
        %get3A_396 = vector.shape_cast %get3A_395 : vector<1x16xf32> to vector<16xf32>
        %swap3A_397 = arith.index_cast %add3A_374 : i32 to index
        %swap3A_398 = arith.constant 32 : index
        %swap3A_399 = tpu.vector_load %arg10[%swap3A_397, %swap3A_398] {strides = array<i32>} : memref<200x128xf32, #tpu.memory_space<vmem>>, vector<1x16xf32>,
        %swap3A_400 = vector.shape_cast %swap3A_399 : vector<1x16xf32> to vector<16xf32>
        %swap3A_401 = vector.shape_cast %get3A_396 : vector<16xf32> to vector<1x16xf32>
        tpu.vector_store %arg10[%swap3A_397, %swap3A_398], %swap3A_401 {add = true, strides = array<i32>} : memref<200x128xf32, #tpu.memory_space<vmem>>, vector<1x16xf32>,
        %get3A_402 = arith.index_cast %add3A_374 : i32 to index
        %get3A_403 = arith.constant 48 : index
        %get3A_404 = tpu.vector_load %arg7[%get3A_402, %get3A_403] {strides = array<i32>} : memref<200x128xf32, #tpu.memory_space<vmem>>, vector<1x16xf32>,
        %get3A_405 = vector.shape_cast %get3A_404 : vector<1x16xf32> to vector<16xf32>
        %swap3A_406 = arith.index_cast %add3A_374 : i32 to index
        %swap3A_407 = arith.constant 48 : index
        %swap3A_408 = tpu.vector_load %arg10[%swap3A_406, %swap3A_407] {strides = array<i32>} : memref<200x128xf32, #tpu.memory_space<vmem>>, vector<1x16xf32>,
        %swap3A_409 = vector.shape_cast %swap3A_408 : vector<1x16xf32> to vector<16xf32>
        %swap3A_410 = vector.shape_cast %get3A_405 : vector<16xf32> to vector<1x16xf32>
        tpu.vector_store %arg10[%swap3A_406, %swap3A_407], %swap3A_410 {add = true, strides = array<i32>} : memref<200x128xf32, #tpu.memory_space<vmem>>, vector<1x16xf32>,
        %get3A_411 = arith.index_cast %add3A_374 : i32 to index
        %get3A_412 = arith.constant 64 : index
        %get3A_413 = tpu.vector_load %arg7[%get3A_411, %get3A_412] {strides = array<i32>} : memref<200x128xf32, #tpu.memory_space<vmem>>, vector<1x16xf32>,
        %get3A_414 = vector.shape_cast %get3A_413 : vector<1x16xf32> to vector<16xf32>
        %swap3A_415 = arith.index_cast %add3A_374 : i32 to index
        %swap3A_416 = arith.constant 64 : index
        %swap3A_417 = tpu.vector_load %arg10[%swap3A_415, %swap3A_416] {strides = array<i32>} : memref<200x128xf32, #tpu.memory_space<vmem>>, vector<1x16xf32>,
        %swap3A_418 = vector.shape_cast %swap3A_417 : vector<1x16xf32> to vector<16xf32>
        %swap3A_419 = vector.shape_cast %get3A_414 : vector<16xf32> to vector<1x16xf32>
        tpu.vector_store %arg10[%swap3A_415, %swap3A_416], %swap3A_419 {add = true, strides = array<i32>} : memref<200x128xf32, #tpu.memory_space<vmem>>, vector<1x16xf32>,
        %get3A_420 = arith.index_cast %add3A_374 : i32 to index
        %get3A_421 = arith.constant 80 : index
        %get3A_422 = tpu.vector_load %arg7[%get3A_420, %get3A_421] {strides = array<i32>} : memref<200x128xf32, #tpu.memory_space<vmem>>, vector<1x16xf32>,
        %get3A_423 = vector.shape_cast %get3A_422 : vector<1x16xf32> to vector<16xf32>
        %swap3A_424 = arith.index_cast %add3A_374 : i32 to index
        %swap3A_425 = arith.constant 80 : index
        %swap3A_426 = tpu.vector_load %arg10[%swap3A_424, %swap3A_425] {strides = array<i32>} : memref<200x128xf32, #tpu.memory_space<vmem>>, vector<1x16xf32>,
        %swap3A_427 = vector.shape_cast %swap3A_426 : vector<1x16xf32> to vector<16xf32>
        %swap3A_428 = vector.shape_cast %get3A_423 : vector<16xf32> to vector<1x16xf32>
        tpu.vector_store %arg10[%swap3A_424, %swap3A_425], %swap3A_428 {add = true, strides = array<i32>} : memref<200x128xf32, #tpu.memory_space<vmem>>, vector<1x16xf32>,
        %get3A_429 = arith.index_cast %add3A_374 : i32 to index
        %get3A_430 = arith.constant 96 : index
        %get3A_431 = tpu.vector_load %arg7[%get3A_429, %get3A_430] {strides = array<i32>} : memref<200x128xf32, #tpu.memory_space<vmem>>, vector<1x16xf32>,
        %get3A_432 = vector.shape_cast %get3A_431 : vector<1x16xf32> to vector<16xf32>
        %swap3A_433 = arith.index_cast %add3A_374 : i32 to index
        %swap3A_434 = arith.constant 96 : index
        %swap3A_435 = tpu.vector_load %arg10[%swap3A_433, %swap3A_434] {strides = array<i32>} : memref<200x128xf32, #tpu.memory_space<vmem>>, vector<1x16xf32>,
        %swap3A_436 = vector.shape_cast %swap3A_435 : vector<1x16xf32> to vector<16xf32>
        %swap3A_437 = vector.shape_cast %get3A_432 : vector<16xf32> to vector<1x16xf32>
        tpu.vector_store %arg10[%swap3A_433, %swap3A_434], %swap3A_437 {add = true, strides = array<i32>} : memref<200x128xf32, #tpu.memory_space<vmem>>, vector<1x16xf32>,
        %get3A_438 = arith.index_cast %add3A_374 : i32 to index
        %get3A_439 = arith.constant 112 : index
        %get3A_440 = tpu.vector_load %arg7[%get3A_438, %get3A_439] {strides = array<i32>} : memref<200x128xf32, #tpu.memory_space<vmem>>, vector<1x16xf32>,
        %get3A_441 = vector.shape_cast %get3A_440 : vector<1x16xf32> to vector<16xf32>
        %swap3A_442 = arith.index_cast %add3A_374 : i32 to index
        %swap3A_443 = arith.constant 112 : index
        %swap3A_444 = tpu.vector_load %arg10[%swap3A_442, %swap3A_443] {strides = array<i32>} : memref<200x128xf32, #tpu.memory_space<vmem>>, vector<1x16xf32>,
        %swap3A_445 = vector.shape_cast %swap3A_444 : vector<1x16xf32> to vector<16xf32>
        %swap3A_446 = vector.shape_cast %get3A_441 : vector<16xf32> to vector<1x16xf32>
        tpu.vector_store %arg10[%swap3A_442, %swap3A_443], %swap3A_446 {add = true, strides = array<i32>} : memref<200x128xf32, #tpu.memory_space<vmem>>, vector<1x16xf32>,
        %mul3A_447 = arith.constant 4 : i32
        %mul3A_448 = arith.muli %mul3A_447, %scan3A_296 : i32
        %add3A_449 = arith.constant 2 : i32
        %add3A_450 = arith.addi %mul3A_448, %add3A_449 : i32
        %get3A_451 = arith.index_cast %add3A_450 : i32 to index
        %get3A_452 = arith.constant 0 : index
        %get3A_453 = tpu.vector_load %arg7[%get3A_451, %get3A_452] {strides = array<i32>} : memref<200x128xf32, #tpu.memory_space<vmem>>, vector<1x16xf32>,
        %get3A_454 = vector.shape_cast %get3A_453 : vector<1x16xf32> to vector<16xf32>
        %swap3A_455 = arith.index_cast %add3A_450 : i32 to index
        %swap3A_456 = arith.constant 0 : index
        %swap3A_457 = tpu.vector_load %arg10[%swap3A_455, %swap3A_456] {strides = array<i32>} : memref<200x128xf32, #tpu.memory_space<vmem>>, vector<1x16xf32>,
        %swap3A_458 = vector.shape_cast %swap3A_457 : vector<1x16xf32> to vector<16xf32>
        %swap3A_459 = vector.shape_cast %get3A_454 : vector<16xf32> to vector<1x16xf32>
        tpu.vector_store %arg10[%swap3A_455, %swap3A_456], %swap3A_459 {add = true, strides = array<i32>} : memref<200x128xf32, #tpu.memory_space<vmem>>, vector<1x16xf32>,
        %get3A_460 = arith.index_cast %add3A_450 : i32 to index
        %get3A_461 = arith.constant 16 : index
        %get3A_462 = tpu.vector_load %arg7[%get3A_460, %get3A_461] {strides = array<i32>} : memref<200x128xf32, #tpu.memory_space<vmem>>, vector<1x16xf32>,
        %get3A_463 = vector.shape_cast %get3A_462 : vector<1x16xf32> to vector<16xf32>
        %swap3A_464 = arith.index_cast %add3A_450 : i32 to index
        %swap3A_465 = arith.constant 16 : index
        %swap3A_466 = tpu.vector_load %arg10[%swap3A_464, %swap3A_465] {strides = array<i32>} : memref<200x128xf32, #tpu.memory_space<vmem>>, vector<1x16xf32>,
        %swap3A_467 = vector.shape_cast %swap3A_466 : vector<1x16xf32> to vector<16xf32>
        %swap3A_468 = vector.shape_cast %get3A_463 : vector<16xf32> to vector<1x16xf32>
        tpu.vector_store %arg10[%swap3A_464, %swap3A_465], %swap3A_468 {add = true, strides = array<i32>} : memref<200x128xf32, #tpu.memory_space<vmem>>, vector<1x16xf32>,
        %get3A_469 = arith.index_cast %add3A_450 : i32 to index
        %get3A_470 = arith.constant 32 : index
        %get3A_471 = tpu.vector_load %arg7[%get3A_469, %get3A_470] {strides = array<i32>} : memref<200x128xf32, #tpu.memory_space<vmem>>, vector<1x16xf32>,
        %get3A_472 = vector.shape_cast %get3A_471 : vector<1x16xf32> to vector<16xf32>
        %swap3A_473 = arith.index_cast %add3A_450 : i32 to index
        %swap3A_474 = arith.constant 32 : index
        %swap3A_475 = tpu.vector_load %arg10[%swap3A_473, %swap3A_474] {strides = array<i32>} : memref<200x128xf32, #tpu.memory_space<vmem>>, vector<1x16xf32>,
        %swap3A_476 = vector.shape_cast %swap3A_475 : vector<1x16xf32> to vector<16xf32>
        %swap3A_477 = vector.shape_cast %get3A_472 : vector<16xf32> to vector<1x16xf32>
        tpu.vector_store %arg10[%swap3A_473, %swap3A_474], %swap3A_477 {add = true, strides = array<i32>} : memref<200x128xf32, #tpu.memory_space<vmem>>, vector<1x16xf32>,
        %get3A_478 = arith.index_cast %add3A_450 : i32 to index
        %get3A_479 = arith.constant 48 : index
        %get3A_480 = tpu.vector_load %arg7[%get3A_478, %get3A_479] {strides = array<i32>} : memref<200x128xf32, #tpu.memory_space<vmem>>, vector<1x16xf32>,
        %get3A_481 = vector.shape_cast %get3A_480 : vector<1x16xf32> to vector<16xf32>
        %swap3A_482 = arith.index_cast %add3A_450 : i32 to index
        %swap3A_483 = arith.constant 48 : index
        %swap3A_484 = tpu.vector_load %arg10[%swap3A_482, %swap3A_483] {strides = array<i32>} : memref<200x128xf32, #tpu.memory_space<vmem>>, vector<1x16xf32>,
        %swap3A_485 = vector.shape_cast %swap3A_484 : vector<1x16xf32> to vector<16xf32>
        %swap3A_486 = vector.shape_cast %get3A_481 : vector<16xf32> to vector<1x16xf32>
        tpu.vector_store %arg10[%swap3A_482, %swap3A_483], %swap3A_486 {add = true, strides = array<i32>} : memref<200x128xf32, #tpu.memory_space<vmem>>, vector<1x16xf32>,
        %get3A_487 = arith.index_cast %add3A_450 : i32 to index
        %get3A_488 = arith.constant 64 : index
        %get3A_489 = tpu.vector_load %arg7[%get3A_487, %get3A_488] {strides = array<i32>} : memref<200x128xf32, #tpu.memory_space<vmem>>, vector<1x16xf32>,
        %get3A_490 = vector.shape_cast %get3A_489 : vector<1x16xf32> to vector<16xf32>
        %swap3A_491 = arith.index_cast %add3A_450 : i32 to index
        %swap3A_492 = arith.constant 64 : index
        %swap3A_493 = tpu.vector_load %arg10[%swap3A_491, %swap3A_492] {strides = array<i32>} : memref<200x128xf32, #tpu.memory_space<vmem>>, vector<1x16xf32>,
        %swap3A_494 = vector.shape_cast %swap3A_493 : vector<1x16xf32> to vector<16xf32>
        %swap3A_495 = vector.shape_cast %get3A_490 : vector<16xf32> to vector<1x16xf32>
        tpu.vector_store %arg10[%swap3A_491, %swap3A_492], %swap3A_495 {add = true, strides = array<i32>} : memref<200x128xf32, #tpu.memory_space<vmem>>, vector<1x16xf32>,
        %get3A_496 = arith.index_cast %add3A_450 : i32 to index
        %get3A_497 = arith.constant 80 : index
        %get3A_498 = tpu.vector_load %arg7[%get3A_496, %get3A_497] {strides = array<i32>} : memref<200x128xf32, #tpu.memory_space<vmem>>, vector<1x16xf32>,
        %get3A_499 = vector.shape_cast %get3A_498 : vector<1x16xf32> to vector<16xf32>
        %swap3A_500 = arith.index_cast %add3A_450 : i32 to index
        %swap3A_501 = arith.constant 80 : index
        %swap3A_502 = tpu.vector_load %arg10[%swap3A_500, %swap3A_501] {strides = array<i32>} : memref<200x128xf32, #tpu.memory_space<vmem>>, vector<1x16xf32>,
        %swap3A_503 = vector.shape_cast %swap3A_502 : vector<1x16xf32> to vector<16xf32>
        %swap3A_504 = vector.shape_cast %get3A_499 : vector<16xf32> to vector<1x16xf32>
        tpu.vector_store %arg10[%swap3A_500, %swap3A_501], %swap3A_504 {add = true, strides = array<i32>} : memref<200x128xf32, #tpu.memory_space<vmem>>, vector<1x16xf32>,
        %get3A_505 = arith.index_cast %add3A_450 : i32 to index
        %get3A_506 = arith.constant 96 : index
        %get3A_507 = tpu.vector_load %arg7[%get3A_505, %get3A_506] {strides = array<i32>} : memref<200x128xf32, #tpu.memory_space<vmem>>, vector<1x16xf32>,
        %get3A_508 = vector.shape_cast %get3A_507 : vector<1x16xf32> to vector<16xf32>
        %swap3A_509 = arith.index_cast %add3A_450 : i32 to index
        %swap3A_510 = arith.constant 96 : index
        %swap3A_511 = tpu.vector_load %arg10[%swap3A_509, %swap3A_510] {strides = array<i32>} : memref<200x128xf32, #tpu.memory_space<vmem>>, vector<1x16xf32>,
        %swap3A_512 = vector.shape_cast %swap3A_511 : vector<1x16xf32> to vector<16xf32>
        %swap3A_513 = vector.shape_cast %get3A_508 : vector<16xf32> to vector<1x16xf32>
        tpu.vector_store %arg10[%swap3A_509, %swap3A_510], %swap3A_513 {add = true, strides = array<i32>} : memref<200x128xf32, #tpu.memory_space<vmem>>, vector<1x16xf32>,
        %get3A_514 = arith.index_cast %add3A_450 : i32 to index
        %get3A_515 = arith.constant 112 : index
        %get3A_516 = tpu.vector_load %arg7[%get3A_514, %get3A_515] {strides = array<i32>} : memref<200x128xf32, #tpu.memory_space<vmem>>, vector<1x16xf32>,
        %get3A_517 = vector.shape_cast %get3A_516 : vector<1x16xf32> to vector<16xf32>
        %swap3A_518 = arith.index_cast %add3A_450 : i32 to index
        %swap3A_519 = arith.constant 112 : index
        %swap3A_520 = tpu.vector_load %arg10[%swap3A_518, %swap3A_519] {strides = array<i32>} : memref<200x128xf32, #tpu.memory_space<vmem>>, vector<1x16xf32>,
        %swap3A_521 = vector.shape_cast %swap3A_520 : vector<1x16xf32> to vector<16xf32>
        %swap3A_522 = vector.shape_cast %get3A_517 : vector<16xf32> to vector<1x16xf32>
        tpu.vector_store %arg10[%swap3A_518, %swap3A_519], %swap3A_522 {add = true, strides = array<i32>} : memref<200x128xf32, #tpu.memory_space<vmem>>, vector<1x16xf32>,
        %mul3A_523 = arith.constant 4 : i32
        %mul3A_524 = arith.muli %mul3A_523, %scan3A_296 : i32
        %add3A_525 = arith.constant 3 : i32
        %add3A_526 = arith.addi %mul3A_524, %add3A_525 : i32
        %get3A_527 = arith.index_cast %add3A_526 : i32 to index
        %get3A_528 = arith.constant 0 : index
        %get3A_529 = tpu.vector_load %arg7[%get3A_527, %get3A_528] {strides = array<i32>} : memref<200x128xf32, #tpu.memory_space<vmem>>, vector<1x16xf32>,
        %get3A_530 = vector.shape_cast %get3A_529 : vector<1x16xf32> to vector<16xf32>
        %swap3A_531 = arith.index_cast %add3A_526 : i32 to index
        %swap3A_532 = arith.constant 0 : index
        %swap3A_533 = tpu.vector_load %arg10[%swap3A_531, %swap3A_532] {strides = array<i32>} : memref<200x128xf32, #tpu.memory_space<vmem>>, vector<1x16xf32>,
        %swap3A_534 = vector.shape_cast %swap3A_533 : vector<1x16xf32> to vector<16xf32>
        %swap3A_535 = vector.shape_cast %get3A_530 : vector<16xf32> to vector<1x16xf32>
        tpu.vector_store %arg10[%swap3A_531, %swap3A_532], %swap3A_535 {add = true, strides = array<i32>} : memref<200x128xf32, #tpu.memory_space<vmem>>, vector<1x16xf32>,
        %get3A_536 = arith.index_cast %add3A_526 : i32 to index
        %get3A_537 = arith.constant 16 : index
        %get3A_538 = tpu.vector_load %arg7[%get3A_536, %get3A_537] {strides = array<i32>} : memref<200x128xf32, #tpu.memory_space<vmem>>, vector<1x16xf32>,
        %get3A_539 = vector.shape_cast %get3A_538 : vector<1x16xf32> to vector<16xf32>
        %swap3A_540 = arith.index_cast %add3A_526 : i32 to index
        %swap3A_541 = arith.constant 16 : index
        %swap3A_542 = tpu.vector_load %arg10[%swap3A_540, %swap3A_541] {strides = array<i32>} : memref<200x128xf32, #tpu.memory_space<vmem>>, vector<1x16xf32>,
        %swap3A_543 = vector.shape_cast %swap3A_542 : vector<1x16xf32> to vector<16xf32>
        %swap3A_544 = vector.shape_cast %get3A_539 : vector<16xf32> to vector<1x16xf32>
        tpu.vector_store %arg10[%swap3A_540, %swap3A_541], %swap3A_544 {add = true, strides = array<i32>} : memref<200x128xf32, #tpu.memory_space<vmem>>, vector<1x16xf32>,
        %get3A_545 = arith.index_cast %add3A_526 : i32 to index
        %get3A_546 = arith.constant 32 : index
        %get3A_547 = tpu.vector_load %arg7[%get3A_545, %get3A_546] {strides = array<i32>} : memref<200x128xf32, #tpu.memory_space<vmem>>, vector<1x16xf32>,
        %get3A_548 = vector.shape_cast %get3A_547 : vector<1x16xf32> to vector<16xf32>
        %swap3A_549 = arith.index_cast %add3A_526 : i32 to index
        %swap3A_550 = arith.constant 32 : index
        %swap3A_551 = tpu.vector_load %arg10[%swap3A_549, %swap3A_550] {strides = array<i32>} : memref<200x128xf32, #tpu.memory_space<vmem>>, vector<1x16xf32>,
        %swap3A_552 = vector.shape_cast %swap3A_551 : vector<1x16xf32> to vector<16xf32>
        %swap3A_553 = vector.shape_cast %get3A_548 : vector<16xf32> to vector<1x16xf32>
        tpu.vector_store %arg10[%swap3A_549, %swap3A_550], %swap3A_553 {add = true, strides = array<i32>} : memref<200x128xf32, #tpu.memory_space<vmem>>, vector<1x16xf32>,
        %get3A_554 = arith.index_cast %add3A_526 : i32 to index
        %get3A_555 = arith.constant 48 : index
        %get3A_556 = tpu.vector_load %arg7[%get3A_554, %get3A_555] {strides = array<i32>} : memref<200x128xf32, #tpu.memory_space<vmem>>, vector<1x16xf32>,
        %get3A_557 = vector.shape_cast %get3A_556 : vector<1x16xf32> to vector<16xf32>
        %swap3A_558 = arith.index_cast %add3A_526 : i32 to index
        %swap3A_559 = arith.constant 48 : index
        %swap3A_560 = tpu.vector_load %arg10[%swap3A_558, %swap3A_559] {strides = array<i32>} : memref<200x128xf32, #tpu.memory_space<vmem>>, vector<1x16xf32>,
        %swap3A_561 = vector.shape_cast %swap3A_560 : vector<1x16xf32> to vector<16xf32>
        %swap3A_562 = vector.shape_cast %get3A_557 : vector<16xf32> to vector<1x16xf32>
        tpu.vector_store %arg10[%swap3A_558, %swap3A_559], %swap3A_562 {add = true, strides = array<i32>} : memref<200x128xf32, #tpu.memory_space<vmem>>, vector<1x16xf32>,
        %get3A_563 = arith.index_cast %add3A_526 : i32 to index
        %get3A_564 = arith.constant 64 : index
        %get3A_565 = tpu.vector_load %arg7[%get3A_563, %get3A_564] {strides = array<i32>} : memref<200x128xf32, #tpu.memory_space<vmem>>, vector<1x16xf32>,
        %get3A_566 = vector.shape_cast %get3A_565 : vector<1x16xf32> to vector<16xf32>
        %swap3A_567 = arith.index_cast %add3A_526 : i32 to index
        %swap3A_568 = arith.constant 64 : index
        %swap3A_569 = tpu.vector_load %arg10[%swap3A_567, %swap3A_568] {strides = array<i32>} : memref<200x128xf32, #tpu.memory_space<vmem>>, vector<1x16xf32>,
        %swap3A_570 = vector.shape_cast %swap3A_569 : vector<1x16xf32> to vector<16xf32>
        %swap3A_571 = vector.shape_cast %get3A_566 : vector<16xf32> to vector<1x16xf32>
        tpu.vector_store %arg10[%swap3A_567, %swap3A_568], %swap3A_571 {add = true, strides = array<i32>} : memref<200x128xf32, #tpu.memory_space<vmem>>, vector<1x16xf32>,
        %get3A_572 = arith.index_cast %add3A_526 : i32 to index
        %get3A_573 = arith.constant 80 : index
        %get3A_574 = tpu.vector_load %arg7[%get3A_572, %get3A_573] {strides = array<i32>} : memref<200x128xf32, #tpu.memory_space<vmem>>, vector<1x16xf32>,
        %get3A_575 = vector.shape_cast %get3A_574 : vector<1x16xf32> to vector<16xf32>
        %swap3A_576 = arith.index_cast %add3A_526 : i32 to index
        %swap3A_577 = arith.constant 80 : index
        %swap3A_578 = tpu.vector_load %arg10[%swap3A_576, %swap3A_577] {strides = array<i32>} : memref<200x128xf32, #tpu.memory_space<vmem>>, vector<1x16xf32>,
        %swap3A_579 = vector.shape_cast %swap3A_578 : vector<1x16xf32> to vector<16xf32>
        %swap3A_580 = vector.shape_cast %get3A_575 : vector<16xf32> to vector<1x16xf32>
        tpu.vector_store %arg10[%swap3A_576, %swap3A_577], %swap3A_580 {add = true, strides = array<i32>} : memref<200x128xf32, #tpu.memory_space<vmem>>, vector<1x16xf32>,
        %get3A_581 = arith.index_cast %add3A_526 : i32 to index
        %get3A_582 = arith.constant 96 : index
        %get3A_583 = tpu.vector_load %arg7[%get3A_581, %get3A_582] {strides = array<i32>} : memref<200x128xf32, #tpu.memory_space<vmem>>, vector<1x16xf32>,
        %get3A_584 = vector.shape_cast %get3A_583 : vector<1x16xf32> to vector<16xf32>
        %swap3A_585 = arith.index_cast %add3A_526 : i32 to index
        %swap3A_586 = arith.constant 96 : index
        %swap3A_587 = tpu.vector_load %arg10[%swap3A_585, %swap3A_586] {strides = array<i32>} : memref<200x128xf32, #tpu.memory_space<vmem>>, vector<1x16xf32>,
        %swap3A_588 = vector.shape_cast %swap3A_587 : vector<1x16xf32> to vector<16xf32>
        %swap3A_589 = vector.shape_cast %get3A_584 : vector<16xf32> to vector<1x16xf32>
        tpu.vector_store %arg10[%swap3A_585, %swap3A_586], %swap3A_589 {add = true, strides = array<i32>} : memref<200x128xf32, #tpu.memory_space<vmem>>, vector<1x16xf32>,
        %get3A_590 = arith.index_cast %add3A_526 : i32 to index
        %get3A_591 = arith.constant 112 : index
        %get3A_592 = tpu.vector_load %arg7[%get3A_590, %get3A_591] {strides = array<i32>} : memref<200x128xf32, #tpu.memory_space<vmem>>, vector<1x16xf32>,
        %get3A_593 = vector.shape_cast %get3A_592 : vector<1x16xf32> to vector<16xf32>
        %swap3A_594 = arith.index_cast %add3A_526 : i32 to index
        %swap3A_595 = arith.constant 112 : index
        %swap3A_596 = tpu.vector_load %arg10[%swap3A_594, %swap3A_595] {strides = array<i32>} : memref<200x128xf32, #tpu.memory_space<vmem>>, vector<1x16xf32>,
        %swap3A_597 = vector.shape_cast %swap3A_596 : vector<1x16xf32> to vector<16xf32>
        %swap3A_598 = vector.shape_cast %get3A_593 : vector<16xf32> to vector<1x16xf32>
        tpu.vector_store %arg10[%swap3A_594, %swap3A_595], %swap3A_598 {add = true, strides = array<i32>} : memref<200x128xf32, #tpu.memory_space<vmem>>, vector<1x16xf32>,
      }
      %scan3A_174 = arith.constant 50 : i32
      %mul3A_175 = arith.constant 128 : i32
      %mul3A_176 = arith.muli %add3A, %mul3A_175 : i32
      %add3A_177 = arith.addi %mul3A_176, %add3A_136 : i32
      %mul3A_178 = arith.constant 200 : i32
      %mul3A_179 = arith.muli %add3A_177, %mul3A_178 : i32
      %dma_start3A_180 = arith.constant 0 : i32
      %dma_start3A_181 = tpu.memref_slice %arg5[%mul3A_179, %dma_start3A_180] : memref<819200x128xf32, #tpu.memory_space<hbm>> -> memref<200x128xf32, #tpu.memory_space<hbm>>
      %dma_start3A_182 = arith.constant 0 : i32
      %dma_start3A_183 = tpu.memref_slice %arg5[%mul3A_179, %dma_start3A_182] : memref<819200x128xf32, #tpu.memory_space<hbm>> -> memref<200x128xf32, #tpu.memory_space<hbm>>
      tpu.enqueue_dma source(%arg10 : memref<200x128xf32, #tpu.memory_space<vmem>>) target(%dma_start3A_183 : memref<200x128xf32, #tpu.memory_space<hbm>>) target_semaphore(%arg16 : memref<!tpu.dma_semaphore, #tpu.memory_space<semaphore_mem>>)
      %mul3A_184 = arith.constant 3 : i32
      %mul3A_185 = arith.muli %mul3A_184, %scan3A_130 : i32
      %add3A_186 = arith.constant 2 : i32
      %add3A_187 = arith.addi %mul3A_185, %add3A_186 : i32
      %add3A_188 = arith.constant 1 : i32
      %add3A_189 = arith.addi %add3A_187, %add3A_188 : i32
      %dma_wait3A_190 = arith.constant 0 : i32
      %dma_wait3A_191 = arith.constant 0 : i32
      %dma_wait3A_192 = tpu.memref_slice %arg5[%dma_wait3A_190, %dma_wait3A_191] : memref<819200x128xf32, #tpu.memory_space<hbm>> -> memref<200x128xf32, #tpu.memory_space<hbm>>
      %dma_wait3A_193 = arith.constant 0 : i32
      %dma_wait3A_194 = arith.constant 0 : i32
      %dma_wait3A_195 = tpu.memref_slice %arg5[%dma_wait3A_193, %dma_wait3A_194] : memref<819200x128xf32, #tpu.memory_space<hbm>> -> memref<200x128xf32, #tpu.memory_space<hbm>>
      tpu.wait_dma2 semaphore(%arg15 : memref<!tpu.dma_semaphore, #tpu.memory_space<semaphore_mem>>) src(%arg9 : memref<200x128xf32, #tpu.memory_space<vmem>>) dst(%dma_wait3A_195 : memref<200x128xf32, #tpu.memory_space<hbm>>)
      %add3A_196 = arith.constant 1 : i32
      %add3A_197 = arith.addi %add3A_189, %add3A_196 : i32
      %lt3A_198 = arith.constant 128 : i32
      %lt3A_199 = arith.cmpi slt, %add3A_197, %lt3A_198 : i32
      %convert_element_type3A_200 = arith.extui %lt3A_199 : i1 to i32
      %cond3A_201 = arith.constant 0 : i32
      %cond3A_202 = arith.cmpi ne, %convert_element_type3A_200, %cond3A_201 : i32
      scf.if %cond3A_202 {
        %add3A_296 = arith.constant 1 : i32
        %add3A_297 = arith.addi %add3A_189, %add3A_296 : i32
        %mul3A_298 = arith.constant 200 : i32
        %mul3A_299 = arith.muli %add3A_297, %mul3A_298 : i32
        %add3A_300 = arith.constant 0 : i32
        %add3A_301 = arith.addi %mul3A_299, %add3A_300 : i32
        %mul3A_302 = arith.constant 200 : i32
        %mul3A_303 = arith.muli %add3A_297, %mul3A_302 : i32
        %add3A_304 = arith.constant 128 : i32
        %add3A_305 = arith.addi %mul3A_303, %add3A_304 : i32
        %dma_start3A_306 = arith.constant 0 : i32
        %dma_start3A_307 = arith.constant 0 : i32
        %dma_start3A_308 = tpu.memref_slice %arg9[%dma_start3A_306, %dma_start3A_307] : memref<200x128xf32, #tpu.memory_space<vmem>> -> memref<128x128xf32, #tpu.memory_space<vmem>>
        %dma_start3A_309 = tpu.memref_slice %arg6[%add3A_301] : memref<25600xi32, #tpu.memory_space<vmem>> -> memref<128xi32, #tpu.memory_space<vmem>>
        %dma_start3A_310 = arith.constant 0 : i32
        %dma_start3A_311 = arith.constant 0 : i32
        %dma_start3A_312 = tpu.memref_slice %arg2[%dma_start3A_310, %dma_start3A_311] : memref<100000x128xf32, #tpu.memory_space<hbm>> -> memref<100000x128xf32, #tpu.memory_space<hbm>>
        tpu.enqueue_indirect_dma source(%dma_start3A_312 : memref<100000x128xf32, #tpu.memory_space<hbm>>) target(%dma_start3A_308 : memref<128x128xf32, #tpu.memory_space<vmem>>) offsets(%dma_start3A_309 : memref<128xi32, #tpu.memory_space<vmem>>) semaphore(%arg12 : memref<!tpu.dma_semaphore, #tpu.memory_space<semaphore_mem>>)
        %dma_start3A_313 = arith.constant 128 : i32
        %dma_start3A_314 = arith.constant 0 : i32
        %dma_start3A_315 = tpu.memref_slice %arg9[%dma_start3A_313, %dma_start3A_314] : memref<200x128xf32, #tpu.memory_space<vmem>> -> memref<72x128xf32, #tpu.memory_space<vmem>>
        %dma_start3A_316 = tpu.memref_slice %arg6[%add3A_305] : memref<25600xi32, #tpu.memory_space<vmem>> -> memref<72xi32, #tpu.memory_space<vmem>>
        %dma_start3A_317 = arith.constant 0 : i32
        %dma_start3A_318 = arith.constant 0 : i32
        %dma_start3A_319 = tpu.memref_slice %arg2[%dma_start3A_317, %dma_start3A_318] : memref<100000x128xf32, #tpu.memory_space<hbm>> -> memref<100000x128xf32, #tpu.memory_space<hbm>>
        tpu.enqueue_indirect_dma source(%dma_start3A_319 : memref<100000x128xf32, #tpu.memory_space<hbm>>) target(%dma_start3A_315 : memref<72x128xf32, #tpu.memory_space<vmem>>) offsets(%dma_start3A_316 : memref<72xi32, #tpu.memory_space<vmem>>) semaphore(%arg12 : memref<!tpu.dma_semaphore, #tpu.memory_space<semaphore_mem>>)
      } else {
      }
      %mul3A_203 = arith.constant 200 : i32
      %mul3A_204 = arith.muli %add3A_189, %mul3A_203 : i32
      %add3A_205 = arith.constant 0 : i32
      %add3A_206 = arith.addi %mul3A_204, %add3A_205 : i32
      %mul3A_207 = arith.constant 200 : i32
      %mul3A_208 = arith.muli %add3A_189, %mul3A_207 : i32
      %add3A_209 = arith.constant 128 : i32
      %add3A_210 = arith.addi %mul3A_208, %add3A_209 : i32
      %dma_wait3A_211 = arith.constant 0 : i32
      %dma_wait3A_212 = arith.constant 0 : i32
      %dma_wait3A_213 = tpu.memref_slice %arg8[%dma_wait3A_211, %dma_wait3A_212] : memref<200x128xf32, #tpu.memory_space<vmem>> -> memref<128x128xf32, #tpu.memory_space<vmem>>
      %dma_wait3A_214 = tpu.memref_slice %arg6[%add3A_206] : memref<25600xi32, #tpu.memory_space<vmem>> -> memref<128xi32, #tpu.memory_space<vmem>>
      %dma_wait3A_215 = arith.constant 0 : i32
      %dma_wait3A_216 = arith.constant 0 : i32
      %dma_wait3A_217 = tpu.memref_slice %arg2[%dma_wait3A_215, %dma_wait3A_216] : memref<100000x128xf32, #tpu.memory_space<hbm>> -> memref<100000x128xf32, #tpu.memory_space<hbm>>
      tpu.wait_indirect_dma semaphore(%arg11 : memref<!tpu.dma_semaphore, #tpu.memory_space<semaphore_mem>>) src(%dma_wait3A_217 : memref<100000x128xf32, #tpu.memory_space<hbm>>) dst(%dma_wait3A_213 : memref<128x128xf32, #tpu.memory_space<vmem>>)
      %dma_wait3A_218 = arith.constant 128 : i32
      %dma_wait3A_219 = arith.constant 0 : i32
      %dma_wait3A_220 = tpu.memref_slice %arg8[%dma_wait3A_218, %dma_wait3A_219] : memref<200x128xf32, #tpu.memory_space<vmem>> -> memref<72x128xf32, #tpu.memory_space<vmem>>
      %dma_wait3A_221 = tpu.memref_slice %arg6[%add3A_210] : memref<25600xi32, #tpu.memory_space<vmem>> -> memref<72xi32, #tpu.memory_space<vmem>>
      %dma_wait3A_222 = arith.constant 0 : i32
      %dma_wait3A_223 = arith.constant 0 : i32
      %dma_wait3A_224 = tpu.memref_slice %arg2[%dma_wait3A_222, %dma_wait3A_223] : memref<100000x128xf32, #tpu.memory_space<hbm>> -> memref<100000x128xf32, #tpu.memory_space<hbm>>
      tpu.wait_indirect_dma semaphore(%arg11 : memref<!tpu.dma_semaphore, #tpu.memory_space<semaphore_mem>>) src(%dma_wait3A_224 : memref<100000x128xf32, #tpu.memory_space<hbm>>) dst(%dma_wait3A_220 : memref<72x128xf32, #tpu.memory_space<vmem>>)
      %scan3A_225 = arith.constant 0 : i32
      %scan3A_226 = arith.constant 0 : i32
      %scan3A_227 = arith.constant 50 : i32
      %scan3A_228 = arith.addi %scan3A_226, %scan3A_227 : i32
      %scan3A_229 = arith.constant 1 : i32
      scf.for %scan3A_296 = %scan3A_226 to %scan3A_228 step %scan3A_229  : i32 {
        %mul3A_297 = arith.constant 4 : i32
        %mul3A_298 = arith.muli %mul3A_297, %scan3A_296 : i32
        %add3A_299 = arith.constant 0 : i32
        %add3A_300 = arith.addi %mul3A_298, %add3A_299 : i32
        %get3A = arith.index_cast %add3A_300 : i32 to index
        %get3A_301 = arith.constant 0 : index
        %get3A_302 = tpu.vector_load %arg7[%get3A, %get3A_301] {strides = array<i32>} : memref<200x128xf32, #tpu.memory_space<vmem>>, vector<1x16xf32>,
        %get3A_303 = vector.shape_cast %get3A_302 : vector<1x16xf32> to vector<16xf32>
        %swap3A = arith.index_cast %add3A_300 : i32 to index
        %swap3A_304 = arith.constant 0 : index
        %swap3A_305 = tpu.vector_load %arg8[%swap3A, %swap3A_304] {strides = array<i32>} : memref<200x128xf32, #tpu.memory_space<vmem>>, vector<1x16xf32>,
        %swap3A_306 = vector.shape_cast %swap3A_305 : vector<1x16xf32> to vector<16xf32>
        %swap3A_307 = vector.shape_cast %get3A_303 : vector<16xf32> to vector<1x16xf32>
        tpu.vector_store %arg8[%swap3A, %swap3A_304], %swap3A_307 {add = true, strides = array<i32>} : memref<200x128xf32, #tpu.memory_space<vmem>>, vector<1x16xf32>,
        %get3A_308 = arith.index_cast %add3A_300 : i32 to index
        %get3A_309 = arith.constant 16 : index
        %get3A_310 = tpu.vector_load %arg7[%get3A_308, %get3A_309] {strides = array<i32>} : memref<200x128xf32, #tpu.memory_space<vmem>>, vector<1x16xf32>,
        %get3A_311 = vector.shape_cast %get3A_310 : vector<1x16xf32> to vector<16xf32>
        %swap3A_312 = arith.index_cast %add3A_300 : i32 to index
        %swap3A_313 = arith.constant 16 : index
        %swap3A_314 = tpu.vector_load %arg8[%swap3A_312, %swap3A_313] {strides = array<i32>} : memref<200x128xf32, #tpu.memory_space<vmem>>, vector<1x16xf32>,
        %swap3A_315 = vector.shape_cast %swap3A_314 : vector<1x16xf32> to vector<16xf32>
        %swap3A_316 = vector.shape_cast %get3A_311 : vector<16xf32> to vector<1x16xf32>
        tpu.vector_store %arg8[%swap3A_312, %swap3A_313], %swap3A_316 {add = true, strides = array<i32>} : memref<200x128xf32, #tpu.memory_space<vmem>>, vector<1x16xf32>,
        %get3A_317 = arith.index_cast %add3A_300 : i32 to index
        %get3A_318 = arith.constant 32 : index
        %get3A_319 = tpu.vector_load %arg7[%get3A_317, %get3A_318] {strides = array<i32>} : memref<200x128xf32, #tpu.memory_space<vmem>>, vector<1x16xf32>,
        %get3A_320 = vector.shape_cast %get3A_319 : vector<1x16xf32> to vector<16xf32>
        %swap3A_321 = arith.index_cast %add3A_300 : i32 to index
        %swap3A_322 = arith.constant 32 : index
        %swap3A_323 = tpu.vector_load %arg8[%swap3A_321, %swap3A_322] {strides = array<i32>} : memref<200x128xf32, #tpu.memory_space<vmem>>, vector<1x16xf32>,
        %swap3A_324 = vector.shape_cast %swap3A_323 : vector<1x16xf32> to vector<16xf32>
        %swap3A_325 = vector.shape_cast %get3A_320 : vector<16xf32> to vector<1x16xf32>
        tpu.vector_store %arg8[%swap3A_321, %swap3A_322], %swap3A_325 {add = true, strides = array<i32>} : memref<200x128xf32, #tpu.memory_space<vmem>>, vector<1x16xf32>,
        %get3A_326 = arith.index_cast %add3A_300 : i32 to index
        %get3A_327 = arith.constant 48 : index
        %get3A_328 = tpu.vector_load %arg7[%get3A_326, %get3A_327] {strides = array<i32>} : memref<200x128xf32, #tpu.memory_space<vmem>>, vector<1x16xf32>,
        %get3A_329 = vector.shape_cast %get3A_328 : vector<1x16xf32> to vector<16xf32>
        %swap3A_330 = arith.index_cast %add3A_300 : i32 to index
        %swap3A_331 = arith.constant 48 : index
        %swap3A_332 = tpu.vector_load %arg8[%swap3A_330, %swap3A_331] {strides = array<i32>} : memref<200x128xf32, #tpu.memory_space<vmem>>, vector<1x16xf32>,
        %swap3A_333 = vector.shape_cast %swap3A_332 : vector<1x16xf32> to vector<16xf32>
        %swap3A_334 = vector.shape_cast %get3A_329 : vector<16xf32> to vector<1x16xf32>
        tpu.vector_store %arg8[%swap3A_330, %swap3A_331], %swap3A_334 {add = true, strides = array<i32>} : memref<200x128xf32, #tpu.memory_space<vmem>>, vector<1x16xf32>,
        %get3A_335 = arith.index_cast %add3A_300 : i32 to index
        %get3A_336 = arith.constant 64 : index
        %get3A_337 = tpu.vector_load %arg7[%get3A_335, %get3A_336] {strides = array<i32>} : memref<200x128xf32, #tpu.memory_space<vmem>>, vector<1x16xf32>,
        %get3A_338 = vector.shape_cast %get3A_337 : vector<1x16xf32> to vector<16xf32>
        %swap3A_339 = arith.index_cast %add3A_300 : i32 to index
        %swap3A_340 = arith.constant 64 : index
        %swap3A_341 = tpu.vector_load %arg8[%swap3A_339, %swap3A_340] {strides = array<i32>} : memref<200x128xf32, #tpu.memory_space<vmem>>, vector<1x16xf32>,
        %swap3A_342 = vector.shape_cast %swap3A_341 : vector<1x16xf32> to vector<16xf32>
        %swap3A_343 = vector.shape_cast %get3A_338 : vector<16xf32> to vector<1x16xf32>
        tpu.vector_store %arg8[%swap3A_339, %swap3A_340], %swap3A_343 {add = true, strides = array<i32>} : memref<200x128xf32, #tpu.memory_space<vmem>>, vector<1x16xf32>,
        %get3A_344 = arith.index_cast %add3A_300 : i32 to index
        %get3A_345 = arith.constant 80 : index
        %get3A_346 = tpu.vector_load %arg7[%get3A_344, %get3A_345] {strides = array<i32>} : memref<200x128xf32, #tpu.memory_space<vmem>>, vector<1x16xf32>,
        %get3A_347 = vector.shape_cast %get3A_346 : vector<1x16xf32> to vector<16xf32>
        %swap3A_348 = arith.index_cast %add3A_300 : i32 to index
        %swap3A_349 = arith.constant 80 : index
        %swap3A_350 = tpu.vector_load %arg8[%swap3A_348, %swap3A_349] {strides = array<i32>} : memref<200x128xf32, #tpu.memory_space<vmem>>, vector<1x16xf32>,
        %swap3A_351 = vector.shape_cast %swap3A_350 : vector<1x16xf32> to vector<16xf32>
        %swap3A_352 = vector.shape_cast %get3A_347 : vector<16xf32> to vector<1x16xf32>
        tpu.vector_store %arg8[%swap3A_348, %swap3A_349], %swap3A_352 {add = true, strides = array<i32>} : memref<200x128xf32, #tpu.memory_space<vmem>>, vector<1x16xf32>,
        %get3A_353 = arith.index_cast %add3A_300 : i32 to index
        %get3A_354 = arith.constant 96 : index
        %get3A_355 = tpu.vector_load %arg7[%get3A_353, %get3A_354] {strides = array<i32>} : memref<200x128xf32, #tpu.memory_space<vmem>>, vector<1x16xf32>,
        %get3A_356 = vector.shape_cast %get3A_355 : vector<1x16xf32> to vector<16xf32>
        %swap3A_357 = arith.index_cast %add3A_300 : i32 to index
        %swap3A_358 = arith.constant 96 : index
        %swap3A_359 = tpu.vector_load %arg8[%swap3A_357, %swap3A_358] {strides = array<i32>} : memref<200x128xf32, #tpu.memory_space<vmem>>, vector<1x16xf32>,
        %swap3A_360 = vector.shape_cast %swap3A_359 : vector<1x16xf32> to vector<16xf32>
        %swap3A_361 = vector.shape_cast %get3A_356 : vector<16xf32> to vector<1x16xf32>
        tpu.vector_store %arg8[%swap3A_357, %swap3A_358], %swap3A_361 {add = true, strides = array<i32>} : memref<200x128xf32, #tpu.memory_space<vmem>>, vector<1x16xf32>,
        %get3A_362 = arith.index_cast %add3A_300 : i32 to index
        %get3A_363 = arith.constant 112 : index
        %get3A_364 = tpu.vector_load %arg7[%get3A_362, %get3A_363] {strides = array<i32>} : memref<200x128xf32, #tpu.memory_space<vmem>>, vector<1x16xf32>,
        %get3A_365 = vector.shape_cast %get3A_364 : vector<1x16xf32> to vector<16xf32>
        %swap3A_366 = arith.index_cast %add3A_300 : i32 to index
        %swap3A_367 = arith.constant 112 : index
        %swap3A_368 = tpu.vector_load %arg8[%swap3A_366, %swap3A_367] {strides = array<i32>} : memref<200x128xf32, #tpu.memory_space<vmem>>, vector<1x16xf32>,
        %swap3A_369 = vector.shape_cast %swap3A_368 : vector<1x16xf32> to vector<16xf32>
        %swap3A_370 = vector.shape_cast %get3A_365 : vector<16xf32> to vector<1x16xf32>
        tpu.vector_store %arg8[%swap3A_366, %swap3A_367], %swap3A_370 {add = true, strides = array<i32>} : memref<200x128xf32, #tpu.memory_space<vmem>>, vector<1x16xf32>,
        %mul3A_371 = arith.constant 4 : i32
        %mul3A_372 = arith.muli %mul3A_371, %scan3A_296 : i32
        %add3A_373 = arith.constant 1 : i32
        %add3A_374 = arith.addi %mul3A_372, %add3A_373 : i32
        %get3A_375 = arith.index_cast %add3A_374 : i32 to index
        %get3A_376 = arith.constant 0 : index
        %get3A_377 = tpu.vector_load %arg7[%get3A_375, %get3A_376] {strides = array<i32>} : memref<200x128xf32, #tpu.memory_space<vmem>>, vector<1x16xf32>,
        %get3A_378 = vector.shape_cast %get3A_377 : vector<1x16xf32> to vector<16xf32>
        %swap3A_379 = arith.index_cast %add3A_374 : i32 to index
        %swap3A_380 = arith.constant 0 : index
        %swap3A_381 = tpu.vector_load %arg8[%swap3A_379, %swap3A_380] {strides = array<i32>} : memref<200x128xf32, #tpu.memory_space<vmem>>, vector<1x16xf32>,
        %swap3A_382 = vector.shape_cast %swap3A_381 : vector<1x16xf32> to vector<16xf32>
        %swap3A_383 = vector.shape_cast %get3A_378 : vector<16xf32> to vector<1x16xf32>
        tpu.vector_store %arg8[%swap3A_379, %swap3A_380], %swap3A_383 {add = true, strides = array<i32>} : memref<200x128xf32, #tpu.memory_space<vmem>>, vector<1x16xf32>,
        %get3A_384 = arith.index_cast %add3A_374 : i32 to index
        %get3A_385 = arith.constant 16 : index
        %get3A_386 = tpu.vector_load %arg7[%get3A_384, %get3A_385] {strides = array<i32>} : memref<200x128xf32, #tpu.memory_space<vmem>>, vector<1x16xf32>,
        %get3A_387 = vector.shape_cast %get3A_386 : vector<1x16xf32> to vector<16xf32>
        %swap3A_388 = arith.index_cast %add3A_374 : i32 to index
        %swap3A_389 = arith.constant 16 : index
        %swap3A_390 = tpu.vector_load %arg8[%swap3A_388, %swap3A_389] {strides = array<i32>} : memref<200x128xf32, #tpu.memory_space<vmem>>, vector<1x16xf32>,
        %swap3A_391 = vector.shape_cast %swap3A_390 : vector<1x16xf32> to vector<16xf32>
        %swap3A_392 = vector.shape_cast %get3A_387 : vector<16xf32> to vector<1x16xf32>
        tpu.vector_store %arg8[%swap3A_388, %swap3A_389], %swap3A_392 {add = true, strides = array<i32>} : memref<200x128xf32, #tpu.memory_space<vmem>>, vector<1x16xf32>,
        %get3A_393 = arith.index_cast %add3A_374 : i32 to index
        %get3A_394 = arith.constant 32 : index
        %get3A_395 = tpu.vector_load %arg7[%get3A_393, %get3A_394] {strides = array<i32>} : memref<200x128xf32, #tpu.memory_space<vmem>>, vector<1x16xf32>,
        %get3A_396 = vector.shape_cast %get3A_395 : vector<1x16xf32> to vector<16xf32>
        %swap3A_397 = arith.index_cast %add3A_374 : i32 to index
        %swap3A_398 = arith.constant 32 : index
        %swap3A_399 = tpu.vector_load %arg8[%swap3A_397, %swap3A_398] {strides = array<i32>} : memref<200x128xf32, #tpu.memory_space<vmem>>, vector<1x16xf32>,
        %swap3A_400 = vector.shape_cast %swap3A_399 : vector<1x16xf32> to vector<16xf32>
        %swap3A_401 = vector.shape_cast %get3A_396 : vector<16xf32> to vector<1x16xf32>
        tpu.vector_store %arg8[%swap3A_397, %swap3A_398], %swap3A_401 {add = true, strides = array<i32>} : memref<200x128xf32, #tpu.memory_space<vmem>>, vector<1x16xf32>,
        %get3A_402 = arith.index_cast %add3A_374 : i32 to index
        %get3A_403 = arith.constant 48 : index
        %get3A_404 = tpu.vector_load %arg7[%get3A_402, %get3A_403] {strides = array<i32>} : memref<200x128xf32, #tpu.memory_space<vmem>>, vector<1x16xf32>,
        %get3A_405 = vector.shape_cast %get3A_404 : vector<1x16xf32> to vector<16xf32>
        %swap3A_406 = arith.index_cast %add3A_374 : i32 to index
        %swap3A_407 = arith.constant 48 : index
        %swap3A_408 = tpu.vector_load %arg8[%swap3A_406, %swap3A_407] {strides = array<i32>} : memref<200x128xf32, #tpu.memory_space<vmem>>, vector<1x16xf32>,
        %swap3A_409 = vector.shape_cast %swap3A_408 : vector<1x16xf32> to vector<16xf32>
        %swap3A_410 = vector.shape_cast %get3A_405 : vector<16xf32> to vector<1x16xf32>
        tpu.vector_store %arg8[%swap3A_406, %swap3A_407], %swap3A_410 {add = true, strides = array<i32>} : memref<200x128xf32, #tpu.memory_space<vmem>>, vector<1x16xf32>,
        %get3A_411 = arith.index_cast %add3A_374 : i32 to index
        %get3A_412 = arith.constant 64 : index
        %get3A_413 = tpu.vector_load %arg7[%get3A_411, %get3A_412] {strides = array<i32>} : memref<200x128xf32, #tpu.memory_space<vmem>>, vector<1x16xf32>,
        %get3A_414 = vector.shape_cast %get3A_413 : vector<1x16xf32> to vector<16xf32>
        %swap3A_415 = arith.index_cast %add3A_374 : i32 to index
        %swap3A_416 = arith.constant 64 : index
        %swap3A_417 = tpu.vector_load %arg8[%swap3A_415, %swap3A_416] {strides = array<i32>} : memref<200x128xf32, #tpu.memory_space<vmem>>, vector<1x16xf32>,
        %swap3A_418 = vector.shape_cast %swap3A_417 : vector<1x16xf32> to vector<16xf32>
        %swap3A_419 = vector.shape_cast %get3A_414 : vector<16xf32> to vector<1x16xf32>
        tpu.vector_store %arg8[%swap3A_415, %swap3A_416], %swap3A_419 {add = true, strides = array<i32>} : memref<200x128xf32, #tpu.memory_space<vmem>>, vector<1x16xf32>,
        %get3A_420 = arith.index_cast %add3A_374 : i32 to index
        %get3A_421 = arith.constant 80 : index
        %get3A_422 = tpu.vector_load %arg7[%get3A_420, %get3A_421] {strides = array<i32>} : memref<200x128xf32, #tpu.memory_space<vmem>>, vector<1x16xf32>,
        %get3A_423 = vector.shape_cast %get3A_422 : vector<1x16xf32> to vector<16xf32>
        %swap3A_424 = arith.index_cast %add3A_374 : i32 to index
        %swap3A_425 = arith.constant 80 : index
        %swap3A_426 = tpu.vector_load %arg8[%swap3A_424, %swap3A_425] {strides = array<i32>} : memref<200x128xf32, #tpu.memory_space<vmem>>, vector<1x16xf32>,
        %swap3A_427 = vector.shape_cast %swap3A_426 : vector<1x16xf32> to vector<16xf32>
        %swap3A_428 = vector.shape_cast %get3A_423 : vector<16xf32> to vector<1x16xf32>
        tpu.vector_store %arg8[%swap3A_424, %swap3A_425], %swap3A_428 {add = true, strides = array<i32>} : memref<200x128xf32, #tpu.memory_space<vmem>>, vector<1x16xf32>,
        %get3A_429 = arith.index_cast %add3A_374 : i32 to index
        %get3A_430 = arith.constant 96 : index
        %get3A_431 = tpu.vector_load %arg7[%get3A_429, %get3A_430] {strides = array<i32>} : memref<200x128xf32, #tpu.memory_space<vmem>>, vector<1x16xf32>,
        %get3A_432 = vector.shape_cast %get3A_431 : vector<1x16xf32> to vector<16xf32>
        %swap3A_433 = arith.index_cast %add3A_374 : i32 to index
        %swap3A_434 = arith.constant 96 : index
        %swap3A_435 = tpu.vector_load %arg8[%swap3A_433, %swap3A_434] {strides = array<i32>} : memref<200x128xf32, #tpu.memory_space<vmem>>, vector<1x16xf32>,
        %swap3A_436 = vector.shape_cast %swap3A_435 : vector<1x16xf32> to vector<16xf32>
        %swap3A_437 = vector.shape_cast %get3A_432 : vector<16xf32> to vector<1x16xf32>
        tpu.vector_store %arg8[%swap3A_433, %swap3A_434], %swap3A_437 {add = true, strides = array<i32>} : memref<200x128xf32, #tpu.memory_space<vmem>>, vector<1x16xf32>,
        %get3A_438 = arith.index_cast %add3A_374 : i32 to index
        %get3A_439 = arith.constant 112 : index
        %get3A_440 = tpu.vector_load %arg7[%get3A_438, %get3A_439] {strides = array<i32>} : memref<200x128xf32, #tpu.memory_space<vmem>>, vector<1x16xf32>,
        %get3A_441 = vector.shape_cast %get3A_440 : vector<1x16xf32> to vector<16xf32>
        %swap3A_442 = arith.index_cast %add3A_374 : i32 to index
        %swap3A_443 = arith.constant 112 : index
        %swap3A_444 = tpu.vector_load %arg8[%swap3A_442, %swap3A_443] {strides = array<i32>} : memref<200x128xf32, #tpu.memory_space<vmem>>, vector<1x16xf32>,
        %swap3A_445 = vector.shape_cast %swap3A_444 : vector<1x16xf32> to vector<16xf32>
        %swap3A_446 = vector.shape_cast %get3A_441 : vector<16xf32> to vector<1x16xf32>
        tpu.vector_store %arg8[%swap3A_442, %swap3A_443], %swap3A_446 {add = true, strides = array<i32>} : memref<200x128xf32, #tpu.memory_space<vmem>>, vector<1x16xf32>,
        %mul3A_447 = arith.constant 4 : i32
        %mul3A_448 = arith.muli %mul3A_447, %scan3A_296 : i32
        %add3A_449 = arith.constant 2 : i32
        %add3A_450 = arith.addi %mul3A_448, %add3A_449 : i32
        %get3A_451 = arith.index_cast %add3A_450 : i32 to index
        %get3A_452 = arith.constant 0 : index
        %get3A_453 = tpu.vector_load %arg7[%get3A_451, %get3A_452] {strides = array<i32>} : memref<200x128xf32, #tpu.memory_space<vmem>>, vector<1x16xf32>,
        %get3A_454 = vector.shape_cast %get3A_453 : vector<1x16xf32> to vector<16xf32>
        %swap3A_455 = arith.index_cast %add3A_450 : i32 to index
        %swap3A_456 = arith.constant 0 : index
        %swap3A_457 = tpu.vector_load %arg8[%swap3A_455, %swap3A_456] {strides = array<i32>} : memref<200x128xf32, #tpu.memory_space<vmem>>, vector<1x16xf32>,
        %swap3A_458 = vector.shape_cast %swap3A_457 : vector<1x16xf32> to vector<16xf32>
        %swap3A_459 = vector.shape_cast %get3A_454 : vector<16xf32> to vector<1x16xf32>
        tpu.vector_store %arg8[%swap3A_455, %swap3A_456], %swap3A_459 {add = true, strides = array<i32>} : memref<200x128xf32, #tpu.memory_space<vmem>>, vector<1x16xf32>,
        %get3A_460 = arith.index_cast %add3A_450 : i32 to index
        %get3A_461 = arith.constant 16 : index
        %get3A_462 = tpu.vector_load %arg7[%get3A_460, %get3A_461] {strides = array<i32>} : memref<200x128xf32, #tpu.memory_space<vmem>>, vector<1x16xf32>,
        %get3A_463 = vector.shape_cast %get3A_462 : vector<1x16xf32> to vector<16xf32>
        %swap3A_464 = arith.index_cast %add3A_450 : i32 to index
        %swap3A_465 = arith.constant 16 : index
        %swap3A_466 = tpu.vector_load %arg8[%swap3A_464, %swap3A_465] {strides = array<i32>} : memref<200x128xf32, #tpu.memory_space<vmem>>, vector<1x16xf32>,
        %swap3A_467 = vector.shape_cast %swap3A_466 : vector<1x16xf32> to vector<16xf32>
        %swap3A_468 = vector.shape_cast %get3A_463 : vector<16xf32> to vector<1x16xf32>
        tpu.vector_store %arg8[%swap3A_464, %swap3A_465], %swap3A_468 {add = true, strides = array<i32>} : memref<200x128xf32, #tpu.memory_space<vmem>>, vector<1x16xf32>,
        %get3A_469 = arith.index_cast %add3A_450 : i32 to index
        %get3A_470 = arith.constant 32 : index
        %get3A_471 = tpu.vector_load %arg7[%get3A_469, %get3A_470] {strides = array<i32>} : memref<200x128xf32, #tpu.memory_space<vmem>>, vector<1x16xf32>,
        %get3A_472 = vector.shape_cast %get3A_471 : vector<1x16xf32> to vector<16xf32>
        %swap3A_473 = arith.index_cast %add3A_450 : i32 to index
        %swap3A_474 = arith.constant 32 : index
        %swap3A_475 = tpu.vector_load %arg8[%swap3A_473, %swap3A_474] {strides = array<i32>} : memref<200x128xf32, #tpu.memory_space<vmem>>, vector<1x16xf32>,
        %swap3A_476 = vector.shape_cast %swap3A_475 : vector<1x16xf32> to vector<16xf32>
        %swap3A_477 = vector.shape_cast %get3A_472 : vector<16xf32> to vector<1x16xf32>
        tpu.vector_store %arg8[%swap3A_473, %swap3A_474], %swap3A_477 {add = true, strides = array<i32>} : memref<200x128xf32, #tpu.memory_space<vmem>>, vector<1x16xf32>,
        %get3A_478 = arith.index_cast %add3A_450 : i32 to index
        %get3A_479 = arith.constant 48 : index
        %get3A_480 = tpu.vector_load %arg7[%get3A_478, %get3A_479] {strides = array<i32>} : memref<200x128xf32, #tpu.memory_space<vmem>>, vector<1x16xf32>,
        %get3A_481 = vector.shape_cast %get3A_480 : vector<1x16xf32> to vector<16xf32>
        %swap3A_482 = arith.index_cast %add3A_450 : i32 to index
        %swap3A_483 = arith.constant 48 : index
        %swap3A_484 = tpu.vector_load %arg8[%swap3A_482, %swap3A_483] {strides = array<i32>} : memref<200x128xf32, #tpu.memory_space<vmem>>, vector<1x16xf32>,
        %swap3A_485 = vector.shape_cast %swap3A_484 : vector<1x16xf32> to vector<16xf32>
        %swap3A_486 = vector.shape_cast %get3A_481 : vector<16xf32> to vector<1x16xf32>
        tpu.vector_store %arg8[%swap3A_482, %swap3A_483], %swap3A_486 {add = true, strides = array<i32>} : memref<200x128xf32, #tpu.memory_space<vmem>>, vector<1x16xf32>,
        %get3A_487 = arith.index_cast %add3A_450 : i32 to index
        %get3A_488 = arith.constant 64 : index
        %get3A_489 = tpu.vector_load %arg7[%get3A_487, %get3A_488] {strides = array<i32>} : memref<200x128xf32, #tpu.memory_space<vmem>>, vector<1x16xf32>,
        %get3A_490 = vector.shape_cast %get3A_489 : vector<1x16xf32> to vector<16xf32>
        %swap3A_491 = arith.index_cast %add3A_450 : i32 to index
        %swap3A_492 = arith.constant 64 : index
        %swap3A_493 = tpu.vector_load %arg8[%swap3A_491, %swap3A_492] {strides = array<i32>} : memref<200x128xf32, #tpu.memory_space<vmem>>, vector<1x16xf32>,
        %swap3A_494 = vector.shape_cast %swap3A_493 : vector<1x16xf32> to vector<16xf32>
        %swap3A_495 = vector.shape_cast %get3A_490 : vector<16xf32> to vector<1x16xf32>
        tpu.vector_store %arg8[%swap3A_491, %swap3A_492], %swap3A_495 {add = true, strides = array<i32>} : memref<200x128xf32, #tpu.memory_space<vmem>>, vector<1x16xf32>,
        %get3A_496 = arith.index_cast %add3A_450 : i32 to index
        %get3A_497 = arith.constant 80 : index
        %get3A_498 = tpu.vector_load %arg7[%get3A_496, %get3A_497] {strides = array<i32>} : memref<200x128xf32, #tpu.memory_space<vmem>>, vector<1x16xf32>,
        %get3A_499 = vector.shape_cast %get3A_498 : vector<1x16xf32> to vector<16xf32>
        %swap3A_500 = arith.index_cast %add3A_450 : i32 to index
        %swap3A_501 = arith.constant 80 : index
        %swap3A_502 = tpu.vector_load %arg8[%swap3A_500, %swap3A_501] {strides = array<i32>} : memref<200x128xf32, #tpu.memory_space<vmem>>, vector<1x16xf32>,
        %swap3A_503 = vector.shape_cast %swap3A_502 : vector<1x16xf32> to vector<16xf32>
        %swap3A_504 = vector.shape_cast %get3A_499 : vector<16xf32> to vector<1x16xf32>
        tpu.vector_store %arg8[%swap3A_500, %swap3A_501], %swap3A_504 {add = true, strides = array<i32>} : memref<200x128xf32, #tpu.memory_space<vmem>>, vector<1x16xf32>,
        %get3A_505 = arith.index_cast %add3A_450 : i32 to index
        %get3A_506 = arith.constant 96 : index
        %get3A_507 = tpu.vector_load %arg7[%get3A_505, %get3A_506] {strides = array<i32>} : memref<200x128xf32, #tpu.memory_space<vmem>>, vector<1x16xf32>,
        %get3A_508 = vector.shape_cast %get3A_507 : vector<1x16xf32> to vector<16xf32>
        %swap3A_509 = arith.index_cast %add3A_450 : i32 to index
        %swap3A_510 = arith.constant 96 : index
        %swap3A_511 = tpu.vector_load %arg8[%swap3A_509, %swap3A_510] {strides = array<i32>} : memref<200x128xf32, #tpu.memory_space<vmem>>, vector<1x16xf32>,
        %swap3A_512 = vector.shape_cast %swap3A_511 : vector<1x16xf32> to vector<16xf32>
        %swap3A_513 = vector.shape_cast %get3A_508 : vector<16xf32> to vector<1x16xf32>
        tpu.vector_store %arg8[%swap3A_509, %swap3A_510], %swap3A_513 {add = true, strides = array<i32>} : memref<200x128xf32, #tpu.memory_space<vmem>>, vector<1x16xf32>,
        %get3A_514 = arith.index_cast %add3A_450 : i32 to index
        %get3A_515 = arith.constant 112 : index
        %get3A_516 = tpu.vector_load %arg7[%get3A_514, %get3A_515] {strides = array<i32>} : memref<200x128xf32, #tpu.memory_space<vmem>>, vector<1x16xf32>,
        %get3A_517 = vector.shape_cast %get3A_516 : vector<1x16xf32> to vector<16xf32>
        %swap3A_518 = arith.index_cast %add3A_450 : i32 to index
        %swap3A_519 = arith.constant 112 : index
        %swap3A_520 = tpu.vector_load %arg8[%swap3A_518, %swap3A_519] {strides = array<i32>} : memref<200x128xf32, #tpu.memory_space<vmem>>, vector<1x16xf32>,
        %swap3A_521 = vector.shape_cast %swap3A_520 : vector<1x16xf32> to vector<16xf32>
        %swap3A_522 = vector.shape_cast %get3A_517 : vector<16xf32> to vector<1x16xf32>
        tpu.vector_store %arg8[%swap3A_518, %swap3A_519], %swap3A_522 {add = true, strides = array<i32>} : memref<200x128xf32, #tpu.memory_space<vmem>>, vector<1x16xf32>,
        %mul3A_523 = arith.constant 4 : i32
        %mul3A_524 = arith.muli %mul3A_523, %scan3A_296 : i32
        %add3A_525 = arith.constant 3 : i32
        %add3A_526 = arith.addi %mul3A_524, %add3A_525 : i32
        %get3A_527 = arith.index_cast %add3A_526 : i32 to index
        %get3A_528 = arith.constant 0 : index
        %get3A_529 = tpu.vector_load %arg7[%get3A_527, %get3A_528] {strides = array<i32>} : memref<200x128xf32, #tpu.memory_space<vmem>>, vector<1x16xf32>,
        %get3A_530 = vector.shape_cast %get3A_529 : vector<1x16xf32> to vector<16xf32>
        %swap3A_531 = arith.index_cast %add3A_526 : i32 to index
        %swap3A_532 = arith.constant 0 : index
        %swap3A_533 = tpu.vector_load %arg8[%swap3A_531, %swap3A_532] {strides = array<i32>} : memref<200x128xf32, #tpu.memory_space<vmem>>, vector<1x16xf32>,
        %swap3A_534 = vector.shape_cast %swap3A_533 : vector<1x16xf32> to vector<16xf32>
        %swap3A_535 = vector.shape_cast %get3A_530 : vector<16xf32> to vector<1x16xf32>
        tpu.vector_store %arg8[%swap3A_531, %swap3A_532], %swap3A_535 {add = true, strides = array<i32>} : memref<200x128xf32, #tpu.memory_space<vmem>>, vector<1x16xf32>,
        %get3A_536 = arith.index_cast %add3A_526 : i32 to index
        %get3A_537 = arith.constant 16 : index
        %get3A_538 = tpu.vector_load %arg7[%get3A_536, %get3A_537] {strides = array<i32>} : memref<200x128xf32, #tpu.memory_space<vmem>>, vector<1x16xf32>,
        %get3A_539 = vector.shape_cast %get3A_538 : vector<1x16xf32> to vector<16xf32>
        %swap3A_540 = arith.index_cast %add3A_526 : i32 to index
        %swap3A_541 = arith.constant 16 : index
        %swap3A_542 = tpu.vector_load %arg8[%swap3A_540, %swap3A_541] {strides = array<i32>} : memref<200x128xf32, #tpu.memory_space<vmem>>, vector<1x16xf32>,
        %swap3A_543 = vector.shape_cast %swap3A_542 : vector<1x16xf32> to vector<16xf32>
        %swap3A_544 = vector.shape_cast %get3A_539 : vector<16xf32> to vector<1x16xf32>
        tpu.vector_store %arg8[%swap3A_540, %swap3A_541], %swap3A_544 {add = true, strides = array<i32>} : memref<200x128xf32, #tpu.memory_space<vmem>>, vector<1x16xf32>,
        %get3A_545 = arith.index_cast %add3A_526 : i32 to index
        %get3A_546 = arith.constant 32 : index
        %get3A_547 = tpu.vector_load %arg7[%get3A_545, %get3A_546] {strides = array<i32>} : memref<200x128xf32, #tpu.memory_space<vmem>>, vector<1x16xf32>,
        %get3A_548 = vector.shape_cast %get3A_547 : vector<1x16xf32> to vector<16xf32>
        %swap3A_549 = arith.index_cast %add3A_526 : i32 to index
        %swap3A_550 = arith.constant 32 : index
        %swap3A_551 = tpu.vector_load %arg8[%swap3A_549, %swap3A_550] {strides = array<i32>} : memref<200x128xf32, #tpu.memory_space<vmem>>, vector<1x16xf32>,
        %swap3A_552 = vector.shape_cast %swap3A_551 : vector<1x16xf32> to vector<16xf32>
        %swap3A_553 = vector.shape_cast %get3A_548 : vector<16xf32> to vector<1x16xf32>
        tpu.vector_store %arg8[%swap3A_549, %swap3A_550], %swap3A_553 {add = true, strides = array<i32>} : memref<200x128xf32, #tpu.memory_space<vmem>>, vector<1x16xf32>,
        %get3A_554 = arith.index_cast %add3A_526 : i32 to index
        %get3A_555 = arith.constant 48 : index
        %get3A_556 = tpu.vector_load %arg7[%get3A_554, %get3A_555] {strides = array<i32>} : memref<200x128xf32, #tpu.memory_space<vmem>>, vector<1x16xf32>,
        %get3A_557 = vector.shape_cast %get3A_556 : vector<1x16xf32> to vector<16xf32>
        %swap3A_558 = arith.index_cast %add3A_526 : i32 to index
        %swap3A_559 = arith.constant 48 : index
        %swap3A_560 = tpu.vector_load %arg8[%swap3A_558, %swap3A_559] {strides = array<i32>} : memref<200x128xf32, #tpu.memory_space<vmem>>, vector<1x16xf32>,
        %swap3A_561 = vector.shape_cast %swap3A_560 : vector<1x16xf32> to vector<16xf32>
        %swap3A_562 = vector.shape_cast %get3A_557 : vector<16xf32> to vector<1x16xf32>
        tpu.vector_store %arg8[%swap3A_558, %swap3A_559], %swap3A_562 {add = true, strides = array<i32>} : memref<200x128xf32, #tpu.memory_space<vmem>>, vector<1x16xf32>,
        %get3A_563 = arith.index_cast %add3A_526 : i32 to index
        %get3A_564 = arith.constant 64 : index
        %get3A_565 = tpu.vector_load %arg7[%get3A_563, %get3A_564] {strides = array<i32>} : memref<200x128xf32, #tpu.memory_space<vmem>>, vector<1x16xf32>,
        %get3A_566 = vector.shape_cast %get3A_565 : vector<1x16xf32> to vector<16xf32>
        %swap3A_567 = arith.index_cast %add3A_526 : i32 to index
        %swap3A_568 = arith.constant 64 : index
        %swap3A_569 = tpu.vector_load %arg8[%swap3A_567, %swap3A_568] {strides = array<i32>} : memref<200x128xf32, #tpu.memory_space<vmem>>, vector<1x16xf32>,
        %swap3A_570 = vector.shape_cast %swap3A_569 : vector<1x16xf32> to vector<16xf32>
        %swap3A_571 = vector.shape_cast %get3A_566 : vector<16xf32> to vector<1x16xf32>
        tpu.vector_store %arg8[%swap3A_567, %swap3A_568], %swap3A_571 {add = true, strides = array<i32>} : memref<200x128xf32, #tpu.memory_space<vmem>>, vector<1x16xf32>,
        %get3A_572 = arith.index_cast %add3A_526 : i32 to index
        %get3A_573 = arith.constant 80 : index
        %get3A_574 = tpu.vector_load %arg7[%get3A_572, %get3A_573] {strides = array<i32>} : memref<200x128xf32, #tpu.memory_space<vmem>>, vector<1x16xf32>,
        %get3A_575 = vector.shape_cast %get3A_574 : vector<1x16xf32> to vector<16xf32>
        %swap3A_576 = arith.index_cast %add3A_526 : i32 to index
        %swap3A_577 = arith.constant 80 : index
        %swap3A_578 = tpu.vector_load %arg8[%swap3A_576, %swap3A_577] {strides = array<i32>} : memref<200x128xf32, #tpu.memory_space<vmem>>, vector<1x16xf32>,
        %swap3A_579 = vector.shape_cast %swap3A_578 : vector<1x16xf32> to vector<16xf32>
        %swap3A_580 = vector.shape_cast %get3A_575 : vector<16xf32> to vector<1x16xf32>
        tpu.vector_store %arg8[%swap3A_576, %swap3A_577], %swap3A_580 {add = true, strides = array<i32>} : memref<200x128xf32, #tpu.memory_space<vmem>>, vector<1x16xf32>,
        %get3A_581 = arith.index_cast %add3A_526 : i32 to index
        %get3A_582 = arith.constant 96 : index
        %get3A_583 = tpu.vector_load %arg7[%get3A_581, %get3A_582] {strides = array<i32>} : memref<200x128xf32, #tpu.memory_space<vmem>>, vector<1x16xf32>,
        %get3A_584 = vector.shape_cast %get3A_583 : vector<1x16xf32> to vector<16xf32>
        %swap3A_585 = arith.index_cast %add3A_526 : i32 to index
        %swap3A_586 = arith.constant 96 : index
        %swap3A_587 = tpu.vector_load %arg8[%swap3A_585, %swap3A_586] {strides = array<i32>} : memref<200x128xf32, #tpu.memory_space<vmem>>, vector<1x16xf32>,
        %swap3A_588 = vector.shape_cast %swap3A_587 : vector<1x16xf32> to vector<16xf32>
        %swap3A_589 = vector.shape_cast %get3A_584 : vector<16xf32> to vector<1x16xf32>
        tpu.vector_store %arg8[%swap3A_585, %swap3A_586], %swap3A_589 {add = true, strides = array<i32>} : memref<200x128xf32, #tpu.memory_space<vmem>>, vector<1x16xf32>,
        %get3A_590 = arith.index_cast %add3A_526 : i32 to index
        %get3A_591 = arith.constant 112 : index
        %get3A_592 = tpu.vector_load %arg7[%get3A_590, %get3A_591] {strides = array<i32>} : memref<200x128xf32, #tpu.memory_space<vmem>>, vector<1x16xf32>,
        %get3A_593 = vector.shape_cast %get3A_592 : vector<1x16xf32> to vector<16xf32>
        %swap3A_594 = arith.index_cast %add3A_526 : i32 to index
        %swap3A_595 = arith.constant 112 : index
        %swap3A_596 = tpu.vector_load %arg8[%swap3A_594, %swap3A_595] {strides = array<i32>} : memref<200x128xf32, #tpu.memory_space<vmem>>, vector<1x16xf32>,
        %swap3A_597 = vector.shape_cast %swap3A_596 : vector<1x16xf32> to vector<16xf32>
        %swap3A_598 = vector.shape_cast %get3A_593 : vector<16xf32> to vector<1x16xf32>
        tpu.vector_store %arg8[%swap3A_594, %swap3A_595], %swap3A_598 {add = true, strides = array<i32>} : memref<200x128xf32, #tpu.memory_space<vmem>>, vector<1x16xf32>,
      }
      %scan3A_230 = arith.constant 50 : i32
      %mul3A_231 = arith.constant 128 : i32
      %mul3A_232 = arith.muli %add3A, %mul3A_231 : i32
      %add3A_233 = arith.addi %mul3A_232, %add3A_189 : i32
      %mul3A_234 = arith.constant 200 : i32
      %mul3A_235 = arith.muli %add3A_233, %mul3A_234 : i32
      %dma_start3A_236 = arith.constant 0 : i32
      %dma_start3A_237 = tpu.memref_slice %arg5[%mul3A_235, %dma_start3A_236] : memref<819200x128xf32, #tpu.memory_space<hbm>> -> memref<200x128xf32, #tpu.memory_space<hbm>>
      %dma_start3A_238 = arith.constant 0 : i32
      %dma_start3A_239 = tpu.memref_slice %arg5[%mul3A_235, %dma_start3A_238] : memref<819200x128xf32, #tpu.memory_space<hbm>> -> memref<200x128xf32, #tpu.memory_space<hbm>>
      tpu.enqueue_dma source(%arg8 : memref<200x128xf32, #tpu.memory_space<vmem>>) target(%dma_start3A_239 : memref<200x128xf32, #tpu.memory_space<hbm>>) target_semaphore(%arg14 : memref<!tpu.dma_semaphore, #tpu.memory_space<semaphore_mem>>)
      %mul3A_240 = arith.constant 3 : i32
      %mul3A_241 = arith.muli %mul3A_240, %scan3A_130 : i32
      %add3A_242 = arith.constant 2 : i32
      %add3A_243 = arith.addi %mul3A_241, %add3A_242 : i32
      %add3A_244 = arith.constant 2 : i32
      %add3A_245 = arith.addi %add3A_243, %add3A_244 : i32
      %dma_wait3A_246 = arith.constant 0 : i32
      %dma_wait3A_247 = arith.constant 0 : i32
      %dma_wait3A_248 = tpu.memref_slice %arg5[%dma_wait3A_246, %dma_wait3A_247] : memref<819200x128xf32, #tpu.memory_space<hbm>> -> memref<200x128xf32, #tpu.memory_space<hbm>>
      %dma_wait3A_249 = arith.constant 0 : i32
      %dma_wait3A_250 = arith.constant 0 : i32
      %dma_wait3A_251 = tpu.memref_slice %arg5[%dma_wait3A_249, %dma_wait3A_250] : memref<819200x128xf32, #tpu.memory_space<hbm>> -> memref<200x128xf32, #tpu.memory_space<hbm>>
      tpu.wait_dma2 semaphore(%arg16 : memref<!tpu.dma_semaphore, #tpu.memory_space<semaphore_mem>>) src(%arg10 : memref<200x128xf32, #tpu.memory_space<vmem>>) dst(%dma_wait3A_251 : memref<200x128xf32, #tpu.memory_space<hbm>>)
      %add3A_252 = arith.constant 1 : i32
      %add3A_253 = arith.addi %add3A_245, %add3A_252 : i32
      %lt3A_254 = arith.constant 128 : i32
      %lt3A_255 = arith.cmpi slt, %add3A_253, %lt3A_254 : i32
      %convert_element_type3A_256 = arith.extui %lt3A_255 : i1 to i32
      %cond3A_257 = arith.constant 0 : i32
      %cond3A_258 = arith.cmpi ne, %convert_element_type3A_256, %cond3A_257 : i32
      scf.if %cond3A_258 {
        %add3A_296 = arith.constant 1 : i32
        %add3A_297 = arith.addi %add3A_245, %add3A_296 : i32
        %mul3A_298 = arith.constant 200 : i32
        %mul3A_299 = arith.muli %add3A_297, %mul3A_298 : i32
        %add3A_300 = arith.constant 0 : i32
        %add3A_301 = arith.addi %mul3A_299, %add3A_300 : i32
        %mul3A_302 = arith.constant 200 : i32
        %mul3A_303 = arith.muli %add3A_297, %mul3A_302 : i32
        %add3A_304 = arith.constant 128 : i32
        %add3A_305 = arith.addi %mul3A_303, %add3A_304 : i32
        %dma_start3A_306 = arith.constant 0 : i32
        %dma_start3A_307 = arith.constant 0 : i32
        %dma_start3A_308 = tpu.memref_slice %arg10[%dma_start3A_306, %dma_start3A_307] : memref<200x128xf32, #tpu.memory_space<vmem>> -> memref<128x128xf32, #tpu.memory_space<vmem>>
        %dma_start3A_309 = tpu.memref_slice %arg6[%add3A_301] : memref<25600xi32, #tpu.memory_space<vmem>> -> memref<128xi32, #tpu.memory_space<vmem>>
        %dma_start3A_310 = arith.constant 0 : i32
        %dma_start3A_311 = arith.constant 0 : i32
        %dma_start3A_312 = tpu.memref_slice %arg2[%dma_start3A_310, %dma_start3A_311] : memref<100000x128xf32, #tpu.memory_space<hbm>> -> memref<100000x128xf32, #tpu.memory_space<hbm>>
        tpu.enqueue_indirect_dma source(%dma_start3A_312 : memref<100000x128xf32, #tpu.memory_space<hbm>>) target(%dma_start3A_308 : memref<128x128xf32, #tpu.memory_space<vmem>>) offsets(%dma_start3A_309 : memref<128xi32, #tpu.memory_space<vmem>>) semaphore(%arg13 : memref<!tpu.dma_semaphore, #tpu.memory_space<semaphore_mem>>)
        %dma_start3A_313 = arith.constant 128 : i32
        %dma_start3A_314 = arith.constant 0 : i32
        %dma_start3A_315 = tpu.memref_slice %arg10[%dma_start3A_313, %dma_start3A_314] : memref<200x128xf32, #tpu.memory_space<vmem>> -> memref<72x128xf32, #tpu.memory_space<vmem>>
        %dma_start3A_316 = tpu.memref_slice %arg6[%add3A_305] : memref<25600xi32, #tpu.memory_space<vmem>> -> memref<72xi32, #tpu.memory_space<vmem>>
        %dma_start3A_317 = arith.constant 0 : i32
        %dma_start3A_318 = arith.constant 0 : i32
        %dma_start3A_319 = tpu.memref_slice %arg2[%dma_start3A_317, %dma_start3A_318] : memref<100000x128xf32, #tpu.memory_space<hbm>> -> memref<100000x128xf32, #tpu.memory_space<hbm>>
        tpu.enqueue_indirect_dma source(%dma_start3A_319 : memref<100000x128xf32, #tpu.memory_space<hbm>>) target(%dma_start3A_315 : memref<72x128xf32, #tpu.memory_space<vmem>>) offsets(%dma_start3A_316 : memref<72xi32, #tpu.memory_space<vmem>>) semaphore(%arg13 : memref<!tpu.dma_semaphore, #tpu.memory_space<semaphore_mem>>)
      } else {
      }
      %mul3A_259 = arith.constant 200 : i32
      %mul3A_260 = arith.muli %add3A_245, %mul3A_259 : i32
      %add3A_261 = arith.constant 0 : i32
      %add3A_262 = arith.addi %mul3A_260, %add3A_261 : i32
      %mul3A_263 = arith.constant 200 : i32
      %mul3A_264 = arith.muli %add3A_245, %mul3A_263 : i32
      %add3A_265 = arith.constant 128 : i32
      %add3A_266 = arith.addi %mul3A_264, %add3A_265 : i32
      %dma_wait3A_267 = arith.constant 0 : i32
      %dma_wait3A_268 = arith.constant 0 : i32
      %dma_wait3A_269 = tpu.memref_slice %arg9[%dma_wait3A_267, %dma_wait3A_268] : memref<200x128xf32, #tpu.memory_space<vmem>> -> memref<128x128xf32, #tpu.memory_space<vmem>>
      %dma_wait3A_270 = tpu.memref_slice %arg6[%add3A_262] : memref<25600xi32, #tpu.memory_space<vmem>> -> memref<128xi32, #tpu.memory_space<vmem>>
      %dma_wait3A_271 = arith.constant 0 : i32
      %dma_wait3A_272 = arith.constant 0 : i32
      %dma_wait3A_273 = tpu.memref_slice %arg2[%dma_wait3A_271, %dma_wait3A_272] : memref<100000x128xf32, #tpu.memory_space<hbm>> -> memref<100000x128xf32, #tpu.memory_space<hbm>>
      tpu.wait_indirect_dma semaphore(%arg12 : memref<!tpu.dma_semaphore, #tpu.memory_space<semaphore_mem>>) src(%dma_wait3A_273 : memref<100000x128xf32, #tpu.memory_space<hbm>>) dst(%dma_wait3A_269 : memref<128x128xf32, #tpu.memory_space<vmem>>)
      %dma_wait3A_274 = arith.constant 128 : i32
      %dma_wait3A_275 = arith.constant 0 : i32
      %dma_wait3A_276 = tpu.memref_slice %arg9[%dma_wait3A_274, %dma_wait3A_275] : memref<200x128xf32, #tpu.memory_space<vmem>> -> memref<72x128xf32, #tpu.memory_space<vmem>>
      %dma_wait3A_277 = tpu.memref_slice %arg6[%add3A_266] : memref<25600xi32, #tpu.memory_space<vmem>> -> memref<72xi32, #tpu.memory_space<vmem>>
      %dma_wait3A_278 = arith.constant 0 : i32
      %dma_wait3A_279 = arith.constant 0 : i32
      %dma_wait3A_280 = tpu.memref_slice %arg2[%dma_wait3A_278, %dma_wait3A_279] : memref<100000x128xf32, #tpu.memory_space<hbm>> -> memref<100000x128xf32, #tpu.memory_space<hbm>>
      tpu.wait_indirect_dma semaphore(%arg12 : memref<!tpu.dma_semaphore, #tpu.memory_space<semaphore_mem>>) src(%dma_wait3A_280 : memref<100000x128xf32, #tpu.memory_space<hbm>>) dst(%dma_wait3A_276 : memref<72x128xf32, #tpu.memory_space<vmem>>)
      %scan3A_281 = arith.constant 0 : i32
      %scan3A_282 = arith.constant 0 : i32
      %scan3A_283 = arith.constant 50 : i32
      %scan3A_284 = arith.addi %scan3A_282, %scan3A_283 : i32
      %scan3A_285 = arith.constant 1 : i32
      scf.for %scan3A_296 = %scan3A_282 to %scan3A_284 step %scan3A_285  : i32 {
        %mul3A_297 = arith.constant 4 : i32
        %mul3A_298 = arith.muli %mul3A_297, %scan3A_296 : i32
        %add3A_299 = arith.constant 0 : i32
        %add3A_300 = arith.addi %mul3A_298, %add3A_299 : i32
        %get3A = arith.index_cast %add3A_300 : i32 to index
        %get3A_301 = arith.constant 0 : index
        %get3A_302 = tpu.vector_load %arg7[%get3A, %get3A_301] {strides = array<i32>} : memref<200x128xf32, #tpu.memory_space<vmem>>, vector<1x16xf32>,
        %get3A_303 = vector.shape_cast %get3A_302 : vector<1x16xf32> to vector<16xf32>
        %swap3A = arith.index_cast %add3A_300 : i32 to index
        %swap3A_304 = arith.constant 0 : index
        %swap3A_305 = tpu.vector_load %arg9[%swap3A, %swap3A_304] {strides = array<i32>} : memref<200x128xf32, #tpu.memory_space<vmem>>, vector<1x16xf32>,
        %swap3A_306 = vector.shape_cast %swap3A_305 : vector<1x16xf32> to vector<16xf32>
        %swap3A_307 = vector.shape_cast %get3A_303 : vector<16xf32> to vector<1x16xf32>
        tpu.vector_store %arg9[%swap3A, %swap3A_304], %swap3A_307 {add = true, strides = array<i32>} : memref<200x128xf32, #tpu.memory_space<vmem>>, vector<1x16xf32>,
        %get3A_308 = arith.index_cast %add3A_300 : i32 to index
        %get3A_309 = arith.constant 16 : index
        %get3A_310 = tpu.vector_load %arg7[%get3A_308, %get3A_309] {strides = array<i32>} : memref<200x128xf32, #tpu.memory_space<vmem>>, vector<1x16xf32>,
        %get3A_311 = vector.shape_cast %get3A_310 : vector<1x16xf32> to vector<16xf32>
        %swap3A_312 = arith.index_cast %add3A_300 : i32 to index
        %swap3A_313 = arith.constant 16 : index
        %swap3A_314 = tpu.vector_load %arg9[%swap3A_312, %swap3A_313] {strides = array<i32>} : memref<200x128xf32, #tpu.memory_space<vmem>>, vector<1x16xf32>,
        %swap3A_315 = vector.shape_cast %swap3A_314 : vector<1x16xf32> to vector<16xf32>
        %swap3A_316 = vector.shape_cast %get3A_311 : vector<16xf32> to vector<1x16xf32>
        tpu.vector_store %arg9[%swap3A_312, %swap3A_313], %swap3A_316 {add = true, strides = array<i32>} : memref<200x128xf32, #tpu.memory_space<vmem>>, vector<1x16xf32>,
        %get3A_317 = arith.index_cast %add3A_300 : i32 to index
        %get3A_318 = arith.constant 32 : index
        %get3A_319 = tpu.vector_load %arg7[%get3A_317, %get3A_318] {strides = array<i32>} : memref<200x128xf32, #tpu.memory_space<vmem>>, vector<1x16xf32>,
        %get3A_320 = vector.shape_cast %get3A_319 : vector<1x16xf32> to vector<16xf32>
        %swap3A_321 = arith.index_cast %add3A_300 : i32 to index
        %swap3A_322 = arith.constant 32 : index
        %swap3A_323 = tpu.vector_load %arg9[%swap3A_321, %swap3A_322] {strides = array<i32>} : memref<200x128xf32, #tpu.memory_space<vmem>>, vector<1x16xf32>,
        %swap3A_324 = vector.shape_cast %swap3A_323 : vector<1x16xf32> to vector<16xf32>
        %swap3A_325 = vector.shape_cast %get3A_320 : vector<16xf32> to vector<1x16xf32>
        tpu.vector_store %arg9[%swap3A_321, %swap3A_322], %swap3A_325 {add = true, strides = array<i32>} : memref<200x128xf32, #tpu.memory_space<vmem>>, vector<1x16xf32>,
        %get3A_326 = arith.index_cast %add3A_300 : i32 to index
        %get3A_327 = arith.constant 48 : index
        %get3A_328 = tpu.vector_load %arg7[%get3A_326, %get3A_327] {strides = array<i32>} : memref<200x128xf32, #tpu.memory_space<vmem>>, vector<1x16xf32>,
        %get3A_329 = vector.shape_cast %get3A_328 : vector<1x16xf32> to vector<16xf32>
        %swap3A_330 = arith.index_cast %add3A_300 : i32 to index
        %swap3A_331 = arith.constant 48 : index
        %swap3A_332 = tpu.vector_load %arg9[%swap3A_330, %swap3A_331] {strides = array<i32>} : memref<200x128xf32, #tpu.memory_space<vmem>>, vector<1x16xf32>,
        %swap3A_333 = vector.shape_cast %swap3A_332 : vector<1x16xf32> to vector<16xf32>
        %swap3A_334 = vector.shape_cast %get3A_329 : vector<16xf32> to vector<1x16xf32>
        tpu.vector_store %arg9[%swap3A_330, %swap3A_331], %swap3A_334 {add = true, strides = array<i32>} : memref<200x128xf32, #tpu.memory_space<vmem>>, vector<1x16xf32>,
        %get3A_335 = arith.index_cast %add3A_300 : i32 to index
        %get3A_336 = arith.constant 64 : index
        %get3A_337 = tpu.vector_load %arg7[%get3A_335, %get3A_336] {strides = array<i32>} : memref<200x128xf32, #tpu.memory_space<vmem>>, vector<1x16xf32>,
        %get3A_338 = vector.shape_cast %get3A_337 : vector<1x16xf32> to vector<16xf32>
        %swap3A_339 = arith.index_cast %add3A_300 : i32 to index
        %swap3A_340 = arith.constant 64 : index
        %swap3A_341 = tpu.vector_load %arg9[%swap3A_339, %swap3A_340] {strides = array<i32>} : memref<200x128xf32, #tpu.memory_space<vmem>>, vector<1x16xf32>,
        %swap3A_342 = vector.shape_cast %swap3A_341 : vector<1x16xf32> to vector<16xf32>
        %swap3A_343 = vector.shape_cast %get3A_338 : vector<16xf32> to vector<1x16xf32>
        tpu.vector_store %arg9[%swap3A_339, %swap3A_340], %swap3A_343 {add = true, strides = array<i32>} : memref<200x128xf32, #tpu.memory_space<vmem>>, vector<1x16xf32>,
        %get3A_344 = arith.index_cast %add3A_300 : i32 to index
        %get3A_345 = arith.constant 80 : index
        %get3A_346 = tpu.vector_load %arg7[%get3A_344, %get3A_345] {strides = array<i32>} : memref<200x128xf32, #tpu.memory_space<vmem>>, vector<1x16xf32>,
        %get3A_347 = vector.shape_cast %get3A_346 : vector<1x16xf32> to vector<16xf32>
        %swap3A_348 = arith.index_cast %add3A_300 : i32 to index
        %swap3A_349 = arith.constant 80 : index
        %swap3A_350 = tpu.vector_load %arg9[%swap3A_348, %swap3A_349] {strides = array<i32>} : memref<200x128xf32, #tpu.memory_space<vmem>>, vector<1x16xf32>,
        %swap3A_351 = vector.shape_cast %swap3A_350 : vector<1x16xf32> to vector<16xf32>
        %swap3A_352 = vector.shape_cast %get3A_347 : vector<16xf32> to vector<1x16xf32>
        tpu.vector_store %arg9[%swap3A_348, %swap3A_349], %swap3A_352 {add = true, strides = array<i32>} : memref<200x128xf32, #tpu.memory_space<vmem>>, vector<1x16xf32>,
        %get3A_353 = arith.index_cast %add3A_300 : i32 to index
        %get3A_354 = arith.constant 96 : index
        %get3A_355 = tpu.vector_load %arg7[%get3A_353, %get3A_354] {strides = array<i32>} : memref<200x128xf32, #tpu.memory_space<vmem>>, vector<1x16xf32>,
        %get3A_356 = vector.shape_cast %get3A_355 : vector<1x16xf32> to vector<16xf32>
        %swap3A_357 = arith.index_cast %add3A_300 : i32 to index
        %swap3A_358 = arith.constant 96 : index
        %swap3A_359 = tpu.vector_load %arg9[%swap3A_357, %swap3A_358] {strides = array<i32>} : memref<200x128xf32, #tpu.memory_space<vmem>>, vector<1x16xf32>,
        %swap3A_360 = vector.shape_cast %swap3A_359 : vector<1x16xf32> to vector<16xf32>
        %swap3A_361 = vector.shape_cast %get3A_356 : vector<16xf32> to vector<1x16xf32>
        tpu.vector_store %arg9[%swap3A_357, %swap3A_358], %swap3A_361 {add = true, strides = array<i32>} : memref<200x128xf32, #tpu.memory_space<vmem>>, vector<1x16xf32>,
        %get3A_362 = arith.index_cast %add3A_300 : i32 to index
        %get3A_363 = arith.constant 112 : index
        %get3A_364 = tpu.vector_load %arg7[%get3A_362, %get3A_363] {strides = array<i32>} : memref<200x128xf32, #tpu.memory_space<vmem>>, vector<1x16xf32>,
        %get3A_365 = vector.shape_cast %get3A_364 : vector<1x16xf32> to vector<16xf32>
        %swap3A_366 = arith.index_cast %add3A_300 : i32 to index
        %swap3A_367 = arith.constant 112 : index
        %swap3A_368 = tpu.vector_load %arg9[%swap3A_366, %swap3A_367] {strides = array<i32>} : memref<200x128xf32, #tpu.memory_space<vmem>>, vector<1x16xf32>,
        %swap3A_369 = vector.shape_cast %swap3A_368 : vector<1x16xf32> to vector<16xf32>
        %swap3A_370 = vector.shape_cast %get3A_365 : vector<16xf32> to vector<1x16xf32>
        tpu.vector_store %arg9[%swap3A_366, %swap3A_367], %swap3A_370 {add = true, strides = array<i32>} : memref<200x128xf32, #tpu.memory_space<vmem>>, vector<1x16xf32>,
        %mul3A_371 = arith.constant 4 : i32
        %mul3A_372 = arith.muli %mul3A_371, %scan3A_296 : i32
        %add3A_373 = arith.constant 1 : i32
        %add3A_374 = arith.addi %mul3A_372, %add3A_373 : i32
        %get3A_375 = arith.index_cast %add3A_374 : i32 to index
        %get3A_376 = arith.constant 0 : index
        %get3A_377 = tpu.vector_load %arg7[%get3A_375, %get3A_376] {strides = array<i32>} : memref<200x128xf32, #tpu.memory_space<vmem>>, vector<1x16xf32>,
        %get3A_378 = vector.shape_cast %get3A_377 : vector<1x16xf32> to vector<16xf32>
        %swap3A_379 = arith.index_cast %add3A_374 : i32 to index
        %swap3A_380 = arith.constant 0 : index
        %swap3A_381 = tpu.vector_load %arg9[%swap3A_379, %swap3A_380] {strides = array<i32>} : memref<200x128xf32, #tpu.memory_space<vmem>>, vector<1x16xf32>,
        %swap3A_382 = vector.shape_cast %swap3A_381 : vector<1x16xf32> to vector<16xf32>
        %swap3A_383 = vector.shape_cast %get3A_378 : vector<16xf32> to vector<1x16xf32>
        tpu.vector_store %arg9[%swap3A_379, %swap3A_380], %swap3A_383 {add = true, strides = array<i32>} : memref<200x128xf32, #tpu.memory_space<vmem>>, vector<1x16xf32>,
        %get3A_384 = arith.index_cast %add3A_374 : i32 to index
        %get3A_385 = arith.constant 16 : index
        %get3A_386 = tpu.vector_load %arg7[%get3A_384, %get3A_385] {strides = array<i32>} : memref<200x128xf32, #tpu.memory_space<vmem>>, vector<1x16xf32>,
        %get3A_387 = vector.shape_cast %get3A_386 : vector<1x16xf32> to vector<16xf32>
        %swap3A_388 = arith.index_cast %add3A_374 : i32 to index
        %swap3A_389 = arith.constant 16 : index
        %swap3A_390 = tpu.vector_load %arg9[%swap3A_388, %swap3A_389] {strides = array<i32>} : memref<200x128xf32, #tpu.memory_space<vmem>>, vector<1x16xf32>,
        %swap3A_391 = vector.shape_cast %swap3A_390 : vector<1x16xf32> to vector<16xf32>
        %swap3A_392 = vector.shape_cast %get3A_387 : vector<16xf32> to vector<1x16xf32>
        tpu.vector_store %arg9[%swap3A_388, %swap3A_389], %swap3A_392 {add = true, strides = array<i32>} : memref<200x128xf32, #tpu.memory_space<vmem>>, vector<1x16xf32>,
        %get3A_393 = arith.index_cast %add3A_374 : i32 to index
        %get3A_394 = arith.constant 32 : index
        %get3A_395 = tpu.vector_load %arg7[%get3A_393, %get3A_394] {strides = array<i32>} : memref<200x128xf32, #tpu.memory_space<vmem>>, vector<1x16xf32>,
        %get3A_396 = vector.shape_cast %get3A_395 : vector<1x16xf32> to vector<16xf32>
        %swap3A_397 = arith.index_cast %add3A_374 : i32 to index
        %swap3A_398 = arith.constant 32 : index
        %swap3A_399 = tpu.vector_load %arg9[%swap3A_397, %swap3A_398] {strides = array<i32>} : memref<200x128xf32, #tpu.memory_space<vmem>>, vector<1x16xf32>,
        %swap3A_400 = vector.shape_cast %swap3A_399 : vector<1x16xf32> to vector<16xf32>
        %swap3A_401 = vector.shape_cast %get3A_396 : vector<16xf32> to vector<1x16xf32>
        tpu.vector_store %arg9[%swap3A_397, %swap3A_398], %swap3A_401 {add = true, strides = array<i32>} : memref<200x128xf32, #tpu.memory_space<vmem>>, vector<1x16xf32>,
        %get3A_402 = arith.index_cast %add3A_374 : i32 to index
        %get3A_403 = arith.constant 48 : index
        %get3A_404 = tpu.vector_load %arg7[%get3A_402, %get3A_403] {strides = array<i32>} : memref<200x128xf32, #tpu.memory_space<vmem>>, vector<1x16xf32>,
        %get3A_405 = vector.shape_cast %get3A_404 : vector<1x16xf32> to vector<16xf32>
        %swap3A_406 = arith.index_cast %add3A_374 : i32 to index
        %swap3A_407 = arith.constant 48 : index
        %swap3A_408 = tpu.vector_load %arg9[%swap3A_406, %swap3A_407] {strides = array<i32>} : memref<200x128xf32, #tpu.memory_space<vmem>>, vector<1x16xf32>,
        %swap3A_409 = vector.shape_cast %swap3A_408 : vector<1x16xf32> to vector<16xf32>
        %swap3A_410 = vector.shape_cast %get3A_405 : vector<16xf32> to vector<1x16xf32>
        tpu.vector_store %arg9[%swap3A_406, %swap3A_407], %swap3A_410 {add = true, strides = array<i32>} : memref<200x128xf32, #tpu.memory_space<vmem>>, vector<1x16xf32>,
        %get3A_411 = arith.index_cast %add3A_374 : i32 to index
        %get3A_412 = arith.constant 64 : index
        %get3A_413 = tpu.vector_load %arg7[%get3A_411, %get3A_412] {strides = array<i32>} : memref<200x128xf32, #tpu.memory_space<vmem>>, vector<1x16xf32>,
        %get3A_414 = vector.shape_cast %get3A_413 : vector<1x16xf32> to vector<16xf32>
        %swap3A_415 = arith.index_cast %add3A_374 : i32 to index
        %swap3A_416 = arith.constant 64 : index
        %swap3A_417 = tpu.vector_load %arg9[%swap3A_415, %swap3A_416] {strides = array<i32>} : memref<200x128xf32, #tpu.memory_space<vmem>>, vector<1x16xf32>,
        %swap3A_418 = vector.shape_cast %swap3A_417 : vector<1x16xf32> to vector<16xf32>
        %swap3A_419 = vector.shape_cast %get3A_414 : vector<16xf32> to vector<1x16xf32>
        tpu.vector_store %arg9[%swap3A_415, %swap3A_416], %swap3A_419 {add = true, strides = array<i32>} : memref<200x128xf32, #tpu.memory_space<vmem>>, vector<1x16xf32>,
        %get3A_420 = arith.index_cast %add3A_374 : i32 to index
        %get3A_421 = arith.constant 80 : index
        %get3A_422 = tpu.vector_load %arg7[%get3A_420, %get3A_421] {strides = array<i32>} : memref<200x128xf32, #tpu.memory_space<vmem>>, vector<1x16xf32>,
        %get3A_423 = vector.shape_cast %get3A_422 : vector<1x16xf32> to vector<16xf32>
        %swap3A_424 = arith.index_cast %add3A_374 : i32 to index
        %swap3A_425 = arith.constant 80 : index
        %swap3A_426 = tpu.vector_load %arg9[%swap3A_424, %swap3A_425] {strides = array<i32>} : memref<200x128xf32, #tpu.memory_space<vmem>>, vector<1x16xf32>,
        %swap3A_427 = vector.shape_cast %swap3A_426 : vector<1x16xf32> to vector<16xf32>
        %swap3A_428 = vector.shape_cast %get3A_423 : vector<16xf32> to vector<1x16xf32>
        tpu.vector_store %arg9[%swap3A_424, %swap3A_425], %swap3A_428 {add = true, strides = array<i32>} : memref<200x128xf32, #tpu.memory_space<vmem>>, vector<1x16xf32>,
        %get3A_429 = arith.index_cast %add3A_374 : i32 to index
        %get3A_430 = arith.constant 96 : index
        %get3A_431 = tpu.vector_load %arg7[%get3A_429, %get3A_430] {strides = array<i32>} : memref<200x128xf32, #tpu.memory_space<vmem>>, vector<1x16xf32>,
        %get3A_432 = vector.shape_cast %get3A_431 : vector<1x16xf32> to vector<16xf32>
        %swap3A_433 = arith.index_cast %add3A_374 : i32 to index
        %swap3A_434 = arith.constant 96 : index
        %swap3A_435 = tpu.vector_load %arg9[%swap3A_433, %swap3A_434] {strides = array<i32>} : memref<200x128xf32, #tpu.memory_space<vmem>>, vector<1x16xf32>,
        %swap3A_436 = vector.shape_cast %swap3A_435 : vector<1x16xf32> to vector<16xf32>
        %swap3A_437 = vector.shape_cast %get3A_432 : vector<16xf32> to vector<1x16xf32>
        tpu.vector_store %arg9[%swap3A_433, %swap3A_434], %swap3A_437 {add = true, strides = array<i32>} : memref<200x128xf32, #tpu.memory_space<vmem>>, vector<1x16xf32>,
        %get3A_438 = arith.index_cast %add3A_374 : i32 to index
        %get3A_439 = arith.constant 112 : index
        %get3A_440 = tpu.vector_load %arg7[%get3A_438, %get3A_439] {strides = array<i32>} : memref<200x128xf32, #tpu.memory_space<vmem>>, vector<1x16xf32>,
        %get3A_441 = vector.shape_cast %get3A_440 : vector<1x16xf32> to vector<16xf32>
        %swap3A_442 = arith.index_cast %add3A_374 : i32 to index
        %swap3A_443 = arith.constant 112 : index
        %swap3A_444 = tpu.vector_load %arg9[%swap3A_442, %swap3A_443] {strides = array<i32>} : memref<200x128xf32, #tpu.memory_space<vmem>>, vector<1x16xf32>,
        %swap3A_445 = vector.shape_cast %swap3A_444 : vector<1x16xf32> to vector<16xf32>
        %swap3A_446 = vector.shape_cast %get3A_441 : vector<16xf32> to vector<1x16xf32>
        tpu.vector_store %arg9[%swap3A_442, %swap3A_443], %swap3A_446 {add = true, strides = array<i32>} : memref<200x128xf32, #tpu.memory_space<vmem>>, vector<1x16xf32>,
        %mul3A_447 = arith.constant 4 : i32
        %mul3A_448 = arith.muli %mul3A_447, %scan3A_296 : i32
        %add3A_449 = arith.constant 2 : i32
        %add3A_450 = arith.addi %mul3A_448, %add3A_449 : i32
        %get3A_451 = arith.index_cast %add3A_450 : i32 to index
        %get3A_452 = arith.constant 0 : index
        %get3A_453 = tpu.vector_load %arg7[%get3A_451, %get3A_452] {strides = array<i32>} : memref<200x128xf32, #tpu.memory_space<vmem>>, vector<1x16xf32>,
        %get3A_454 = vector.shape_cast %get3A_453 : vector<1x16xf32> to vector<16xf32>
        %swap3A_455 = arith.index_cast %add3A_450 : i32 to index
        %swap3A_456 = arith.constant 0 : index
        %swap3A_457 = tpu.vector_load %arg9[%swap3A_455, %swap3A_456] {strides = array<i32>} : memref<200x128xf32, #tpu.memory_space<vmem>>, vector<1x16xf32>,
        %swap3A_458 = vector.shape_cast %swap3A_457 : vector<1x16xf32> to vector<16xf32>
        %swap3A_459 = vector.shape_cast %get3A_454 : vector<16xf32> to vector<1x16xf32>
        tpu.vector_store %arg9[%swap3A_455, %swap3A_456], %swap3A_459 {add = true, strides = array<i32>} : memref<200x128xf32, #tpu.memory_space<vmem>>, vector<1x16xf32>,
        %get3A_460 = arith.index_cast %add3A_450 : i32 to index
        %get3A_461 = arith.constant 16 : index
        %get3A_462 = tpu.vector_load %arg7[%get3A_460, %get3A_461] {strides = array<i32>} : memref<200x128xf32, #tpu.memory_space<vmem>>, vector<1x16xf32>,
        %get3A_463 = vector.shape_cast %get3A_462 : vector<1x16xf32> to vector<16xf32>
        %swap3A_464 = arith.index_cast %add3A_450 : i32 to index
        %swap3A_465 = arith.constant 16 : index
        %swap3A_466 = tpu.vector_load %arg9[%swap3A_464, %swap3A_465] {strides = array<i32>} : memref<200x128xf32, #tpu.memory_space<vmem>>, vector<1x16xf32>,
        %swap3A_467 = vector.shape_cast %swap3A_466 : vector<1x16xf32> to vector<16xf32>
        %swap3A_468 = vector.shape_cast %get3A_463 : vector<16xf32> to vector<1x16xf32>
        tpu.vector_store %arg9[%swap3A_464, %swap3A_465], %swap3A_468 {add = true, strides = array<i32>} : memref<200x128xf32, #tpu.memory_space<vmem>>, vector<1x16xf32>,
        %get3A_469 = arith.index_cast %add3A_450 : i32 to index
        %get3A_470 = arith.constant 32 : index
        %get3A_471 = tpu.vector_load %arg7[%get3A_469, %get3A_470] {strides = array<i32>} : memref<200x128xf32, #tpu.memory_space<vmem>>, vector<1x16xf32>,
        %get3A_472 = vector.shape_cast %get3A_471 : vector<1x16xf32> to vector<16xf32>
        %swap3A_473 = arith.index_cast %add3A_450 : i32 to index
        %swap3A_474 = arith.constant 32 : index
        %swap3A_475 = tpu.vector_load %arg9[%swap3A_473, %swap3A_474] {strides = array<i32>} : memref<200x128xf32, #tpu.memory_space<vmem>>, vector<1x16xf32>,
        %swap3A_476 = vector.shape_cast %swap3A_475 : vector<1x16xf32> to vector<16xf32>
        %swap3A_477 = vector.shape_cast %get3A_472 : vector<16xf32> to vector<1x16xf32>
        tpu.vector_store %arg9[%swap3A_473, %swap3A_474], %swap3A_477 {add = true, strides = array<i32>} : memref<200x128xf32, #tpu.memory_space<vmem>>, vector<1x16xf32>,
        %get3A_478 = arith.index_cast %add3A_450 : i32 to index
        %get3A_479 = arith.constant 48 : index
        %get3A_480 = tpu.vector_load %arg7[%get3A_478, %get3A_479] {strides = array<i32>} : memref<200x128xf32, #tpu.memory_space<vmem>>, vector<1x16xf32>,
        %get3A_481 = vector.shape_cast %get3A_480 : vector<1x16xf32> to vector<16xf32>
        %swap3A_482 = arith.index_cast %add3A_450 : i32 to index
        %swap3A_483 = arith.constant 48 : index
        %swap3A_484 = tpu.vector_load %arg9[%swap3A_482, %swap3A_483] {strides = array<i32>} : memref<200x128xf32, #tpu.memory_space<vmem>>, vector<1x16xf32>,
        %swap3A_485 = vector.shape_cast %swap3A_484 : vector<1x16xf32> to vector<16xf32>
        %swap3A_486 = vector.shape_cast %get3A_481 : vector<16xf32> to vector<1x16xf32>
        tpu.vector_store %arg9[%swap3A_482, %swap3A_483], %swap3A_486 {add = true, strides = array<i32>} : memref<200x128xf32, #tpu.memory_space<vmem>>, vector<1x16xf32>,
        %get3A_487 = arith.index_cast %add3A_450 : i32 to index
        %get3A_488 = arith.constant 64 : index
        %get3A_489 = tpu.vector_load %arg7[%get3A_487, %get3A_488] {strides = array<i32>} : memref<200x128xf32, #tpu.memory_space<vmem>>, vector<1x16xf32>,
        %get3A_490 = vector.shape_cast %get3A_489 : vector<1x16xf32> to vector<16xf32>
        %swap3A_491 = arith.index_cast %add3A_450 : i32 to index
        %swap3A_492 = arith.constant 64 : index
        %swap3A_493 = tpu.vector_load %arg9[%swap3A_491, %swap3A_492] {strides = array<i32>} : memref<200x128xf32, #tpu.memory_space<vmem>>, vector<1x16xf32>,
        %swap3A_494 = vector.shape_cast %swap3A_493 : vector<1x16xf32> to vector<16xf32>
        %swap3A_495 = vector.shape_cast %get3A_490 : vector<16xf32> to vector<1x16xf32>
        tpu.vector_store %arg9[%swap3A_491, %swap3A_492], %swap3A_495 {add = true, strides = array<i32>} : memref<200x128xf32, #tpu.memory_space<vmem>>, vector<1x16xf32>,
        %get3A_496 = arith.index_cast %add3A_450 : i32 to index
        %get3A_497 = arith.constant 80 : index
        %get3A_498 = tpu.vector_load %arg7[%get3A_496, %get3A_497] {strides = array<i32>} : memref<200x128xf32, #tpu.memory_space<vmem>>, vector<1x16xf32>,
        %get3A_499 = vector.shape_cast %get3A_498 : vector<1x16xf32> to vector<16xf32>
        %swap3A_500 = arith.index_cast %add3A_450 : i32 to index
        %swap3A_501 = arith.constant 80 : index
        %swap3A_502 = tpu.vector_load %arg9[%swap3A_500, %swap3A_501] {strides = array<i32>} : memref<200x128xf32, #tpu.memory_space<vmem>>, vector<1x16xf32>,
        %swap3A_503 = vector.shape_cast %swap3A_502 : vector<1x16xf32> to vector<16xf32>
        %swap3A_504 = vector.shape_cast %get3A_499 : vector<16xf32> to vector<1x16xf32>
        tpu.vector_store %arg9[%swap3A_500, %swap3A_501], %swap3A_504 {add = true, strides = array<i32>} : memref<200x128xf32, #tpu.memory_space<vmem>>, vector<1x16xf32>,
        %get3A_505 = arith.index_cast %add3A_450 : i32 to index
        %get3A_506 = arith.constant 96 : index
        %get3A_507 = tpu.vector_load %arg7[%get3A_505, %get3A_506] {strides = array<i32>} : memref<200x128xf32, #tpu.memory_space<vmem>>, vector<1x16xf32>,
        %get3A_508 = vector.shape_cast %get3A_507 : vector<1x16xf32> to vector<16xf32>
        %swap3A_509 = arith.index_cast %add3A_450 : i32 to index
        %swap3A_510 = arith.constant 96 : index
        %swap3A_511 = tpu.vector_load %arg9[%swap3A_509, %swap3A_510] {strides = array<i32>} : memref<200x128xf32, #tpu.memory_space<vmem>>, vector<1x16xf32>,
        %swap3A_512 = vector.shape_cast %swap3A_511 : vector<1x16xf32> to vector<16xf32>
        %swap3A_513 = vector.shape_cast %get3A_508 : vector<16xf32> to vector<1x16xf32>
        tpu.vector_store %arg9[%swap3A_509, %swap3A_510], %swap3A_513 {add = true, strides = array<i32>} : memref<200x128xf32, #tpu.memory_space<vmem>>, vector<1x16xf32>,
        %get3A_514 = arith.index_cast %add3A_450 : i32 to index
        %get3A_515 = arith.constant 112 : index
        %get3A_516 = tpu.vector_load %arg7[%get3A_514, %get3A_515] {strides = array<i32>} : memref<200x128xf32, #tpu.memory_space<vmem>>, vector<1x16xf32>,
        %get3A_517 = vector.shape_cast %get3A_516 : vector<1x16xf32> to vector<16xf32>
        %swap3A_518 = arith.index_cast %add3A_450 : i32 to index
        %swap3A_519 = arith.constant 112 : index
        %swap3A_520 = tpu.vector_load %arg9[%swap3A_518, %swap3A_519] {strides = array<i32>} : memref<200x128xf32, #tpu.memory_space<vmem>>, vector<1x16xf32>,
        %swap3A_521 = vector.shape_cast %swap3A_520 : vector<1x16xf32> to vector<16xf32>
        %swap3A_522 = vector.shape_cast %get3A_517 : vector<16xf32> to vector<1x16xf32>
        tpu.vector_store %arg9[%swap3A_518, %swap3A_519], %swap3A_522 {add = true, strides = array<i32>} : memref<200x128xf32, #tpu.memory_space<vmem>>, vector<1x16xf32>,
        %mul3A_523 = arith.constant 4 : i32
        %mul3A_524 = arith.muli %mul3A_523, %scan3A_296 : i32
        %add3A_525 = arith.constant 3 : i32
        %add3A_526 = arith.addi %mul3A_524, %add3A_525 : i32
        %get3A_527 = arith.index_cast %add3A_526 : i32 to index
        %get3A_528 = arith.constant 0 : index
        %get3A_529 = tpu.vector_load %arg7[%get3A_527, %get3A_528] {strides = array<i32>} : memref<200x128xf32, #tpu.memory_space<vmem>>, vector<1x16xf32>,
        %get3A_530 = vector.shape_cast %get3A_529 : vector<1x16xf32> to vector<16xf32>
        %swap3A_531 = arith.index_cast %add3A_526 : i32 to index
        %swap3A_532 = arith.constant 0 : index
        %swap3A_533 = tpu.vector_load %arg9[%swap3A_531, %swap3A_532] {strides = array<i32>} : memref<200x128xf32, #tpu.memory_space<vmem>>, vector<1x16xf32>,
        %swap3A_534 = vector.shape_cast %swap3A_533 : vector<1x16xf32> to vector<16xf32>
        %swap3A_535 = vector.shape_cast %get3A_530 : vector<16xf32> to vector<1x16xf32>
        tpu.vector_store %arg9[%swap3A_531, %swap3A_532], %swap3A_535 {add = true, strides = array<i32>} : memref<200x128xf32, #tpu.memory_space<vmem>>, vector<1x16xf32>,
        %get3A_536 = arith.index_cast %add3A_526 : i32 to index
        %get3A_537 = arith.constant 16 : index
        %get3A_538 = tpu.vector_load %arg7[%get3A_536, %get3A_537] {strides = array<i32>} : memref<200x128xf32, #tpu.memory_space<vmem>>, vector<1x16xf32>,
        %get3A_539 = vector.shape_cast %get3A_538 : vector<1x16xf32> to vector<16xf32>
        %swap3A_540 = arith.index_cast %add3A_526 : i32 to index
        %swap3A_541 = arith.constant 16 : index
        %swap3A_542 = tpu.vector_load %arg9[%swap3A_540, %swap3A_541] {strides = array<i32>} : memref<200x128xf32, #tpu.memory_space<vmem>>, vector<1x16xf32>,
        %swap3A_543 = vector.shape_cast %swap3A_542 : vector<1x16xf32> to vector<16xf32>
        %swap3A_544 = vector.shape_cast %get3A_539 : vector<16xf32> to vector<1x16xf32>
        tpu.vector_store %arg9[%swap3A_540, %swap3A_541], %swap3A_544 {add = true, strides = array<i32>} : memref<200x128xf32, #tpu.memory_space<vmem>>, vector<1x16xf32>,
        %get3A_545 = arith.index_cast %add3A_526 : i32 to index
        %get3A_546 = arith.constant 32 : index
        %get3A_547 = tpu.vector_load %arg7[%get3A_545, %get3A_546] {strides = array<i32>} : memref<200x128xf32, #tpu.memory_space<vmem>>, vector<1x16xf32>,
        %get3A_548 = vector.shape_cast %get3A_547 : vector<1x16xf32> to vector<16xf32>
        %swap3A_549 = arith.index_cast %add3A_526 : i32 to index
        %swap3A_550 = arith.constant 32 : index
        %swap3A_551 = tpu.vector_load %arg9[%swap3A_549, %swap3A_550] {strides = array<i32>} : memref<200x128xf32, #tpu.memory_space<vmem>>, vector<1x16xf32>,
        %swap3A_552 = vector.shape_cast %swap3A_551 : vector<1x16xf32> to vector<16xf32>
        %swap3A_553 = vector.shape_cast %get3A_548 : vector<16xf32> to vector<1x16xf32>
        tpu.vector_store %arg9[%swap3A_549, %swap3A_550], %swap3A_553 {add = true, strides = array<i32>} : memref<200x128xf32, #tpu.memory_space<vmem>>, vector<1x16xf32>,
        %get3A_554 = arith.index_cast %add3A_526 : i32 to index
        %get3A_555 = arith.constant 48 : index
        %get3A_556 = tpu.vector_load %arg7[%get3A_554, %get3A_555] {strides = array<i32>} : memref<200x128xf32, #tpu.memory_space<vmem>>, vector<1x16xf32>,
        %get3A_557 = vector.shape_cast %get3A_556 : vector<1x16xf32> to vector<16xf32>
        %swap3A_558 = arith.index_cast %add3A_526 : i32 to index
        %swap3A_559 = arith.constant 48 : index
        %swap3A_560 = tpu.vector_load %arg9[%swap3A_558, %swap3A_559] {strides = array<i32>} : memref<200x128xf32, #tpu.memory_space<vmem>>, vector<1x16xf32>,
        %swap3A_561 = vector.shape_cast %swap3A_560 : vector<1x16xf32> to vector<16xf32>
        %swap3A_562 = vector.shape_cast %get3A_557 : vector<16xf32> to vector<1x16xf32>
        tpu.vector_store %arg9[%swap3A_558, %swap3A_559], %swap3A_562 {add = true, strides = array<i32>} : memref<200x128xf32, #tpu.memory_space<vmem>>, vector<1x16xf32>,
        %get3A_563 = arith.index_cast %add3A_526 : i32 to index
        %get3A_564 = arith.constant 64 : index
        %get3A_565 = tpu.vector_load %arg7[%get3A_563, %get3A_564] {strides = array<i32>} : memref<200x128xf32, #tpu.memory_space<vmem>>, vector<1x16xf32>,
        %get3A_566 = vector.shape_cast %get3A_565 : vector<1x16xf32> to vector<16xf32>
        %swap3A_567 = arith.index_cast %add3A_526 : i32 to index
        %swap3A_568 = arith.constant 64 : index
        %swap3A_569 = tpu.vector_load %arg9[%swap3A_567, %swap3A_568] {strides = array<i32>} : memref<200x128xf32, #tpu.memory_space<vmem>>, vector<1x16xf32>,
        %swap3A_570 = vector.shape_cast %swap3A_569 : vector<1x16xf32> to vector<16xf32>
        %swap3A_571 = vector.shape_cast %get3A_566 : vector<16xf32> to vector<1x16xf32>
        tpu.vector_store %arg9[%swap3A_567, %swap3A_568], %swap3A_571 {add = true, strides = array<i32>} : memref<200x128xf32, #tpu.memory_space<vmem>>, vector<1x16xf32>,
        %get3A_572 = arith.index_cast %add3A_526 : i32 to index
        %get3A_573 = arith.constant 80 : index
        %get3A_574 = tpu.vector_load %arg7[%get3A_572, %get3A_573] {strides = array<i32>} : memref<200x128xf32, #tpu.memory_space<vmem>>, vector<1x16xf32>,
        %get3A_575 = vector.shape_cast %get3A_574 : vector<1x16xf32> to vector<16xf32>
        %swap3A_576 = arith.index_cast %add3A_526 : i32 to index
        %swap3A_577 = arith.constant 80 : index
        %swap3A_578 = tpu.vector_load %arg9[%swap3A_576, %swap3A_577] {strides = array<i32>} : memref<200x128xf32, #tpu.memory_space<vmem>>, vector<1x16xf32>,
        %swap3A_579 = vector.shape_cast %swap3A_578 : vector<1x16xf32> to vector<16xf32>
        %swap3A_580 = vector.shape_cast %get3A_575 : vector<16xf32> to vector<1x16xf32>
        tpu.vector_store %arg9[%swap3A_576, %swap3A_577], %swap3A_580 {add = true, strides = array<i32>} : memref<200x128xf32, #tpu.memory_space<vmem>>, vector<1x16xf32>,
        %get3A_581 = arith.index_cast %add3A_526 : i32 to index
        %get3A_582 = arith.constant 96 : index
        %get3A_583 = tpu.vector_load %arg7[%get3A_581, %get3A_582] {strides = array<i32>} : memref<200x128xf32, #tpu.memory_space<vmem>>, vector<1x16xf32>,
        %get3A_584 = vector.shape_cast %get3A_583 : vector<1x16xf32> to vector<16xf32>
        %swap3A_585 = arith.index_cast %add3A_526 : i32 to index
        %swap3A_586 = arith.constant 96 : index
        %swap3A_587 = tpu.vector_load %arg9[%swap3A_585, %swap3A_586] {strides = array<i32>} : memref<200x128xf32, #tpu.memory_space<vmem>>, vector<1x16xf32>,
        %swap3A_588 = vector.shape_cast %swap3A_587 : vector<1x16xf32> to vector<16xf32>
        %swap3A_589 = vector.shape_cast %get3A_584 : vector<16xf32> to vector<1x16xf32>
        tpu.vector_store %arg9[%swap3A_585, %swap3A_586], %swap3A_589 {add = true, strides = array<i32>} : memref<200x128xf32, #tpu.memory_space<vmem>>, vector<1x16xf32>,
        %get3A_590 = arith.index_cast %add3A_526 : i32 to index
        %get3A_591 = arith.constant 112 : index
        %get3A_592 = tpu.vector_load %arg7[%get3A_590, %get3A_591] {strides = array<i32>} : memref<200x128xf32, #tpu.memory_space<vmem>>, vector<1x16xf32>,
        %get3A_593 = vector.shape_cast %get3A_592 : vector<1x16xf32> to vector<16xf32>
        %swap3A_594 = arith.index_cast %add3A_526 : i32 to index
        %swap3A_595 = arith.constant 112 : index
        %swap3A_596 = tpu.vector_load %arg9[%swap3A_594, %swap3A_595] {strides = array<i32>} : memref<200x128xf32, #tpu.memory_space<vmem>>, vector<1x16xf32>,
        %swap3A_597 = vector.shape_cast %swap3A_596 : vector<1x16xf32> to vector<16xf32>
        %swap3A_598 = vector.shape_cast %get3A_593 : vector<16xf32> to vector<1x16xf32>
        tpu.vector_store %arg9[%swap3A_594, %swap3A_595], %swap3A_598 {add = true, strides = array<i32>} : memref<200x128xf32, #tpu.memory_space<vmem>>, vector<1x16xf32>,
      }
      %scan3A_286 = arith.constant 50 : i32
      %mul3A_287 = arith.constant 128 : i32
      %mul3A_288 = arith.muli %add3A, %mul3A_287 : i32
      %add3A_289 = arith.addi %mul3A_288, %add3A_245 : i32
      %mul3A_290 = arith.constant 200 : i32
      %mul3A_291 = arith.muli %add3A_289, %mul3A_290 : i32
      %dma_start3A_292 = arith.constant 0 : i32
      %dma_start3A_293 = tpu.memref_slice %arg5[%mul3A_291, %dma_start3A_292] : memref<819200x128xf32, #tpu.memory_space<hbm>> -> memref<200x128xf32, #tpu.memory_space<hbm>>
      %dma_start3A_294 = arith.constant 0 : i32
      %dma_start3A_295 = tpu.memref_slice %arg5[%mul3A_291, %dma_start3A_294] : memref<819200x128xf32, #tpu.memory_space<hbm>> -> memref<200x128xf32, #tpu.memory_space<hbm>>
      tpu.enqueue_dma source(%arg9 : memref<200x128xf32, #tpu.memory_space<vmem>>) target(%dma_start3A_295 : memref<200x128xf32, #tpu.memory_space<hbm>>) target_semaphore(%arg15 : memref<!tpu.dma_semaphore, #tpu.memory_space<semaphore_mem>>)
    }
    %scan3A_117 = arith.constant 42 : i32
    %dma_wait3A_118 = arith.constant 0 : i32
    %dma_wait3A_119 = arith.constant 0 : i32
    %dma_wait3A_120 = tpu.memref_slice %arg5[%dma_wait3A_118, %dma_wait3A_119] : memref<819200x128xf32, #tpu.memory_space<hbm>> -> memref<200x128xf32, #tpu.memory_space<hbm>>
    %dma_wait3A_121 = arith.constant 0 : i32
    %dma_wait3A_122 = arith.constant 0 : i32
    %dma_wait3A_123 = tpu.memref_slice %arg5[%dma_wait3A_121, %dma_wait3A_122] : memref<819200x128xf32, #tpu.memory_space<hbm>> -> memref<200x128xf32, #tpu.memory_space<hbm>>
    tpu.wait_dma2 semaphore(%arg14 : memref<!tpu.dma_semaphore, #tpu.memory_space<semaphore_mem>>) src(%arg8 : memref<200x128xf32, #tpu.memory_space<vmem>>) dst(%dma_wait3A_123 : memref<200x128xf32, #tpu.memory_space<hbm>>)
    %dma_wait3A_124 = arith.constant 0 : i32
    %dma_wait3A_125 = arith.constant 0 : i32
    %dma_wait3A_126 = tpu.memref_slice %arg5[%dma_wait3A_124, %dma_wait3A_125] : memref<819200x128xf32, #tpu.memory_space<hbm>> -> memref<200x128xf32, #tpu.memory_space<hbm>>
    %dma_wait3A_127 = arith.constant 0 : i32
    %dma_wait3A_128 = arith.constant 0 : i32
    %dma_wait3A_129 = tpu.memref_slice %arg5[%dma_wait3A_127, %dma_wait3A_128] : memref<819200x128xf32, #tpu.memory_space<hbm>> -> memref<200x128xf32, #tpu.memory_space<hbm>>
    tpu.wait_dma2 semaphore(%arg15 : memref<!tpu.dma_semaphore, #tpu.memory_space<semaphore_mem>>) src(%arg9 : memref<200x128xf32, #tpu.memory_space<vmem>>) dst(%dma_wait3A_129 : memref<200x128xf32, #tpu.memory_space<hbm>>)
    return
  }
}

</mosaic_0001>

<sc_bundles>
// kernel: kernel.3.cloned.1.call-start
scs
__scs_entry_jumppad:
0x0: {  	(pc) =	sbr.rel $0x88, $3  }
0x1: {  	(tag) =	ssettag $0x0;
	lr =	simm.s32 $0x1  }
0x2: {  	[smem:$0x3F9E] =	sst lr;
	_ =	strace $0xD0000000  }
0x3: {  	_ = 	snop  }
0x4: {  	_ = 	snop  }
0x5: {  	_ = 	snop  }
0x6: {  	_ = 	snop  }
0x7: {  	_ = 	snop  }
__scs_overlays_trampoline_lowered:
0x8: {  	[smem:$0x3FAD] =	sst s0  }
0x9: {  	[smem:$0x3FAE] =	sst s1  }
0xa: {  	[smem:$0x3FAF] =	sst s2  }
0xb: {  	[smem:$0x3FB0] =	sst s3  }
0xc: {  	[smem:$0x3FB1] =	sst s4  }
0xd: {  	[smem:$0x3FB2] =	sst s5  }
0xe: {  	[smem:$0x3FB3] =	sst s6  }
0xf: {  	[smem:$0x3FB4] =	sst s7  }
0x10: {  	[smem:$0x3FB5] =	sst s8  }
0x11: {  	[smem:$0x3FB6] =	sst s9;
	s0 =	simm.s32 @!p0 $0x0  }
0x12: {  	s1 =	sld [smem:$0x3F9C];
	s0 =	simm.s32 @p0 $0x1  }
0x13: {  	[smem:$0x3FB7] =	sst s0;
	s0 =	simm.s32 @!p1 $0x0  }
0x14: {  	s2 =	sld [smem:$0x3F9B];
	s0 =	simm.s32 @p1 $0x1  }
0x15: {  	[smem:$0x3FB8] =	sst s0;
	s0 =	simm.s32 @!p2 $0x0  }
0x16: {  	s3 =	sld [smem:$0x3FDB];
	s0 =	simm.s32 @p2 $0x1  }
0x17: {  	s4 =	simm.s32 $0x1BF5;
	[smem:$0x3FBA] =	sst s0  }
0x18: {  	s0 =	sld [smem:$0x3F9D];
	_ =	swait.ge [sflag:s4], $0x0  }
0x19: {  	s7 =	sld [smem:$0x3F9E]  }
0x1a: {  	s8 =	sadd.s32 $0xFFFFE003, lr  }
0x1b: {  	s9 =	sadd.s32 $0xFFFFFEF7, lr;
	s5 =	simm.s32 $0xFFFFFFFF;
	p2 =	slt.u32 s8, $0xFFFFF086  }
0x1c: {  	p1 =	slt.u32 s9, $0xF7A;
	s5 =	simm.s32 @!p2 $0x0  }
0x1d: {  	s5 =	simm.s32 @p1 $0x1;
	p0 =	seq.s32 s7, s2  }
0x1e: {  	s7 =	smul.u32 @!p0 $0xF7A, s2;
	p2 =	seq.s32 @!p0 s5, $0x0  }
0x1f: {  	s9 =	smul.u32 $0xF7A, s1;
	s8 =	simm.s32 @!p0 $0x1BF5;
	p2 =	por !p2, p0  }
0x20: {  	[sflag:s8] =	ssyncset.s32 @!p0 $0xFFFFF086;
	s6 =	sadd.s32 @!p0 s3, s7;
	s7 =	simm.s32 @!p0 $0x108  }
0x21: {  	s3 =	sadd.s32 s3, s9;
	s6 =	sadd.s32 @!p0 $0x88, s6;
	s7 =	simm.s32 @p2 $0x1082  }
0x22: {  	[simem:s7], [sflag:s8] =	dma.local @!p0 [hbm:s6], $0xF7A  }
0x23: {  	s9 =	sor.u32 $0xD0000000, s2;
	s6 =	simm.s32 $0x108;
	_ =	swait.ge @!p0 [sflag:s8], $0x0  }
0x24: {  	s3 =	sadd.s32 $0x88, s3;
	s6 =	simm.s32 @!p1 $0x1082;
	[sflag:s4] =	ssyncset.s32 $0xFFFFF086  }
0x25: {  	[simem:s6], [sflag:s4] =	dma.local [hbm:s3], $0xF7A  }
0x26: {  	[smem:$0x3F9E] =	sst s1;
	(tag) =	ssettag s2;
	_ =	strace s9  }
0x27: {  	s1 =	sld [smem:$0x3FAE]  }
0x28: {  	s2 =	sld [smem:$0x3FAF]  }
0x29: {  	s4 =	sld [smem:$0x3FB1]  }
0x2a: {  	p0 =	seq.s32 s5, $0x0;
	s5 =	sld [smem:$0x3FB2]  }
0x2b: {  	s6 =	sld [smem:$0x3FB3]  }
0x2c: {  	s7 =	sld [smem:$0x3FB4]  }
0x2d: {  	s3 =	simm.s32 $0x108;
	s8 =	sld [smem:$0x3FB5]  }
0x2e: {  	s3 =	simm.s32 @!p0 $0x1082;
	s9 =	sld [smem:$0x3FB6]  }
0x2f: {  	lr =	sadd.s32 s0, s3;
	s0 =	sld [smem:$0x3FAD]  }
0x30: {  	s3 =	sld [smem:$0x3FB0]  }
0x31: {  	[smem:$0x3FB9] =	sst s10  }
0x32: {  	s10 =	sld [smem:$0x3FB7];
	_ =	sdelay $0x3  }
0x33: {  	p0 =	seq.s32 s10, $0x1;
	s10 =	sld [smem:$0x3FB9];
	_ =	sdelay $0x3  }
0x34: {  	[smem:$0x3FB9] =	sst s10  }
0x35: {  	s10 =	sld [smem:$0x3FB8];
	_ =	sdelay $0x3  }
0x36: {  	p1 =	seq.s32 s10, $0x1;
	s10 =	sld [smem:$0x3FB9];
	_ =	sdelay $0x3  }
0x37: {  	[smem:$0x3FB9] =	sst s10  }
0x38: {  	s10 =	sld [smem:$0x3FBA]  }
0x39: {  	_ = 	snop;
	(pc) =	sbr.ind lr, $3  }
0x3a: {  	_ = 	snop  }
0x3b: {  	_ = 	snop  }
0x3c: {  	p2 =	seq.s32 s10, $0x1;
	s10 =	sld [smem:$0x3FB9]  }
0x3d: {  	_ =	shalt  }
0x3e: {  	_ =	shalt  }
0x3f: {  	_ =	shalt  }
0x40: {  	_ =	shalt  }
0x41: {  	_ =	shalt  }
0x42: {  	_ =	shalt  }
0x43: {  	_ =	shalt  }
0x44: {  	_ =	shalt  }
0x45: {  	_ =	shalt  }
0x46: {  	_ =	shalt  }
0x47: {  	_ =	shalt  }
0x48: {  	_ =	shalt  }
0x49: {  	_ =	shalt  }
0x4a: {  	_ =	shalt  }
0x4b: {  	_ =	shalt  }
0x4c: {  	_ =	shalt  }
0x4d: {  	_ =	shalt  }
0x4e: {  	_ =	shalt  }
0x4f: {  	_ =	shalt  }
0x50: {  	_ =	shalt  }
0x51: {  	_ =	shalt  }
0x52: {  	_ =	shalt  }
0x53: {  	_ =	shalt  }
0x54: {  	_ =	shalt  }
0x55: {  	_ =	shalt  }
0x56: {  	_ =	shalt  }
0x57: {  	_ =	shalt  }
0x58: {  	_ =	shalt  }
0x59: {  	_ =	shalt  }
0x5a: {  	_ =	shalt  }
0x5b: {  	_ =	shalt  }
0x5c: {  	_ =	shalt  }
0x5d: {  	_ =	shalt  }
0x5e: {  	_ =	shalt  }
0x5f: {  	_ =	shalt  }
0x60: {  	_ =	shalt  }
0x61: {  	_ =	shalt  }
0x62: {  	_ =	shalt  }
0x63: {  	_ =	shalt  }
0x64: {  	_ =	shalt  }
0x65: {  	_ =	shalt  }
0x66: {  	_ =	shalt  }
0x67: {  	_ =	shalt  }
0x68: {  	_ =	shalt  }
0x69: {  	_ =	shalt  }
0x6a: {  	_ =	shalt  }
0x6b: {  	_ =	shalt  }
0x6c: {  	_ =	shalt  }
0x6d: {  	_ =	shalt  }
0x6e: {  	_ =	shalt  }
0x6f: {  	_ =	shalt  }
0x70: {  	_ =	shalt  }
0x71: {  	_ =	shalt  }
0x72: {  	_ =	shalt  }
0x73: {  	_ =	shalt  }
0x74: {  	_ =	shalt  }
0x75: {  	_ =	shalt  }
0x76: {  	_ =	shalt  }
0x77: {  	_ =	shalt  }
0x78: {  	_ =	shalt  }
0x79: {  	_ =	shalt  }
0x7a: {  	_ =	shalt  }
0x7b: {  	_ =	shalt  }
0x7c: {  	_ =	shalt  }
0x7d: {  	_ =	shalt  }
0x7e: {  	_ =	shalt  }
0x7f: {  	_ =	shalt  }
0x80: {  	_ =	shalt  }
0x81: {  	_ =	shalt  }
0x82: {  	_ =	shalt  }
0x83: {  	_ =	shalt  }
0x84: {  	_ =	shalt  }
0x85: {  	_ =	shalt  }
0x86: {  	_ =	shalt  }
0x87: {  	_ =	shalt  }
.Lfunc_end0:
.L_simem_size_0:
called_computation_lowered:
.L_overlay_start_0:
0x88: {  	s2 =	sld [smem:$0x3FD9]  }
0x89: {  	s3 =	sld [smem:$0x3FFE];
	_ =	sdelay $0x1  }
0x8a: {  	s1 =	srdreg.scid  }
0x8b: {  	s0 =	sand.u32 $0x1, s1  }
0x8c: {  	s17 =	sshll.u32 s0, $0xA;
	s2 =	sadd.s32 s3, s2  }
0x8d: {  	s2 =	sadd.s32 s2, s17  }
0x8e: {  	[smem:$0x3FC5] =	sst s2  }
0x8f: {  	_ = 	snop  }
0x90: {  	s2 =	sld [smem:$0x3FC8]  }
0x91: {  	s18 =	sld [smem:$0x3FC7]  }
0x92: {  	s4 =	sld [smem:$0x3FD0];
	(tm) =	ssettm $0x1  }
0x93: {  	s5 =	sld [smem:$0x3FFB];
	_ =	sdelay $0x3  }
0x94: {  	_ =	strace s5  }
0x95: {  	s5 =	sld [smem:$0x3FFC];
	_ =	sdelay $0x3  }
0x96: {  	_ =	strace s5  }
0x97: {  	s5 =	sld [smem:$0x3FFD];
	_ =	sdelay $0x3  }
0x98: {  	_ =	strace s5  }
0x99: {  	_ =	strace $0x8FFFFFFF  }
0x9a: {  	s19 =	sld [smem:$0x3FDB];
	_ =	sdelay $0x1  }
0x9b: {  	s6 =	simm.s32 $_scs_section_size  }
0x9c: {  	s7 =	simm.s32 $_size__tile_overlayer_lowered;
	s8 =	simm.s32 $_tile_overlayer_lowered  }
0x9d: {  	s22 =	simm.s32 $0x1BFF;
	s21 =	sshll.u32 s8, $0x1;
	s5 =	sadd.s32 s6, s19  }
0x9e: {  	s9 =	simm.s32 $0x0;
	s20 =	sshll.u32 s7, $0x1;
	s7 =	sadd.s32 s21, s5  }
0x9f: {  	[timem:s9], [sflag:s22] =	dma.local [hbm:s7], s20  }
0xa0: {  	_ =	swait.ge [sflag:s22], s20  }
0xa1: {  	s6 =	ssub.s32 $0x0, s20;
	[sflag:s22] =	ssyncset.done $0x0  }
0xa2: {  	[sflag:s22] =	ssyncadd.s32 s6;
	_ =	sdelay $0x1  }
0xa3: {  	s23 =	simm.s32 $0x1B8B  }
0xa4: {  	_ =	swait.ge [sflag:s23], $0x1  }
0xa5: {  	[sflag:s23] =	ssyncset.done $0x0  }
0xa6: {  	s25 =	simm.s32 $0x1B8E;
	s24 =	sld [smem:$0x3FFE];
	[sflag:s23] =	ssyncadd.s32 $0xFFFFFFFF  }
0xa7: {  	s26 =	simm.s32 $execute0_lowered;
	[smem:$0x3FD2] =	sst s25  }
0xa8: {  	s7 =	sshll.u32 s26, $0x1;
	_ =	strace $0x80000046;
	[dreg:$0x1] =	wrdreg $0xFFFFFFFF  }
0xa9: {  	s28 =	simm.s32 $_size_execute0_lowered;
	s5 =	sadd.s32 s5, s7;
	[dreg:$0x0] =	wrdreg $0x0  }
0xaa: {  	s7 =	sshll.u32 s28, $0x1;
	[dreg:$0x2] =	wrdreg s5  }
0xab: {  	[dreg:$0x3] =	wrdreg s7  }
0xac: {  	[dreg:$0x4] =	wrdreg $0xC0  }
0xad: {  	_ =	task [dreg:s9], $0x5FFFF  }
0xae: {  	[dreg:$0x1] =	wrdreg $0xFFFFFFFF  }
0xaf: {  	[dreg:$0x0] =	wrdreg $0x60  }
0xb0: {  	[dreg:$0x2] =	wrdreg s2  }
0xb1: {  	[dreg:$0x3] =	wrdreg s24  }
0xb2: {  	[dreg:$0x4] =	wrdreg s18  }
0xb3: {  	[dreg:$0x5] =	wrdreg s4  }
0xb4: {  	[dreg:$0x6] =	wrdreg $0x9  }
0xb5: {  	_ =	task.clear_ibuf [dreg:s9], $0x7FFFF;
	_ =	strace $0x90000046  }
0xb6: {  	s29 =	simm.s32 $0x9;
	_ =	strace $0x80000048  }
0xb7: {  	_ =	swait.ge [sflag:s29], $0x1  }
0xb8: {  	[sflag:s29] =	ssyncadd.s32 $0xFFFFFFFF  }
0xb9: {  	_ =	strace $0x90000048  }
0xba: {  	_ =	sfence  }
0xbb: {  	s30 =	sld [smem:$0x0];
	_ =	sdelay $0x2  }
0xbc: {  	s31 =	sshll.u32 s1, $0xD;
	s1 =	sshrl.u32 s1, $0x2  }
0xbd: {  	s3 =	sand.u32 $0x4000, s31;
	s1 =	sadd.s32 s1, s30  }
0xbe: {  	s0 =	sor.u32 s3, s0;
	s1 =	sshll.u32 s1, $0x11  }
0xbf: {  	s0 =	sor.u32 s1, s0  }
0xc0: {  	s0 =	sadd.s32 $0x8F2B, s0  }
0xc1: {  	[sflag:s0] =	ssyncadd.remote.s32 $0x1  }
0xc2: {  	_ =	sfence.sel $0xFFFF  }
0xc3: {  	[dreg:$0x0] =	wrdreg $0xFFFFFFFF;
	(pc) =	sbr.abs _section_cstart, $3  }
0xc4: {  	[dreg:$0x1] =	wrdreg $0xFFFFFFFF  }
0xc5: {  	_ =	task.clear_ibuf [dreg:s9], $0x2FFFF;
	_ =	strace $0x9FFFFFFF  }
0xc6: {  	(tm) =	ssettm $0x7FFFFFFF  }
0xc7: {  	_ =	shalt  }
tec
execute0_lowered:
.L_overlay_start_1:
0x0: {  	(tag) =	ssettag $0x1  }
0x1: {  	s1 =	rddreg [dreg:$0x0]  }
0x2: {  	s0 =	rddreg [dreg:$0x1];
	s2 =	srdreg.scid  }
0x3: {  	s3 =	stileid.u32;
	s4 =	rddreg [dreg:$0x3];
	s5 =	simm.s32 $0x0  }
0x4: {  	s13 =	simm.s32 $0x7;
	s14 =	simm.s32 $0x80;
	s15 =	simm.s32 $0xC800  }
0x5: {  	s16 =	simm.s32 $0x48;
	s17 =	simm.s32 $0x10800;
	s19 =	simm.s32 $0x12C00  }
0x6: {  	s21 =	simm.s32 $0x16C00;
	s22 =	simm.s32 $0x1;
	s24 =	simm.s32 $0x19000  }
0x7: {  	s26 =	simm.s32 $0x1D000;
	s2 =	sand.u32 $0x1, s2;
	s3 =	sshll.u32 s3, $0x1  }
0x8: {  	s28 =	simm.s32 $0x2;
	s29 =	simm.s32 $0x4;
	s3 =	sor.u32 s2, s3  }
0x9: {  	s30 =	simm.s32 $0x3;
	s2 =	ssub.s32 $0x2, s2;
	s6 =	smul.u32 $0xC80, s3  }
0xa: {  	[smem:$0x7FF] =	sst s5;
	s7 =	sshrl.u32 s2, $0x1;
	s8 =	smul.u32 $0x64000, s3  }
0xb: {  	s31 =	simm.s32 $0x5;
	_ =	strace $0x80000047;
	s2 =	ssub.s32 s2, s7  }
0xc: {  	s0 =	sadd.s32 s6, s0;
	s7 =	sadd.s32 s4, s8;
	s8 =	sshll.u32 s3, $0x7  }
0xd: {  	s11 =	smax.u32 s2, $0x1;
	s2 =	simm.s32 $0x6;
	s6 =	sadd.s32 $0x400, s0  }
0xe: {  	s9 =	sadd.s32 $0xC80, s7;
	s10 =	sor.u32 $0x2, s8;
	s0 =	simm.s32 $0x0  }
.LBB2_1:
0xf: {  	s3 =	rddreg [dreg:$0x2];
	s12 =	simm.s32 $0x6400  }
0x10: {  	[tilespmem:s12], [sflag:$0x7] =	stream.linear.gather [hbm4b:s3+s5], $0x6400, $0x38;
	[tilespmem:$0x1F400] =	vst v63  }
0x11: {  	_ =	swait.ge [sflag:s13], $0x6400  }
0x12: {  	[sflag:s13] =	ssyncset.done $0x0  }
0x13: {  	[sflag:s13] =	ssyncadd.s32 $0xFFFF9C00  }
0x14: {  	[tilespmem:s5], [sflag:$0x7] =	stream.linear.gather [hbm4b:s6+s5], $0x6400, $0x38;
	[tilespmem:$0x1F400] =	vst v63  }
0x15: {  	_ =	swait.ge [sflag:s13], $0x6400  }
0x16: {  	[sflag:s13] =	ssyncset.done $0x0  }
0x17: {  	[sflag:s13] =	ssyncadd.s32 $0xFFFF9C00  }
0x18: {  	[tilespmem:s15], [sflag:$0x1] =	stream.indirect.gather [hbm4b:s1+s14], $0x80, s5, s14, $0xb8;
	[tilespmem:$0x1F400] =	vst v63  }
0x19: {  	_ = 	snop  }
0x1a: {  	[tilespmem:s17], [sflag:$0x1] =	stream.indirect.gather [hbm4b:s1+s16], $0x80, s14, s16, $0xb8;
	[tilespmem:$0x1F400] =	vst v63  }
0x1b: {  	s23 =	simm.s32 $0xC8  }
0x1c: {  	[tilespmem:s19], [sflag:$0x2] =	stream.indirect.gather [hbm4b:s1+s14], $0x80, s23, s14, $0xb8;
	[tilespmem:$0x1F400] =	vst v63  }
0x1d: {  	s25 =	simm.s32 $0x148  }
0x1e: {  	[tilespmem:s21], [sflag:$0x2] =	stream.indirect.gather [hbm4b:s1+s16], $0x80, s25, s16, $0xb8;
	[tilespmem:$0x1F400] =	vst v63  }
0x1f: {  	_ =	swait.ge [sflag:s22], $0x4000  }
0x20: {  	[sflag:s22] =	ssyncset.done $0x0  }
0x21: {  	[sflag:s22] =	ssyncadd.s32 $0xFFFFC000  }
0x22: {  	_ =	swait.ge [sflag:s22], $0x2400  }
0x23: {  	[sflag:s22] =	ssyncset.done $0x0  }
0x24: {  	s3 =	simm.s32 $0x0;
	s12 =	simm.s32 $0x800;
	[sflag:s22] =	ssyncadd.s32 $0xFFFFDC00  }
.LBB2_2:
0x25: {  	p0 =	sne.s32 s12, $0x18800;
	v0 =	vld [tilespmem:s3+$0x65F0]  }
0x26: {  	v1 =	vld [tilespmem:s3+$0x6400]  }
0x27: {  	v2 =	vld [tilespmem:s3+$0x6410]  }
0x28: {  	v3 =	vld [tilespmem:s3+$0x6420]  }
0x29: {  	v4 =	vld [tilespmem:s3+$0x6430]  }
0x2a: {  	[tilespmem:s3+$0xC9F0] =	vst.add.f32.msk $0xffff, v0  }
0x2b: {  	v0 =	vld [tilespmem:s3+$0x6440]  }
0x2c: {  	v5 =	vld [tilespmem:s3+$0x6450]  }
0x2d: {  	v6 =	vld [tilespmem:s3+$0x6460]  }
0x2e: {  	v7 =	vld [tilespmem:s3+$0x6470]  }
0x2f: {  	v8 =	vld [tilespmem:s3+$0x6480]  }
0x30: {  	v9 =	vld [tilespmem:s3+$0x6490]  }
0x31: {  	v10 =	vld [tilespmem:s3+$0x64A0]  }
0x32: {  	v11 =	vld [tilespmem:s3+$0x64B0]  }
0x33: {  	v12 =	vld [tilespmem:s3+$0x64C0]  }
0x34: {  	v13 =	vld [tilespmem:s3+$0x64D0]  }
0x35: {  	v14 =	vld [tilespmem:s3+$0x64E0]  }
0x36: {  	v15 =	vld [tilespmem:s3+$0x64F0]  }
0x37: {  	v16 =	vld [tilespmem:s3+$0x6500]  }
0x38: {  	v17 =	vld [tilespmem:s3+$0x6510]  }
0x39: {  	v18 =	vld [tilespmem:s3+$0x6520]  }
0x3a: {  	v19 =	vld [tilespmem:s3+$0x6530]  }
0x3b: {  	v20 =	vld [tilespmem:s3+$0x6540]  }
0x3c: {  	v21 =	vld [tilespmem:s3+$0x6550]  }
0x3d: {  	v22 =	vld [tilespmem:s3+$0x6560]  }
0x3e: {  	v23 =	vld [tilespmem:s3+$0x6570]  }
0x3f: {  	v24 =	vld [tilespmem:s3+$0x6580]  }
0x40: {  	v25 =	vld [tilespmem:s3+$0x6590]  }
0x41: {  	v26 =	vld [tilespmem:s3+$0x65A0]  }
0x42: {  	v27 =	vld [tilespmem:s3+$0x65B0]  }
0x43: {  	v28 =	vld [tilespmem:s3+$0x65C0]  }
0x44: {  	v29 =	vld [tilespmem:s3+$0x65D0]  }
0x45: {  	v30 =	vld [tilespmem:s3+$0x65E0]  }
0x46: {  	[tilespmem:s3+$0xC800] =	vst.add.f32.msk $0xffff, v1  }
0x47: {  	[tilespmem:s3+$0xC810] =	vst.add.f32.msk $0xffff, v2  }
0x48: {  	[tilespmem:s3+$0xC820] =	vst.add.f32.msk $0xffff, v3  }
0x49: {  	[tilespmem:s3+$0xC830] =	vst.add.f32.msk $0xffff, v4  }
0x4a: {  	[tilespmem:s3+$0xC840] =	vst.add.f32.msk $0xffff, v0  }
0x4b: {  	[tilespmem:s3+$0xC850] =	vst.add.f32.msk $0xffff, v5  }
0x4c: {  	[tilespmem:s3+$0xC860] =	vst.add.f32.msk $0xffff, v6  }
0x4d: {  	[tilespmem:s3+$0xC870] =	vst.add.f32.msk $0xffff, v7  }
0x4e: {  	[tilespmem:s3+$0xC880] =	vst.add.f32.msk $0xffff, v8  }
0x4f: {  	[tilespmem:s3+$0xC890] =	vst.add.f32.msk $0xffff, v9  }
0x50: {  	[tilespmem:s3+$0xC8A0] =	vst.add.f32.msk $0xffff, v10  }
0x51: {  	[tilespmem:s3+$0xC8B0] =	vst.add.f32.msk $0xffff, v11  }
0x52: {  	[tilespmem:s3+$0xC8C0] =	vst.add.f32.msk $0xffff, v12  }
0x53: {  	[tilespmem:s3+$0xC8D0] =	vst.add.f32.msk $0xffff, v13  }
0x54: {  	[tilespmem:s3+$0xC8E0] =	vst.add.f32.msk $0xffff, v14  }
0x55: {  	[tilespmem:s3+$0xC8F0] =	vst.add.f32.msk $0xffff, v15  }
0x56: {  	[tilespmem:s3+$0xC900] =	vst.add.f32.msk $0xffff, v16  }
0x57: {  	[tilespmem:s3+$0xC910] =	vst.add.f32.msk $0xffff, v17  }
0x58: {  	[tilespmem:s3+$0xC920] =	vst.add.f32.msk $0xffff, v18  }
0x59: {  	[tilespmem:s3+$0xC930] =	vst.add.f32.msk $0xffff, v19  }
0x5a: {  	[tilespmem:s3+$0xC940] =	vst.add.f32.msk $0xffff, v20  }
0x5b: {  	[tilespmem:s3+$0xC950] =	vst.add.f32.msk $0xffff, v21  }
0x5c: {  	[tilespmem:s3+$0xC960] =	vst.add.f32.msk $0xffff, v22  }
0x5d: {  	[tilespmem:s3+$0xC970] =	vst.add.f32.msk $0xffff, v23  }
0x5e: {  	[tilespmem:s3+$0xC980] =	vst.add.f32.msk $0xffff, v24  }
0x5f: {  	[tilespmem:s3+$0xC990] =	vst.add.f32.msk $0xffff, v25  }
.Ltmp0:
0x60: {  	[tilespmem:s3+$0xC9A0] =	vst.add.f32.msk $0xffff, v26;
	(pc) =	sbr.rel @p0 .LBB2_2-.Ltmp0, $4  }
0x61: {  	[tilespmem:s3+$0xC9B0] =	vst.add.f32.msk $0xffff, v27  }
0x62: {  	[tilespmem:s3+$0xC9C0] =	vst.add.f32.msk $0xffff, v28  }
0x63: {  	[tilespmem:s3+$0xC9D0] =	vst.add.f32.msk $0xffff, v29  }
0x64: {  	[tilespmem:s3+$0xC9E0] =	vst.add.f32.msk $0xffff, v30;
	s3 =	sshra.s32 s12, $0x2;
	s12 =	sadd.s32 $0x800, s12  }
0x65: {  	v0 =	vld [tilespmem:s3+$0x65F0]  }
0x66: {  	v1 =	vld [tilespmem:s3+$0x6400]  }
0x67: {  	v2 =	vld [tilespmem:s3+$0x6410]  }
0x68: {  	v3 =	vld [tilespmem:s3+$0x6420]  }
0x69: {  	v4 =	vld [tilespmem:s3+$0x6430]  }
0x6a: {  	v63 =	vld [tilespmem:s3+$0x6440]  }
0x6b: {  	v5 =	vld [tilespmem:s3+$0x6450]  }
0x6c: {  	v6 =	vld [tilespmem:s3+$0x6460]  }
0x6d: {  	v7 =	vld [tilespmem:s3+$0x6470]  }
0x6e: {  	v8 =	vld [tilespmem:s3+$0x6480]  }
0x6f: {  	v9 =	vld [tilespmem:s3+$0x6490]  }
0x70: {  	v10 =	vld [tilespmem:s3+$0x64A0]  }
0x71: {  	v11 =	vld [tilespmem:s3+$0x64B0]  }
0x72: {  	v12 =	vld [tilespmem:s3+$0x64C0]  }
0x73: {  	v13 =	vld [tilespmem:s3+$0x64D0]  }
0x74: {  	v14 =	vld [tilespmem:s3+$0x64E0]  }
0x75: {  	v15 =	vld [tilespmem:s3+$0x64F0]  }
0x76: {  	v16 =	vld [tilespmem:s3+$0x6500]  }
0x77: {  	v17 =	vld [tilespmem:s3+$0x6510]  }
0x78: {  	v18 =	vld [tilespmem:s3+$0x6520]  }
0x79: {  	v19 =	vld [tilespmem:s3+$0x6530]  }
0x7a: {  	v20 =	vld [tilespmem:s3+$0x6540]  }
0x7b: {  	v21 =	vld [tilespmem:s3+$0x6550]  }
0x7c: {  	v22 =	vld [tilespmem:s3+$0x6560]  }
0x7d: {  	v23 =	vld [tilespmem:s3+$0x6570]  }
0x7e: {  	v24 =	vld [tilespmem:s3+$0x6580]  }
0x7f: {  	v25 =	vld [tilespmem:s3+$0x6590]  }
0x80: {  	v26 =	vld [tilespmem:s3+$0x65A0]  }
0x81: {  	v27 =	vld [tilespmem:s3+$0x65B0]  }
0x82: {  	v28 =	vld [tilespmem:s3+$0x65C0]  }
0x83: {  	v29 =	vld [tilespmem:s3+$0x65D0]  }
0x84: {  	v30 =	vld [tilespmem:s3+$0x65E0]  }
0x85: {  	[tilespmem:s3+$0xC9F0] =	vst.add.f32.msk $0xffff, v0  }
0x86: {  	[tilespmem:s3+$0xC800] =	vst.add.f32.msk $0xffff, v1  }
0x87: {  	[tilespmem:s3+$0xC810] =	vst.add.f32.msk $0xffff, v2  }
0x88: {  	[tilespmem:s3+$0xC820] =	vst.add.f32.msk $0xffff, v3  }
0x89: {  	[tilespmem:s3+$0xC830] =	vst.add.f32.msk $0xffff, v4  }
0x8a: {  	[tilespmem:s3+$0xC840] =	vst.add.f32.msk $0xffff, v63  }
0x8b: {  	[tilespmem:s3+$0xC850] =	vst.add.f32.msk $0xffff, v5  }
0x8c: {  	[tilespmem:s3+$0xC860] =	vst.add.f32.msk $0xffff, v6  }
0x8d: {  	[tilespmem:s3+$0xC870] =	vst.add.f32.msk $0xffff, v7  }
0x8e: {  	[tilespmem:s3+$0xC880] =	vst.add.f32.msk $0xffff, v8  }
0x8f: {  	[tilespmem:s3+$0xC890] =	vst.add.f32.msk $0xffff, v9  }
0x90: {  	[tilespmem:s3+$0xC8A0] =	vst.add.f32.msk $0xffff, v10  }
0x91: {  	[tilespmem:s3+$0xC8B0] =	vst.add.f32.msk $0xffff, v11  }
0x92: {  	[tilespmem:s3+$0xC8C0] =	vst.add.f32.msk $0xffff, v12  }
0x93: {  	[tilespmem:s3+$0xC8D0] =	vst.add.f32.msk $0xffff, v13  }
0x94: {  	[tilespmem:s3+$0xC8E0] =	vst.add.f32.msk $0xffff, v14  }
0x95: {  	[tilespmem:s3+$0xC8F0] =	vst.add.f32.msk $0xffff, v15  }
0x96: {  	[tilespmem:s3+$0xC900] =	vst.add.f32.msk $0xffff, v16  }
0x97: {  	[tilespmem:s3+$0xC910] =	vst.add.f32.msk $0xffff, v17  }
0x98: {  	[tilespmem:s3+$0xC920] =	vst.add.f32.msk $0xffff, v18  }
0x99: {  	[tilespmem:s3+$0xC930] =	vst.add.f32.msk $0xffff, v19  }
0x9a: {  	[tilespmem:s3+$0xC940] =	vst.add.f32.msk $0xffff, v20  }
0x9b: {  	[tilespmem:s3+$0xC950] =	vst.add.f32.msk $0xffff, v21  }
0x9c: {  	[tilespmem:s3+$0xC960] =	vst.add.f32.msk $0xffff, v22  }
0x9d: {  	[tilespmem:s3+$0xC970] =	vst.add.f32.msk $0xffff, v23  }
0x9e: {  	[tilespmem:s3+$0xC980] =	vst.add.f32.msk $0xffff, v24  }
0x9f: {  	[tilespmem:s3+$0xC990] =	vst.add.f32.msk $0xffff, v25  }
0xa0: {  	[tilespmem:s3+$0xC9A0] =	vst.add.f32.msk $0xffff, v26  }
0xa1: {  	[tilespmem:s3+$0xC9B0] =	vst.add.f32.msk $0xffff, v27  }
0xa2: {  	[tilespmem:s3+$0xC9C0] =	vst.add.f32.msk $0xffff, v28  }
0xa3: {  	[tilespmem:s3+$0xC9D0] =	vst.add.f32.msk $0xffff, v29  }
0xa4: {  	s20 =	simm.s32 $0x0;
	[tilespmem:s3+$0xC9E0] =	vst.add.f32.msk $0xffff, v30  }
0xa5: {  	[hbm4b:s7+s20] =	stream.linear.scatter [tilespmem:s15], [sflag:$0x4], $0x6400, $0x38;
	[tilespmem:$0x1F400] =	vst v63  }
0xa6: {  	s23 =	simm.s32 $0x190  }
0xa7: {  	[tilespmem:s24], [sflag:$0x3] =	stream.indirect.gather [hbm4b:s1+s14], $0x80, s23, s14, $0xb8;
	[tilespmem:$0x1F400] =	vst v63  }
0xa8: {  	s25 =	simm.s32 $0x210  }
0xa9: {  	[tilespmem:s26], [sflag:$0x3] =	stream.indirect.gather [hbm4b:s1+s16], $0x80, s25, s16, $0xb8;
	[tilespmem:$0x1F400] =	vst v63  }
0xaa: {  	_ =	swait.ge [sflag:s28], $0x4000  }
0xab: {  	[sflag:s28] =	ssyncset.done $0x0  }
0xac: {  	[sflag:s28] =	ssyncadd.s32 $0xFFFFC000  }
0xad: {  	_ =	swait.ge [sflag:s28], $0x2400  }
0xae: {  	[sflag:s28] =	ssyncset.done $0x0  }
0xaf: {  	s12 =	simm.s32 $0x800;
	s3 =	simm.s32 $0x0;
	[sflag:s28] =	ssyncadd.s32 $0xFFFFDC00  }
.LBB2_4:
0xb0: {  	p0 =	sne.s32 s12, $0x18800;
	v0 =	vld [tilespmem:s3+$0x65F0]  }
0xb1: {  	v1 =	vld [tilespmem:s3+$0x6400]  }
0xb2: {  	v2 =	vld [tilespmem:s3+$0x6410]  }
0xb3: {  	v3 =	vld [tilespmem:s3+$0x6420]  }
0xb4: {  	v4 =	vld [tilespmem:s3+$0x6430]  }
0xb5: {  	[tilespmem:s3+$0x12DF0] =	vst.add.f32.msk $0xffff, v0  }
0xb6: {  	v0 =	vld [tilespmem:s3+$0x6440]  }
0xb7: {  	v5 =	vld [tilespmem:s3+$0x6450]  }
0xb8: {  	v6 =	vld [tilespmem:s3+$0x6460]  }
0xb9: {  	v7 =	vld [tilespmem:s3+$0x6470]  }
0xba: {  	v8 =	vld [tilespmem:s3+$0x6480]  }
0xbb: {  	v9 =	vld [tilespmem:s3+$0x6490]  }
0xbc: {  	v10 =	vld [tilespmem:s3+$0x64A0]  }
0xbd: {  	v11 =	vld [tilespmem:s3+$0x64B0]  }
0xbe: {  	v12 =	vld [tilespmem:s3+$0x64C0]  }
0xbf: {  	v13 =	vld [tilespmem:s3+$0x64D0]  }
0xc0: {  	v14 =	vld [tilespmem:s3+$0x64E0]  }
0xc1: {  	v15 =	vld [tilespmem:s3+$0x64F0]  }
0xc2: {  	v16 =	vld [tilespmem:s3+$0x6500]  }
0xc3: {  	v17 =	vld [tilespmem:s3+$0x6510]  }
0xc4: {  	v18 =	vld [tilespmem:s3+$0x6520]  }
0xc5: {  	v19 =	vld [tilespmem:s3+$0x6530]  }
0xc6: {  	v20 =	vld [tilespmem:s3+$0x6540]  }
0xc7: {  	v21 =	vld [tilespmem:s3+$0x6550]  }
0xc8: {  	v22 =	vld [tilespmem:s3+$0x6560]  }
0xc9: {  	v23 =	vld [tilespmem:s3+$0x6570]  }
0xca: {  	v24 =	vld [tilespmem:s3+$0x6580]  }
0xcb: {  	v25 =	vld [tilespmem:s3+$0x6590]  }
0xcc: {  	v26 =	vld [tilespmem:s3+$0x65A0]  }
0xcd: {  	v27 =	vld [tilespmem:s3+$0x65B0]  }
0xce: {  	v28 =	vld [tilespmem:s3+$0x65C0]  }
0xcf: {  	v29 =	vld [tilespmem:s3+$0x65D0]  }
0xd0: {  	v30 =	vld [tilespmem:s3+$0x65E0]  }
0xd1: {  	[tilespmem:s3+$0x12C00] =	vst.add.f32.msk $0xffff, v1  }
0xd2: {  	[tilespmem:s3+$0x12C10] =	vst.add.f32.msk $0xffff, v2  }
0xd3: {  	[tilespmem:s3+$0x12C20] =	vst.add.f32.msk $0xffff, v3  }
0xd4: {  	[tilespmem:s3+$0x12C30] =	vst.add.f32.msk $0xffff, v4  }
0xd5: {  	[tilespmem:s3+$0x12C40] =	vst.add.f32.msk $0xffff, v0  }
0xd6: {  	[tilespmem:s3+$0x12C50] =	vst.add.f32.msk $0xffff, v5  }
0xd7: {  	[tilespmem:s3+$0x12C60] =	vst.add.f32.msk $0xffff, v6  }
0xd8: {  	[tilespmem:s3+$0x12C70] =	vst.add.f32.msk $0xffff, v7  }
0xd9: {  	[tilespmem:s3+$0x12C80] =	vst.add.f32.msk $0xffff, v8  }
0xda: {  	[tilespmem:s3+$0x12C90] =	vst.add.f32.msk $0xffff, v9  }
0xdb: {  	[tilespmem:s3+$0x12CA0] =	vst.add.f32.msk $0xffff, v10  }
0xdc: {  	[tilespmem:s3+$0x12CB0] =	vst.add.f32.msk $0xffff, v11  }
0xdd: {  	[tilespmem:s3+$0x12CC0] =	vst.add.f32.msk $0xffff, v12  }
0xde: {  	[tilespmem:s3+$0x12CD0] =	vst.add.f32.msk $0xffff, v13  }
0xdf: {  	[tilespmem:s3+$0x12CE0] =	vst.add.f32.msk $0xffff, v14  }
0xe0: {  	[tilespmem:s3+$0x12CF0] =	vst.add.f32.msk $0xffff, v15  }
0xe1: {  	[tilespmem:s3+$0x12D00] =	vst.add.f32.msk $0xffff, v16  }
0xe2: {  	[tilespmem:s3+$0x12D10] =	vst.add.f32.msk $0xffff, v17  }
0xe3: {  	[tilespmem:s3+$0x12D20] =	vst.add.f32.msk $0xffff, v18  }
0xe4: {  	[tilespmem:s3+$0x12D30] =	vst.add.f32.msk $0xffff, v19  }
0xe5: {  	[tilespmem:s3+$0x12D40] =	vst.add.f32.msk $0xffff, v20  }
0xe6: {  	[tilespmem:s3+$0x12D50] =	vst.add.f32.msk $0xffff, v21  }
0xe7: {  	[tilespmem:s3+$0x12D60] =	vst.add.f32.msk $0xffff, v22  }
0xe8: {  	[tilespmem:s3+$0x12D70] =	vst.add.f32.msk $0xffff, v23  }
0xe9: {  	[tilespmem:s3+$0x12D80] =	vst.add.f32.msk $0xffff, v24  }
0xea: {  	[tilespmem:s3+$0x12D90] =	vst.add.f32.msk $0xffff, v25  }
.Ltmp1:
0xeb: {  	[tilespmem:s3+$0x12DA0] =	vst.add.f32.msk $0xffff, v26;
	(pc) =	sbr.rel @p0 .LBB2_4-.Ltmp1, $4  }
0xec: {  	[tilespmem:s3+$0x12DB0] =	vst.add.f32.msk $0xffff, v27  }
0xed: {  	[tilespmem:s3+$0x12DC0] =	vst.add.f32.msk $0xffff, v28  }
0xee: {  	[tilespmem:s3+$0x12DD0] =	vst.add.f32.msk $0xffff, v29  }
0xef: {  	[tilespmem:s3+$0x12DE0] =	vst.add.f32.msk $0xffff, v30;
	s3 =	sshra.s32 s12, $0x2;
	s12 =	sadd.s32 $0x800, s12  }
0xf0: {  	v0 =	vld [tilespmem:s3+$0x65F0]  }
0xf1: {  	v1 =	vld [tilespmem:s3+$0x6400]  }
0xf2: {  	v2 =	vld [tilespmem:s3+$0x6410]  }
0xf3: {  	v3 =	vld [tilespmem:s3+$0x6420]  }
0xf4: {  	v4 =	vld [tilespmem:s3+$0x6430]  }
0xf5: {  	v63 =	vld [tilespmem:s3+$0x6440]  }
0xf6: {  	v5 =	vld [tilespmem:s3+$0x6450]  }
0xf7: {  	v6 =	vld [tilespmem:s3+$0x6460]  }
0xf8: {  	v7 =	vld [tilespmem:s3+$0x6470]  }
0xf9: {  	v8 =	vld [tilespmem:s3+$0x6480]  }
0xfa: {  	v9 =	vld [tilespmem:s3+$0x6490]  }
0xfb: {  	v10 =	vld [tilespmem:s3+$0x64A0]  }
0xfc: {  	v11 =	vld [tilespmem:s3+$0x64B0]  }
0xfd: {  	v12 =	vld [tilespmem:s3+$0x64C0]  }
0xfe: {  	v13 =	vld [tilespmem:s3+$0x64D0]  }
0xff: {  	v14 =	vld [tilespmem:s3+$0x64E0]  }
0x100: {  	v15 =	vld [tilespmem:s3+$0x64F0]  }
0x101: {  	v16 =	vld [tilespmem:s3+$0x6500]  }
0x102: {  	v17 =	vld [tilespmem:s3+$0x6510]  }
0x103: {  	v18 =	vld [tilespmem:s3+$0x6520]  }
0x104: {  	v19 =	vld [tilespmem:s3+$0x6530]  }
0x105: {  	v20 =	vld [tilespmem:s3+$0x6540]  }
0x106: {  	v21 =	vld [tilespmem:s3+$0x6550]  }
0x107: {  	v22 =	vld [tilespmem:s3+$0x6560]  }
0x108: {  	v23 =	vld [tilespmem:s3+$0x6570]  }
0x109: {  	v24 =	vld [tilespmem:s3+$0x6580]  }
0x10a: {  	v25 =	vld [tilespmem:s3+$0x6590]  }
0x10b: {  	v26 =	vld [tilespmem:s3+$0x65A0]  }
0x10c: {  	v27 =	vld [tilespmem:s3+$0x65B0]  }
0x10d: {  	v28 =	vld [tilespmem:s3+$0x65C0]  }
0x10e: {  	v29 =	vld [tilespmem:s3+$0x65D0]  }
0x10f: {  	v30 =	vld [tilespmem:s3+$0x65E0]  }
0x110: {  	[tilespmem:s3+$0x12DF0] =	vst.add.f32.msk $0xffff, v0  }
0x111: {  	[tilespmem:s3+$0x12C00] =	vst.add.f32.msk $0xffff, v1  }
0x112: {  	[tilespmem:s3+$0x12C10] =	vst.add.f32.msk $0xffff, v2  }
0x113: {  	[tilespmem:s3+$0x12C20] =	vst.add.f32.msk $0xffff, v3  }
0x114: {  	[tilespmem:s3+$0x12C30] =	vst.add.f32.msk $0xffff, v4  }
0x115: {  	[tilespmem:s3+$0x12C40] =	vst.add.f32.msk $0xffff, v63  }
0x116: {  	[tilespmem:s3+$0x12C50] =	vst.add.f32.msk $0xffff, v5  }
0x117: {  	[tilespmem:s3+$0x12C60] =	vst.add.f32.msk $0xffff, v6  }
0x118: {  	[tilespmem:s3+$0x12C70] =	vst.add.f32.msk $0xffff, v7  }
0x119: {  	[tilespmem:s3+$0x12C80] =	vst.add.f32.msk $0xffff, v8  }
0x11a: {  	[tilespmem:s3+$0x12C90] =	vst.add.f32.msk $0xffff, v9  }
0x11b: {  	[tilespmem:s3+$0x12CA0] =	vst.add.f32.msk $0xffff, v10  }
0x11c: {  	[tilespmem:s3+$0x12CB0] =	vst.add.f32.msk $0xffff, v11  }
0x11d: {  	[tilespmem:s3+$0x12CC0] =	vst.add.f32.msk $0xffff, v12  }
0x11e: {  	[tilespmem:s3+$0x12CD0] =	vst.add.f32.msk $0xffff, v13  }
0x11f: {  	[tilespmem:s3+$0x12CE0] =	vst.add.f32.msk $0xffff, v14  }
0x120: {  	[tilespmem:s3+$0x12CF0] =	vst.add.f32.msk $0xffff, v15  }
0x121: {  	[tilespmem:s3+$0x12D00] =	vst.add.f32.msk $0xffff, v16  }
0x122: {  	[tilespmem:s3+$0x12D10] =	vst.add.f32.msk $0xffff, v17  }
0x123: {  	[tilespmem:s3+$0x12D20] =	vst.add.f32.msk $0xffff, v18  }
0x124: {  	[tilespmem:s3+$0x12D30] =	vst.add.f32.msk $0xffff, v19  }
0x125: {  	[tilespmem:s3+$0x12D40] =	vst.add.f32.msk $0xffff, v20  }
0x126: {  	[tilespmem:s3+$0x12D50] =	vst.add.f32.msk $0xffff, v21  }
0x127: {  	[tilespmem:s3+$0x12D60] =	vst.add.f32.msk $0xffff, v22  }
0x128: {  	[tilespmem:s3+$0x12D70] =	vst.add.f32.msk $0xffff, v23  }
0x129: {  	[tilespmem:s3+$0x12D80] =	vst.add.f32.msk $0xffff, v24  }
0x12a: {  	[tilespmem:s3+$0x12D90] =	vst.add.f32.msk $0xffff, v25  }
0x12b: {  	[tilespmem:s3+$0x12DA0] =	vst.add.f32.msk $0xffff, v26  }
0x12c: {  	[tilespmem:s3+$0x12DB0] =	vst.add.f32.msk $0xffff, v27  }
0x12d: {  	[tilespmem:s3+$0x12DC0] =	vst.add.f32.msk $0xffff, v28  }
0x12e: {  	[tilespmem:s3+$0x12DD0] =	vst.add.f32.msk $0xffff, v29  }
0x12f: {  	[tilespmem:s3+$0x12DE0] =	vst.add.f32.msk $0xffff, v30;
	s3 =	simm.s32 $0x0  }
0x130: {  	[hbm4b:s9+s3] =	stream.linear.scatter [tilespmem:s19], [sflag:$0x5], $0x6400, $0x38;
	[tilespmem:$0x1F400] =	vst v63  }
.LBB2_6:
0x131: {  	s12 =	smul.u32 $0x3, s3;
	_ =	sdelay $0x1  }
0x132: {  	s18 =	sadd.s32 $0x3, s12  }
0x133: {  	_ =	swait.ge [sflag:s29], $0x6400;
	s20 =	smul.u32 $0x320, s18  }
0x134: {  	[sflag:s29] =	ssyncset.done $0x0  }
0x135: {  	[sflag:s29] =	ssyncadd.s32 $0xFFFF9C00;
	s20 =	sshra.s32 s20, $0x2  }
0x136: {  	[tilespmem:s15], [sflag:$0x1] =	stream.indirect.gather [hbm4b:s1+s14], $0x80, s20, s14, $0xb8;
	[tilespmem:$0x1F400] =	vst v63  }
0x137: {  	s20 =	sadd.s32 $0x80, s20  }
0x138: {  	[tilespmem:s17], [sflag:$0x1] =	stream.indirect.gather [hbm4b:s1+s16], $0x80, s20, s16, $0xb8;
	[tilespmem:$0x1F400] =	vst v63  }
0x139: {  	_ =	swait.ge [sflag:s30], $0x4000  }
0x13a: {  	[sflag:s30] =	ssyncset.done $0x0  }
0x13b: {  	[sflag:s30] =	ssyncadd.s32 $0xFFFFC000  }
0x13c: {  	_ =	swait.ge [sflag:s30], $0x2400  }
0x13d: {  	[sflag:s30] =	ssyncset.done $0x0  }
0x13e: {  	s23 =	simm.s32 $0x800;
	s20 =	simm.s32 $0x0;
	[sflag:s30] =	ssyncadd.s32 $0xFFFFDC00  }
.LBB2_7:
0x13f: {  	p0 =	sne.s32 s23, $0x18800;
	v0 =	vld [tilespmem:s20+$0x65F0]  }
0x140: {  	v1 =	vld [tilespmem:s20+$0x6400]  }
0x141: {  	v2 =	vld [tilespmem:s20+$0x6410]  }
0x142: {  	v3 =	vld [tilespmem:s20+$0x6420]  }
0x143: {  	v4 =	vld [tilespmem:s20+$0x6430]  }
0x144: {  	[tilespmem:s20+$0x191F0] =	vst.add.f32.msk $0xffff, v0  }
0x145: {  	v0 =	vld [tilespmem:s20+$0x6440]  }
0x146: {  	v5 =	vld [tilespmem:s20+$0x6450]  }
0x147: {  	v6 =	vld [tilespmem:s20+$0x6460]  }
0x148: {  	v7 =	vld [tilespmem:s20+$0x6470]  }
0x149: {  	v8 =	vld [tilespmem:s20+$0x6480]  }
0x14a: {  	v9 =	vld [tilespmem:s20+$0x6490]  }
0x14b: {  	v10 =	vld [tilespmem:s20+$0x64A0]  }
0x14c: {  	v11 =	vld [tilespmem:s20+$0x64B0]  }
0x14d: {  	v12 =	vld [tilespmem:s20+$0x64C0]  }
0x14e: {  	v13 =	vld [tilespmem:s20+$0x64D0]  }
0x14f: {  	v14 =	vld [tilespmem:s20+$0x64E0]  }
0x150: {  	v15 =	vld [tilespmem:s20+$0x64F0]  }
0x151: {  	v16 =	vld [tilespmem:s20+$0x6500]  }
0x152: {  	v17 =	vld [tilespmem:s20+$0x6510]  }
0x153: {  	v18 =	vld [tilespmem:s20+$0x6520]  }
0x154: {  	v19 =	vld [tilespmem:s20+$0x6530]  }
0x155: {  	v20 =	vld [tilespmem:s20+$0x6540]  }
0x156: {  	v21 =	vld [tilespmem:s20+$0x6550]  }
0x157: {  	v22 =	vld [tilespmem:s20+$0x6560]  }
0x158: {  	v23 =	vld [tilespmem:s20+$0x6570]  }
0x159: {  	v24 =	vld [tilespmem:s20+$0x6580]  }
0x15a: {  	v25 =	vld [tilespmem:s20+$0x6590]  }
0x15b: {  	v26 =	vld [tilespmem:s20+$0x65A0]  }
0x15c: {  	v27 =	vld [tilespmem:s20+$0x65B0]  }
0x15d: {  	v28 =	vld [tilespmem:s20+$0x65C0]  }
0x15e: {  	v29 =	vld [tilespmem:s20+$0x65D0]  }
0x15f: {  	v30 =	vld [tilespmem:s20+$0x65E0]  }
0x160: {  	[tilespmem:s20+$0x19000] =	vst.add.f32.msk $0xffff, v1  }
0x161: {  	[tilespmem:s20+$0x19010] =	vst.add.f32.msk $0xffff, v2  }
0x162: {  	[tilespmem:s20+$0x19020] =	vst.add.f32.msk $0xffff, v3  }
0x163: {  	[tilespmem:s20+$0x19030] =	vst.add.f32.msk $0xffff, v4  }
0x164: {  	[tilespmem:s20+$0x19040] =	vst.add.f32.msk $0xffff, v0  }
0x165: {  	[tilespmem:s20+$0x19050] =	vst.add.f32.msk $0xffff, v5  }
0x166: {  	[tilespmem:s20+$0x19060] =	vst.add.f32.msk $0xffff, v6  }
0x167: {  	[tilespmem:s20+$0x19070] =	vst.add.f32.msk $0xffff, v7  }
0x168: {  	[tilespmem:s20+$0x19080] =	vst.add.f32.msk $0xffff, v8  }
0x169: {  	[tilespmem:s20+$0x19090] =	vst.add.f32.msk $0xffff, v9  }
0x16a: {  	[tilespmem:s20+$0x190A0] =	vst.add.f32.msk $0xffff, v10  }
0x16b: {  	[tilespmem:s20+$0x190B0] =	vst.add.f32.msk $0xffff, v11  }
0x16c: {  	[tilespmem:s20+$0x190C0] =	vst.add.f32.msk $0xffff, v12  }
0x16d: {  	[tilespmem:s20+$0x190D0] =	vst.add.f32.msk $0xffff, v13  }
0x16e: {  	[tilespmem:s20+$0x190E0] =	vst.add.f32.msk $0xffff, v14  }
0x16f: {  	[tilespmem:s20+$0x190F0] =	vst.add.f32.msk $0xffff, v15  }
0x170: {  	[tilespmem:s20+$0x19100] =	vst.add.f32.msk $0xffff, v16  }
0x171: {  	[tilespmem:s20+$0x19110] =	vst.add.f32.msk $0xffff, v17  }
0x172: {  	[tilespmem:s20+$0x19120] =	vst.add.f32.msk $0xffff, v18  }
0x173: {  	[tilespmem:s20+$0x19130] =	vst.add.f32.msk $0xffff, v19  }
0x174: {  	[tilespmem:s20+$0x19140] =	vst.add.f32.msk $0xffff, v20  }
0x175: {  	[tilespmem:s20+$0x19150] =	vst.add.f32.msk $0xffff, v21  }
0x176: {  	[tilespmem:s20+$0x19160] =	vst.add.f32.msk $0xffff, v22  }
0x177: {  	[tilespmem:s20+$0x19170] =	vst.add.f32.msk $0xffff, v23  }
0x178: {  	[tilespmem:s20+$0x19180] =	vst.add.f32.msk $0xffff, v24  }
0x179: {  	[tilespmem:s20+$0x19190] =	vst.add.f32.msk $0xffff, v25  }
.Ltmp2:
0x17a: {  	[tilespmem:s20+$0x191A0] =	vst.add.f32.msk $0xffff, v26;
	(pc) =	sbr.rel @p0 .LBB2_7-.Ltmp2, $4  }
0x17b: {  	[tilespmem:s20+$0x191B0] =	vst.add.f32.msk $0xffff, v27  }
0x17c: {  	[tilespmem:s20+$0x191C0] =	vst.add.f32.msk $0xffff, v28  }
0x17d: {  	[tilespmem:s20+$0x191D0] =	vst.add.f32.msk $0xffff, v29  }
0x17e: {  	[tilespmem:s20+$0x191E0] =	vst.add.f32.msk $0xffff, v30;
	s20 =	sshra.s32 s23, $0x2;
	s23 =	sadd.s32 $0x800, s23  }
0x17f: {  	v0 =	vld [tilespmem:s20+$0x65F0]  }
0x180: {  	v1 =	vld [tilespmem:s20+$0x6400]  }
0x181: {  	v2 =	vld [tilespmem:s20+$0x6410]  }
0x182: {  	v3 =	vld [tilespmem:s20+$0x6420]  }
0x183: {  	v4 =	vld [tilespmem:s20+$0x6430]  }
0x184: {  	v63 =	vld [tilespmem:s20+$0x6440]  }
0x185: {  	v5 =	vld [tilespmem:s20+$0x6450]  }
0x186: {  	v6 =	vld [tilespmem:s20+$0x6460]  }
0x187: {  	v7 =	vld [tilespmem:s20+$0x6470]  }
0x188: {  	v8 =	vld [tilespmem:s20+$0x6480]  }
0x189: {  	v9 =	vld [tilespmem:s20+$0x6490]  }
0x18a: {  	v10 =	vld [tilespmem:s20+$0x64A0]  }
0x18b: {  	v11 =	vld [tilespmem:s20+$0x64B0]  }
0x18c: {  	v12 =	vld [tilespmem:s20+$0x64C0]  }
0x18d: {  	v13 =	vld [tilespmem:s20+$0x64D0]  }
0x18e: {  	v14 =	vld [tilespmem:s20+$0x64E0]  }
0x18f: {  	v15 =	vld [tilespmem:s20+$0x64F0]  }
0x190: {  	v16 =	vld [tilespmem:s20+$0x6500]  }
0x191: {  	v17 =	vld [tilespmem:s20+$0x6510]  }
0x192: {  	v18 =	vld [tilespmem:s20+$0x6520]  }
0x193: {  	v19 =	vld [tilespmem:s20+$0x6530]  }
0x194: {  	v20 =	vld [tilespmem:s20+$0x6540]  }
0x195: {  	v21 =	vld [tilespmem:s20+$0x6550]  }
0x196: {  	v22 =	vld [tilespmem:s20+$0x6560]  }
0x197: {  	v23 =	vld [tilespmem:s20+$0x6570]  }
0x198: {  	v24 =	vld [tilespmem:s20+$0x6580]  }
0x199: {  	v25 =	vld [tilespmem:s20+$0x6590]  }
0x19a: {  	v26 =	vld [tilespmem:s20+$0x65A0]  }
0x19b: {  	v27 =	vld [tilespmem:s20+$0x65B0]  }
0x19c: {  	v28 =	vld [tilespmem:s20+$0x65C0]  }
0x19d: {  	v29 =	vld [tilespmem:s20+$0x65D0]  }
0x19e: {  	v30 =	vld [tilespmem:s20+$0x65E0]  }
0x19f: {  	[tilespmem:s20+$0x191F0] =	vst.add.f32.msk $0xffff, v0  }
0x1a0: {  	[tilespmem:s20+$0x19000] =	vst.add.f32.msk $0xffff, v1  }
0x1a1: {  	[tilespmem:s20+$0x19010] =	vst.add.f32.msk $0xffff, v2  }
0x1a2: {  	[tilespmem:s20+$0x19020] =	vst.add.f32.msk $0xffff, v3  }
0x1a3: {  	[tilespmem:s20+$0x19030] =	vst.add.f32.msk $0xffff, v4  }
0x1a4: {  	[tilespmem:s20+$0x19040] =	vst.add.f32.msk $0xffff, v63  }
0x1a5: {  	[tilespmem:s20+$0x19050] =	vst.add.f32.msk $0xffff, v5  }
0x1a6: {  	[tilespmem:s20+$0x19060] =	vst.add.f32.msk $0xffff, v6  }
0x1a7: {  	[tilespmem:s20+$0x19070] =	vst.add.f32.msk $0xffff, v7  }
0x1a8: {  	[tilespmem:s20+$0x19080] =	vst.add.f32.msk $0xffff, v8  }
0x1a9: {  	[tilespmem:s20+$0x19090] =	vst.add.f32.msk $0xffff, v9  }
0x1aa: {  	[tilespmem:s20+$0x190A0] =	vst.add.f32.msk $0xffff, v10  }
0x1ab: {  	[tilespmem:s20+$0x190B0] =	vst.add.f32.msk $0xffff, v11  }
0x1ac: {  	[tilespmem:s20+$0x190C0] =	vst.add.f32.msk $0xffff, v12  }
0x1ad: {  	[tilespmem:s20+$0x190D0] =	vst.add.f32.msk $0xffff, v13  }
0x1ae: {  	[tilespmem:s20+$0x190E0] =	vst.add.f32.msk $0xffff, v14  }
0x1af: {  	[tilespmem:s20+$0x190F0] =	vst.add.f32.msk $0xffff, v15  }
0x1b0: {  	[tilespmem:s20+$0x19100] =	vst.add.f32.msk $0xffff, v16  }
0x1b1: {  	[tilespmem:s20+$0x19110] =	vst.add.f32.msk $0xffff, v17  }
0x1b2: {  	[tilespmem:s20+$0x19120] =	vst.add.f32.msk $0xffff, v18  }
0x1b3: {  	[tilespmem:s20+$0x19130] =	vst.add.f32.msk $0xffff, v19  }
0x1b4: {  	[tilespmem:s20+$0x19140] =	vst.add.f32.msk $0xffff, v20  }
0x1b5: {  	[tilespmem:s20+$0x19150] =	vst.add.f32.msk $0xffff, v21  }
0x1b6: {  	[tilespmem:s20+$0x19160] =	vst.add.f32.msk $0xffff, v22  }
0x1b7: {  	[tilespmem:s20+$0x19170] =	vst.add.f32.msk $0xffff, v23  }
0x1b8: {  	[tilespmem:s20+$0x19180] =	vst.add.f32.msk $0xffff, v24  }
0x1b9: {  	[tilespmem:s20+$0x19190] =	vst.add.f32.msk $0xffff, v25  }
0x1ba: {  	[tilespmem:s20+$0x191A0] =	vst.add.f32.msk $0xffff, v26  }
0x1bb: {  	s23 =	sadd.s32 s12, s10;
	[tilespmem:s20+$0x191B0] =	vst.add.f32.msk $0xffff, v27  }
0x1bc: {  	s23 =	smul.u32 $0xC80, s23;
	[tilespmem:s20+$0x191C0] =	vst.add.f32.msk $0xffff, v28  }
0x1bd: {  	[tilespmem:s20+$0x191D0] =	vst.add.f32.msk $0xffff, v29  }
0x1be: {  	s25 =	simm.s32 $0x0;
	s12 =	sadd.s32 $0x4, s12;
	s23 =	sadd.s32 s4, s23;
	[tilespmem:s20+$0x191E0] =	vst.add.f32.msk $0xffff, v30  }
0x1bf: {  	[hbm4b:s23+s25] =	stream.linear.scatter [tilespmem:s24], [sflag:$0x6], $0x6400, $0x38;
	[tilespmem:$0x1F400] =	vst v63  }
0x1c0: {  	s25 =	smul.u32 $0x320, s12;
	_ =	swait.ge [sflag:s31], $0x6400  }
0x1c1: {  	[sflag:s31] =	ssyncset.done $0x0  }
0x1c2: {  	s20 =	sshra.s32 s25, $0x2;
	[sflag:s31] =	ssyncadd.s32 $0xFFFF9C00  }
0x1c3: {  	[tilespmem:s19], [sflag:$0x2] =	stream.indirect.gather [hbm4b:s1+s14], $0x80, s20, s14, $0xb8;
	[tilespmem:$0x1F400] =	vst v63  }
0x1c4: {  	s20 =	sadd.s32 $0x80, s20  }
0x1c5: {  	[tilespmem:s21], [sflag:$0x2] =	stream.indirect.gather [hbm4b:s1+s16], $0x80, s20, s16, $0xb8;
	[tilespmem:$0x1F400] =	vst v63  }
0x1c6: {  	_ =	swait.ge [sflag:s22], $0x4000  }
0x1c7: {  	[sflag:s22] =	ssyncset.done $0x0  }
0x1c8: {  	[sflag:s22] =	ssyncadd.s32 $0xFFFFC000  }
0x1c9: {  	_ =	swait.ge [sflag:s22], $0x2400  }
0x1ca: {  	[sflag:s22] =	ssyncset.done $0x0  }
0x1cb: {  	s23 =	simm.s32 $0x800;
	s20 =	simm.s32 $0x0;
	[sflag:s22] =	ssyncadd.s32 $0xFFFFDC00  }
.LBB2_9:
0x1cc: {  	p0 =	sne.s32 s23, $0x18800;
	v0 =	vld [tilespmem:s20+$0x65F0]  }
0x1cd: {  	v1 =	vld [tilespmem:s20+$0x6400]  }
0x1ce: {  	v2 =	vld [tilespmem:s20+$0x6410]  }
0x1cf: {  	v3 =	vld [tilespmem:s20+$0x6420]  }
0x1d0: {  	v4 =	vld [tilespmem:s20+$0x6430]  }
0x1d1: {  	[tilespmem:s20+$0xC9F0] =	vst.add.f32.msk $0xffff, v0  }
0x1d2: {  	v0 =	vld [tilespmem:s20+$0x6440]  }
0x1d3: {  	v5 =	vld [tilespmem:s20+$0x6450]  }
0x1d4: {  	v6 =	vld [tilespmem:s20+$0x6460]  }
0x1d5: {  	v7 =	vld [tilespmem:s20+$0x6470]  }
0x1d6: {  	v8 =	vld [tilespmem:s20+$0x6480]  }
0x1d7: {  	v9 =	vld [tilespmem:s20+$0x6490]  }
0x1d8: {  	v10 =	vld [tilespmem:s20+$0x64A0]  }
0x1d9: {  	v11 =	vld [tilespmem:s20+$0x64B0]  }
0x1da: {  	v12 =	vld [tilespmem:s20+$0x64C0]  }
0x1db: {  	v13 =	vld [tilespmem:s20+$0x64D0]  }
0x1dc: {  	v14 =	vld [tilespmem:s20+$0x64E0]  }
0x1dd: {  	v15 =	vld [tilespmem:s20+$0x64F0]  }
0x1de: {  	v16 =	vld [tilespmem:s20+$0x6500]  }
0x1df: {  	v17 =	vld [tilespmem:s20+$0x6510]  }
0x1e0: {  	v18 =	vld [tilespmem:s20+$0x6520]  }
0x1e1: {  	v19 =	vld [tilespmem:s20+$0x6530]  }
0x1e2: {  	v20 =	vld [tilespmem:s20+$0x6540]  }
0x1e3: {  	v21 =	vld [tilespmem:s20+$0x6550]  }
0x1e4: {  	v22 =	vld [tilespmem:s20+$0x6560]  }
0x1e5: {  	v23 =	vld [tilespmem:s20+$0x6570]  }
0x1e6: {  	v24 =	vld [tilespmem:s20+$0x6580]  }
0x1e7: {  	v25 =	vld [tilespmem:s20+$0x6590]  }
0x1e8: {  	v26 =	vld [tilespmem:s20+$0x65A0]  }
0x1e9: {  	v27 =	vld [tilespmem:s20+$0x65B0]  }
0x1ea: {  	v28 =	vld [tilespmem:s20+$0x65C0]  }
0x1eb: {  	v29 =	vld [tilespmem:s20+$0x65D0]  }
0x1ec: {  	v30 =	vld [tilespmem:s20+$0x65E0]  }
0x1ed: {  	[tilespmem:s20+$0xC800] =	vst.add.f32.msk $0xffff, v1  }
0x1ee: {  	[tilespmem:s20+$0xC810] =	vst.add.f32.msk $0xffff, v2  }
0x1ef: {  	[tilespmem:s20+$0xC820] =	vst.add.f32.msk $0xffff, v3  }
0x1f0: {  	[tilespmem:s20+$0xC830] =	vst.add.f32.msk $0xffff, v4  }
0x1f1: {  	[tilespmem:s20+$0xC840] =	vst.add.f32.msk $0xffff, v0  }
0x1f2: {  	[tilespmem:s20+$0xC850] =	vst.add.f32.msk $0xffff, v5  }
0x1f3: {  	[tilespmem:s20+$0xC860] =	vst.add.f32.msk $0xffff, v6  }
0x1f4: {  	[tilespmem:s20+$0xC870] =	vst.add.f32.msk $0xffff, v7  }
0x1f5: {  	[tilespmem:s20+$0xC880] =	vst.add.f32.msk $0xffff, v8  }
0x1f6: {  	[tilespmem:s20+$0xC890] =	vst.add.f32.msk $0xffff, v9  }
0x1f7: {  	[tilespmem:s20+$0xC8A0] =	vst.add.f32.msk $0xffff, v10  }
0x1f8: {  	[tilespmem:s20+$0xC8B0] =	vst.add.f32.msk $0xffff, v11  }
0x1f9: {  	[tilespmem:s20+$0xC8C0] =	vst.add.f32.msk $0xffff, v12  }
0x1fa: {  	[tilespmem:s20+$0xC8D0] =	vst.add.f32.msk $0xffff, v13  }
0x1fb: {  	[tilespmem:s20+$0xC8E0] =	vst.add.f32.msk $0xffff, v14  }
0x1fc: {  	[tilespmem:s20+$0xC8F0] =	vst.add.f32.msk $0xffff, v15  }
0x1fd: {  	[tilespmem:s20+$0xC900] =	vst.add.f32.msk $0xffff, v16  }
0x1fe: {  	[tilespmem:s20+$0xC910] =	vst.add.f32.msk $0xffff, v17  }
0x1ff: {  	[tilespmem:s20+$0xC920] =	vst.add.f32.msk $0xffff, v18  }
0x200: {  	[tilespmem:s20+$0xC930] =	vst.add.f32.msk $0xffff, v19  }
0x201: {  	[tilespmem:s20+$0xC940] =	vst.add.f32.msk $0xffff, v20  }
0x202: {  	[tilespmem:s20+$0xC950] =	vst.add.f32.msk $0xffff, v21  }
0x203: {  	[tilespmem:s20+$0xC960] =	vst.add.f32.msk $0xffff, v22  }
0x204: {  	[tilespmem:s20+$0xC970] =	vst.add.f32.msk $0xffff, v23  }
0x205: {  	[tilespmem:s20+$0xC980] =	vst.add.f32.msk $0xffff, v24  }
0x206: {  	[tilespmem:s20+$0xC990] =	vst.add.f32.msk $0xffff, v25  }
.Ltmp3:
0x207: {  	[tilespmem:s20+$0xC9A0] =	vst.add.f32.msk $0xffff, v26;
	(pc) =	sbr.rel @p0 .LBB2_9-.Ltmp3, $4  }
0x208: {  	[tilespmem:s20+$0xC9B0] =	vst.add.f32.msk $0xffff, v27  }
0x209: {  	[tilespmem:s20+$0xC9C0] =	vst.add.f32.msk $0xffff, v28  }
0x20a: {  	[tilespmem:s20+$0xC9D0] =	vst.add.f32.msk $0xffff, v29  }
0x20b: {  	[tilespmem:s20+$0xC9E0] =	vst.add.f32.msk $0xffff, v30;
	s20 =	sshra.s32 s23, $0x2;
	s23 =	sadd.s32 $0x800, s23  }
0x20c: {  	v0 =	vld [tilespmem:s20+$0x65F0]  }
0x20d: {  	v1 =	vld [tilespmem:s20+$0x6400]  }
0x20e: {  	v2 =	vld [tilespmem:s20+$0x6410]  }
0x20f: {  	v3 =	vld [tilespmem:s20+$0x6420]  }
0x210: {  	v4 =	vld [tilespmem:s20+$0x6430]  }
0x211: {  	v63 =	vld [tilespmem:s20+$0x6440]  }
0x212: {  	v5 =	vld [tilespmem:s20+$0x6450]  }
0x213: {  	v6 =	vld [tilespmem:s20+$0x6460]  }
0x214: {  	v7 =	vld [tilespmem:s20+$0x6470]  }
0x215: {  	v8 =	vld [tilespmem:s20+$0x6480]  }
0x216: {  	v9 =	vld [tilespmem:s20+$0x6490]  }
0x217: {  	v10 =	vld [tilespmem:s20+$0x64A0]  }
0x218: {  	v11 =	vld [tilespmem:s20+$0x64B0]  }
0x219: {  	v12 =	vld [tilespmem:s20+$0x64C0]  }
0x21a: {  	v13 =	vld [tilespmem:s20+$0x64D0]  }
0x21b: {  	v14 =	vld [tilespmem:s20+$0x64E0]  }
0x21c: {  	v15 =	vld [tilespmem:s20+$0x64F0]  }
0x21d: {  	v16 =	vld [tilespmem:s20+$0x6500]  }
0x21e: {  	v17 =	vld [tilespmem:s20+$0x6510]  }
0x21f: {  	v18 =	vld [tilespmem:s20+$0x6520]  }
0x220: {  	v19 =	vld [tilespmem:s20+$0x6530]  }
0x221: {  	v20 =	vld [tilespmem:s20+$0x6540]  }
0x222: {  	v21 =	vld [tilespmem:s20+$0x6550]  }
0x223: {  	v22 =	vld [tilespmem:s20+$0x6560]  }
0x224: {  	v23 =	vld [tilespmem:s20+$0x6570]  }
0x225: {  	v24 =	vld [tilespmem:s20+$0x6580]  }
0x226: {  	v25 =	vld [tilespmem:s20+$0x6590]  }
0x227: {  	v26 =	vld [tilespmem:s20+$0x65A0]  }
0x228: {  	v27 =	vld [tilespmem:s20+$0x65B0]  }
0x229: {  	v28 =	vld [tilespmem:s20+$0x65C0]  }
0x22a: {  	v29 =	vld [tilespmem:s20+$0x65D0]  }
0x22b: {  	v30 =	vld [tilespmem:s20+$0x65E0]  }
0x22c: {  	[tilespmem:s20+$0xC9F0] =	vst.add.f32.msk $0xffff, v0  }
0x22d: {  	[tilespmem:s20+$0xC800] =	vst.add.f32.msk $0xffff, v1  }
0x22e: {  	[tilespmem:s20+$0xC810] =	vst.add.f32.msk $0xffff, v2  }
0x22f: {  	[tilespmem:s20+$0xC820] =	vst.add.f32.msk $0xffff, v3  }
0x230: {  	[tilespmem:s20+$0xC830] =	vst.add.f32.msk $0xffff, v4  }
0x231: {  	[tilespmem:s20+$0xC840] =	vst.add.f32.msk $0xffff, v63  }
0x232: {  	[tilespmem:s20+$0xC850] =	vst.add.f32.msk $0xffff, v5  }
0x233: {  	[tilespmem:s20+$0xC860] =	vst.add.f32.msk $0xffff, v6  }
0x234: {  	[tilespmem:s20+$0xC870] =	vst.add.f32.msk $0xffff, v7  }
0x235: {  	[tilespmem:s20+$0xC880] =	vst.add.f32.msk $0xffff, v8  }
0x236: {  	[tilespmem:s20+$0xC890] =	vst.add.f32.msk $0xffff, v9  }
0x237: {  	[tilespmem:s20+$0xC8A0] =	vst.add.f32.msk $0xffff, v10  }
0x238: {  	[tilespmem:s20+$0xC8B0] =	vst.add.f32.msk $0xffff, v11  }
0x239: {  	[tilespmem:s20+$0xC8C0] =	vst.add.f32.msk $0xffff, v12  }
0x23a: {  	[tilespmem:s20+$0xC8D0] =	vst.add.f32.msk $0xffff, v13  }
0x23b: {  	[tilespmem:s20+$0xC8E0] =	vst.add.f32.msk $0xffff, v14  }
0x23c: {  	[tilespmem:s20+$0xC8F0] =	vst.add.f32.msk $0xffff, v15  }
0x23d: {  	[tilespmem:s20+$0xC900] =	vst.add.f32.msk $0xffff, v16  }
0x23e: {  	[tilespmem:s20+$0xC910] =	vst.add.f32.msk $0xffff, v17  }
0x23f: {  	[tilespmem:s20+$0xC920] =	vst.add.f32.msk $0xffff, v18  }
0x240: {  	[tilespmem:s20+$0xC930] =	vst.add.f32.msk $0xffff, v19  }
0x241: {  	[tilespmem:s20+$0xC940] =	vst.add.f32.msk $0xffff, v20  }
0x242: {  	[tilespmem:s20+$0xC950] =	vst.add.f32.msk $0xffff, v21  }
0x243: {  	[tilespmem:s20+$0xC960] =	vst.add.f32.msk $0xffff, v22  }
0x244: {  	[tilespmem:s20+$0xC970] =	vst.add.f32.msk $0xffff, v23  }
0x245: {  	[tilespmem:s20+$0xC980] =	vst.add.f32.msk $0xffff, v24  }
0x246: {  	[tilespmem:s20+$0xC990] =	vst.add.f32.msk $0xffff, v25  }
0x247: {  	[tilespmem:s20+$0xC9A0] =	vst.add.f32.msk $0xffff, v26  }
0x248: {  	s18 =	sadd.s32 s8, s18;
	[tilespmem:s20+$0xC9B0] =	vst.add.f32.msk $0xffff, v27  }
0x249: {  	s18 =	smul.u32 $0xC80, s18;
	[tilespmem:s20+$0xC9C0] =	vst.add.f32.msk $0xffff, v28  }
0x24a: {  	[tilespmem:s20+$0xC9D0] =	vst.add.f32.msk $0xffff, v29  }
0x24b: {  	p0 =	seq.s32 s3, $0x29;
	s18 =	sadd.s32 s4, s18;
	[tilespmem:s20+$0xC9E0] =	vst.add.f32.msk $0xffff, v30  }
0x24c: {  	[hbm4b:s18+s5] =	stream.linear.scatter [tilespmem:s15], [sflag:$0x4], $0x6400, $0x38;
	[tilespmem:$0x1F400] =	vst v63  }
0x24d: {  	s18 =	smul.u32 @!p0 $0x960, s3  }
0x24e: {  	_ =	swait.ge [sflag:s2], $0x6400  }
0x24f: {  	s23 =	simm.s32 @!p0 $0x80;
	[sflag:s2] =	ssyncset.done $0x0;
	s18 =	sshra.s32 @!p0 s18, $0x2  }
0x250: {  	s25 =	simm.s32 @!p0 $0x19000;
	[sflag:s2] =	ssyncadd.s32 $0xFFFF9C00;
	s20 =	sadd.s32 @!p0 $0x3E8, s18  }
0x251: {  	[tilespmem:s25], [sflag:$0x3] =	stream.indirect.gather @!p0 [hbm4b:s1+s23], $0x80, s20, s23, $0xb8;
	[tilespmem:$0x1F400] =	vst v63  }
0x252: {  	s18 =	sadd.s32 @!p0 $0x468, s18;
	s20 =	simm.s32 @!p0 $0x48;
	s23 =	simm.s32 @!p0 $0x1D000  }
0x253: {  	[tilespmem:s23], [sflag:$0x3] =	stream.indirect.gather @!p0 [hbm4b:s1+s20], $0x80, s18, s20, $0xb8;
	[tilespmem:$0x1F400] =	vst v63  }
0x254: {  	_ =	swait.ge [sflag:s28], $0x4000  }
0x255: {  	[sflag:s28] =	ssyncset.done $0x0  }
0x256: {  	[sflag:s28] =	ssyncadd.s32 $0xFFFFC000  }
0x257: {  	_ =	swait.ge [sflag:s28], $0x2400  }
0x258: {  	[sflag:s28] =	ssyncset.done $0x0  }
0x259: {  	s18 =	simm.s32 $0x0;
	s20 =	simm.s32 $0x800;
	[sflag:s28] =	ssyncadd.s32 $0xFFFFDC00  }
.LBB2_11:
0x25a: {  	p0 =	sne.s32 s20, $0x18800;
	v0 =	vld [tilespmem:s18+$0x65F0]  }
0x25b: {  	v1 =	vld [tilespmem:s18+$0x6400]  }
0x25c: {  	v2 =	vld [tilespmem:s18+$0x6410]  }
0x25d: {  	v3 =	vld [tilespmem:s18+$0x6420]  }
0x25e: {  	v4 =	vld [tilespmem:s18+$0x6430]  }
0x25f: {  	[tilespmem:s18+$0x12DF0] =	vst.add.f32.msk $0xffff, v0  }
0x260: {  	v0 =	vld [tilespmem:s18+$0x6440]  }
0x261: {  	v5 =	vld [tilespmem:s18+$0x6450]  }
0x262: {  	v6 =	vld [tilespmem:s18+$0x6460]  }
0x263: {  	v7 =	vld [tilespmem:s18+$0x6470]  }
0x264: {  	v8 =	vld [tilespmem:s18+$0x6480]  }
0x265: {  	v9 =	vld [tilespmem:s18+$0x6490]  }
0x266: {  	v10 =	vld [tilespmem:s18+$0x64A0]  }
0x267: {  	v11 =	vld [tilespmem:s18+$0x64B0]  }
0x268: {  	v12 =	vld [tilespmem:s18+$0x64C0]  }
0x269: {  	v13 =	vld [tilespmem:s18+$0x64D0]  }
0x26a: {  	v14 =	vld [tilespmem:s18+$0x64E0]  }
0x26b: {  	v15 =	vld [tilespmem:s18+$0x64F0]  }
0x26c: {  	v16 =	vld [tilespmem:s18+$0x6500]  }
0x26d: {  	v17 =	vld [tilespmem:s18+$0x6510]  }
0x26e: {  	v18 =	vld [tilespmem:s18+$0x6520]  }
0x26f: {  	v19 =	vld [tilespmem:s18+$0x6530]  }
0x270: {  	v20 =	vld [tilespmem:s18+$0x6540]  }
0x271: {  	v21 =	vld [tilespmem:s18+$0x6550]  }
0x272: {  	v22 =	vld [tilespmem:s18+$0x6560]  }
0x273: {  	v23 =	vld [tilespmem:s18+$0x6570]  }
0x274: {  	v24 =	vld [tilespmem:s18+$0x6580]  }
0x275: {  	v25 =	vld [tilespmem:s18+$0x6590]  }
0x276: {  	v26 =	vld [tilespmem:s18+$0x65A0]  }
0x277: {  	v27 =	vld [tilespmem:s18+$0x65B0]  }
0x278: {  	v28 =	vld [tilespmem:s18+$0x65C0]  }
0x279: {  	v29 =	vld [tilespmem:s18+$0x65D0]  }
0x27a: {  	v30 =	vld [tilespmem:s18+$0x65E0]  }
0x27b: {  	[tilespmem:s18+$0x12C00] =	vst.add.f32.msk $0xffff, v1  }
0x27c: {  	[tilespmem:s18+$0x12C10] =	vst.add.f32.msk $0xffff, v2  }
0x27d: {  	[tilespmem:s18+$0x12C20] =	vst.add.f32.msk $0xffff, v3  }
0x27e: {  	[tilespmem:s18+$0x12C30] =	vst.add.f32.msk $0xffff, v4  }
0x27f: {  	[tilespmem:s18+$0x12C40] =	vst.add.f32.msk $0xffff, v0  }
0x280: {  	[tilespmem:s18+$0x12C50] =	vst.add.f32.msk $0xffff, v5  }
0x281: {  	[tilespmem:s18+$0x12C60] =	vst.add.f32.msk $0xffff, v6  }
0x282: {  	[tilespmem:s18+$0x12C70] =	vst.add.f32.msk $0xffff, v7  }
0x283: {  	[tilespmem:s18+$0x12C80] =	vst.add.f32.msk $0xffff, v8  }
0x284: {  	[tilespmem:s18+$0x12C90] =	vst.add.f32.msk $0xffff, v9  }
0x285: {  	[tilespmem:s18+$0x12CA0] =	vst.add.f32.msk $0xffff, v10  }
0x286: {  	[tilespmem:s18+$0x12CB0] =	vst.add.f32.msk $0xffff, v11  }
0x287: {  	[tilespmem:s18+$0x12CC0] =	vst.add.f32.msk $0xffff, v12  }
0x288: {  	[tilespmem:s18+$0x12CD0] =	vst.add.f32.msk $0xffff, v13  }
0x289: {  	[tilespmem:s18+$0x12CE0] =	vst.add.f32.msk $0xffff, v14  }
0x28a: {  	[tilespmem:s18+$0x12CF0] =	vst.add.f32.msk $0xffff, v15  }
0x28b: {  	[tilespmem:s18+$0x12D00] =	vst.add.f32.msk $0xffff, v16  }
0x28c: {  	[tilespmem:s18+$0x12D10] =	vst.add.f32.msk $0xffff, v17  }
0x28d: {  	[tilespmem:s18+$0x12D20] =	vst.add.f32.msk $0xffff, v18  }
0x28e: {  	[tilespmem:s18+$0x12D30] =	vst.add.f32.msk $0xffff, v19  }
0x28f: {  	[tilespmem:s18+$0x12D40] =	vst.add.f32.msk $0xffff, v20  }
0x290: {  	[tilespmem:s18+$0x12D50] =	vst.add.f32.msk $0xffff, v21  }
0x291: {  	[tilespmem:s18+$0x12D60] =	vst.add.f32.msk $0xffff, v22  }
0x292: {  	[tilespmem:s18+$0x12D70] =	vst.add.f32.msk $0xffff, v23  }
0x293: {  	[tilespmem:s18+$0x12D80] =	vst.add.f32.msk $0xffff, v24  }
0x294: {  	[tilespmem:s18+$0x12D90] =	vst.add.f32.msk $0xffff, v25  }
.Ltmp4:
0x295: {  	[tilespmem:s18+$0x12DA0] =	vst.add.f32.msk $0xffff, v26;
	(pc) =	sbr.rel @p0 .LBB2_11-.Ltmp4, $4  }
0x296: {  	[tilespmem:s18+$0x12DB0] =	vst.add.f32.msk $0xffff, v27  }
0x297: {  	[tilespmem:s18+$0x12DC0] =	vst.add.f32.msk $0xffff, v28  }
0x298: {  	[tilespmem:s18+$0x12DD0] =	vst.add.f32.msk $0xffff, v29  }
0x299: {  	[tilespmem:s18+$0x12DE0] =	vst.add.f32.msk $0xffff, v30;
	s18 =	sshra.s32 s20, $0x2;
	s20 =	sadd.s32 $0x800, s20  }
0x29a: {  	v0 =	vld [tilespmem:s18+$0x65F0]  }
0x29b: {  	v1 =	vld [tilespmem:s18+$0x6400]  }
0x29c: {  	v2 =	vld [tilespmem:s18+$0x6410]  }
0x29d: {  	v3 =	vld [tilespmem:s18+$0x6420]  }
0x29e: {  	v4 =	vld [tilespmem:s18+$0x6430]  }
0x29f: {  	v63 =	vld [tilespmem:s18+$0x6440]  }
0x2a0: {  	v5 =	vld [tilespmem:s18+$0x6450]  }
0x2a1: {  	v6 =	vld [tilespmem:s18+$0x6460]  }
0x2a2: {  	v7 =	vld [tilespmem:s18+$0x6470]  }
0x2a3: {  	v8 =	vld [tilespmem:s18+$0x6480]  }
0x2a4: {  	v9 =	vld [tilespmem:s18+$0x6490]  }
0x2a5: {  	v10 =	vld [tilespmem:s18+$0x64A0]  }
0x2a6: {  	v11 =	vld [tilespmem:s18+$0x64B0]  }
0x2a7: {  	v12 =	vld [tilespmem:s18+$0x64C0]  }
0x2a8: {  	v13 =	vld [tilespmem:s18+$0x64D0]  }
0x2a9: {  	v14 =	vld [tilespmem:s18+$0x64E0]  }
0x2aa: {  	v15 =	vld [tilespmem:s18+$0x64F0]  }
0x2ab: {  	v16 =	vld [tilespmem:s18+$0x6500]  }
0x2ac: {  	v17 =	vld [tilespmem:s18+$0x6510]  }
0x2ad: {  	v18 =	vld [tilespmem:s18+$0x6520]  }
0x2ae: {  	v19 =	vld [tilespmem:s18+$0x6530]  }
0x2af: {  	v20 =	vld [tilespmem:s18+$0x6540]  }
0x2b0: {  	v21 =	vld [tilespmem:s18+$0x6550]  }
0x2b1: {  	v22 =	vld [tilespmem:s18+$0x6560]  }
0x2b2: {  	v23 =	vld [tilespmem:s18+$0x6570]  }
0x2b3: {  	v24 =	vld [tilespmem:s18+$0x6580]  }
0x2b4: {  	v25 =	vld [tilespmem:s18+$0x6590]  }
0x2b5: {  	v26 =	vld [tilespmem:s18+$0x65A0]  }
0x2b6: {  	v27 =	vld [tilespmem:s18+$0x65B0]  }
0x2b7: {  	v28 =	vld [tilespmem:s18+$0x65C0]  }
0x2b8: {  	v29 =	vld [tilespmem:s18+$0x65D0]  }
0x2b9: {  	v30 =	vld [tilespmem:s18+$0x65E0]  }
0x2ba: {  	[tilespmem:s18+$0x12DF0] =	vst.add.f32.msk $0xffff, v0  }
0x2bb: {  	[tilespmem:s18+$0x12C00] =	vst.add.f32.msk $0xffff, v1  }
0x2bc: {  	[tilespmem:s18+$0x12C10] =	vst.add.f32.msk $0xffff, v2  }
0x2bd: {  	[tilespmem:s18+$0x12C20] =	vst.add.f32.msk $0xffff, v3  }
0x2be: {  	[tilespmem:s18+$0x12C30] =	vst.add.f32.msk $0xffff, v4  }
0x2bf: {  	[tilespmem:s18+$0x12C40] =	vst.add.f32.msk $0xffff, v63  }
0x2c0: {  	[tilespmem:s18+$0x12C50] =	vst.add.f32.msk $0xffff, v5  }
0x2c1: {  	[tilespmem:s18+$0x12C60] =	vst.add.f32.msk $0xffff, v6  }
0x2c2: {  	[tilespmem:s18+$0x12C70] =	vst.add.f32.msk $0xffff, v7  }
0x2c3: {  	[tilespmem:s18+$0x12C80] =	vst.add.f32.msk $0xffff, v8  }
0x2c4: {  	[tilespmem:s18+$0x12C90] =	vst.add.f32.msk $0xffff, v9  }
0x2c5: {  	[tilespmem:s18+$0x12CA0] =	vst.add.f32.msk $0xffff, v10  }
0x2c6: {  	[tilespmem:s18+$0x12CB0] =	vst.add.f32.msk $0xffff, v11  }
0x2c7: {  	[tilespmem:s18+$0x12CC0] =	vst.add.f32.msk $0xffff, v12  }
0x2c8: {  	[tilespmem:s18+$0x12CD0] =	vst.add.f32.msk $0xffff, v13  }
0x2c9: {  	[tilespmem:s18+$0x12CE0] =	vst.add.f32.msk $0xffff, v14  }
0x2ca: {  	[tilespmem:s18+$0x12CF0] =	vst.add.f32.msk $0xffff, v15  }
0x2cb: {  	[tilespmem:s18+$0x12D00] =	vst.add.f32.msk $0xffff, v16  }
0x2cc: {  	[tilespmem:s18+$0x12D10] =	vst.add.f32.msk $0xffff, v17  }
0x2cd: {  	[tilespmem:s18+$0x12D20] =	vst.add.f32.msk $0xffff, v18  }
0x2ce: {  	[tilespmem:s18+$0x12D30] =	vst.add.f32.msk $0xffff, v19  }
0x2cf: {  	[tilespmem:s18+$0x12D40] =	vst.add.f32.msk $0xffff, v20  }
0x2d0: {  	[tilespmem:s18+$0x12D50] =	vst.add.f32.msk $0xffff, v21  }
0x2d1: {  	[tilespmem:s18+$0x12D60] =	vst.add.f32.msk $0xffff, v22  }
0x2d2: {  	[tilespmem:s18+$0x12D70] =	vst.add.f32.msk $0xffff, v23  }
0x2d3: {  	[tilespmem:s18+$0x12D80] =	vst.add.f32.msk $0xffff, v24  }
0x2d4: {  	s3 =	sadd.s32 $0x1, s3;
	[tilespmem:s18+$0x12D90] =	vst.add.f32.msk $0xffff, v25  }
0x2d5: {  	p0 =	sne.s32 s3, $0x2A;
	[tilespmem:s18+$0x12DA0] =	vst.add.f32.msk $0xffff, v26  }
.Ltmp5:
0x2d6: {  	s12 =	sadd.s32 s8, s12;
	[tilespmem:s18+$0x12DB0] =	vst.add.f32.msk $0xffff, v27;
	(pc) =	sbr.rel @p0 .LBB2_6-.Ltmp5, $4  }
0x2d7: {  	s12 =	smul.u32 $0xC80, s12;
	[tilespmem:s18+$0x12DC0] =	vst.add.f32.msk $0xffff, v28  }
0x2d8: {  	[tilespmem:s18+$0x12DD0] =	vst.add.f32.msk $0xffff, v29  }
0x2d9: {  	s12 =	sadd.s32 s4, s12;
	[tilespmem:s18+$0x12DE0] =	vst.add.f32.msk $0xffff, v30  }
0x2da: {  	[hbm4b:s12+s5] =	stream.linear.scatter [tilespmem:s19], [sflag:$0x5], $0x6400, $0x38;
	[tilespmem:$0x1F400] =	vst v63  }
0x2db: {  	s0 =	sadd.s32 $0x1, s0  }
0x2dc: {  	_ =	swait.ge [sflag:s29], $0x6400;
	p0 =	sne.s32 s0, s11  }
.Ltmp6:
0x2dd: {  	[sflag:s29] =	ssyncset.done $0x0;
	(pc) =	sbr.rel @p0 .LBB2_1-.Ltmp6, $4  }
0x2de: {  	[sflag:s29] =	ssyncadd.s32 $0xFFFF9C00  }
0x2df: {  	_ =	swait.ge [sflag:s31], $0x6400  }
0x2e0: {  	[sflag:s31] =	ssyncset.done $0x0  }
0x2e1: {  	[sflag:s31] =	ssyncadd.s32 $0xFFFF9C00  }
0x2e2: {  	_ =	sfence.sel $0x180000  }
0x2e3: {  	[bflag:$0x0] =	sbarrier.arrive $0xFFFF  }
0x2e4: {  	_ =	strace $0x90000047  }
0x2e5: {  	s0 =	stileid.u32;
	[bflag:$0x2] =	sbarrier.arrive $0xFFFF  }
0x2e6: {  	p0 =	sne.s32 s0, $0x0;
	s0 =	rddreg [dreg:$0x4]  }
0x2e7: {  	s0 =	sadd.s32 @!p0 $0x100000, s0  }
0x2e8: {  	[sflag:s0] =	ssyncadd.tile.s32 @!p0 $0x1;
	_ =	shalt  }
.Lfunc_end2:
_tile_overlayer_lowered:
.L_overlay_start_2:
0x2e9: {  	(tag) =	ssettag $0x2  }
0x2ea: {  	s0 =	rddreg [dreg:$0x0];
	s2 =	stileid.u32  }
0x2eb: {  	s1 =	rddreg [dreg:$0x1];
	p0 =	sne.s32 s2, $0x0  }
0x2ec: {  	s3 =	rddreg [dreg:$0x2];
	[bflag:$0x3] =	sbarrier.arrive $0xFFFF;
	s2 =	simm.s32 @!p0 $0x1C07  }
0x2ed: {  	[timem:s3], [sflag:s2] =	dma.local @!p0 [hbm:s0], s1  }
0x2ee: {  	s0 =	simm.s32 @!p0 $0x7  }
0x2ef: {  	_ =	swait.ge @!p0 [sflag:s0], s1  }
0x2f0: {  	s1 =	ssub.s32 @!p0 $0x0, s1;
	[sflag:s0] =	ssyncset.done @!p0 $0x0  }
0x2f1: {  	[sflag:s0] =	ssyncadd.s32 @!p0 s1  }
0x2f2: {  	[bflag:$0x3] =	sbarrier.arrive $0xFFFF  }
0x2f3: {  	_ =	shalt  }

</sc_bundles>
